<compile_context>
chip_gen: v7x
topology: tpu7x:2x2x1
jax: 0.10.2.dev20260603
libtpu: 0.0.44.dev20260713+nightly
codegen_flags: <defaults>
</compile_context>

<pallas_src>
import dataclasses

import jax
import jax.numpy as jnp
from jax import lax
from jax.experimental import pallas as pl
from jax.experimental.pallas import tpu as pltpu
from jax.experimental.pallas import tpu_sc as plsc

N = 10000
E = 320000
D = 128
H = 128
OUT = 128

NC = 2
NS = 16
GW = 128
NG = 2560
EP = NG * GW
GPT = NG // (NC * NS)
NPAD = 10240
RB = 1000


def _sc_compiler_params():
    cp = pltpu.CompilerParams()
    if "needs_layout_passes" in pltpu.CompilerParams.__dataclass_fields__:
        cp = dataclasses.replace(cp, needs_layout_passes=False)
    return cp


def _prep_body(x_ref, wg_ref, wc_ref, as_ref, ad_ref,
               h_ref, hg_ref, u_ref, v_ref, mx_ref):
    xb = x_ref[...]
    hb = jnp.dot(xb, wg_ref[...], preferred_element_type=jnp.float32)
    h_ref[...] = hb
    hg_ref[...] = jnp.dot(xb, wc_ref[...], preferred_element_type=jnp.float32)
    ub = jnp.sum(hb * as_ref[...], axis=1)
    vb = jnp.sum(hb * ad_ref[...], axis=1)
    u_ref[...] = ub[:, None]
    v_ref[...] = vb[:, None]

    @pl.when(pl.program_id(0) == 0)
    def _():
        mx_ref[...] = jnp.full((1, 1), -1e30, jnp.float32)

    mx_ref[...] = jnp.maximum(mx_ref[...], jnp.max(ub))


def _tc_prep(x, W_gat, W_gcn, att_src, att_dst):
    return pl.pallas_call(
        _prep_body,
        grid=(N // RB,),
        in_specs=[
            pl.BlockSpec((RB, D), lambda i: (i, 0)),
            pl.BlockSpec((D, H), lambda i: (0, 0)),
            pl.BlockSpec((D, H), lambda i: (0, 0)),
            pl.BlockSpec((1, H), lambda i: (0, 0)),
            pl.BlockSpec((1, H), lambda i: (0, 0)),
        ],
        out_specs=[
            pl.BlockSpec((RB, H), lambda i: (i, 0)),
            pl.BlockSpec((RB, H), lambda i: (i, 0)),
            pl.BlockSpec((RB, 1), lambda i: (i, 0)),
            pl.BlockSpec((RB, 1), lambda i: (i, 0)),
            pl.BlockSpec((1, 1), lambda i: (0, 0)),
        ],
        out_shape=[
            jax.ShapeDtypeStruct((N, H), jnp.float32),
            jax.ShapeDtypeStruct((N, H), jnp.float32),
            jax.ShapeDtypeStruct((N, 1), jnp.float32),
            jax.ShapeDtypeStruct((N, 1), jnp.float32),
            jax.ShapeDtypeStruct((1, 1), jnp.float32),
        ],
    )(x, W_gat, W_gcn, att_src.reshape(1, H), att_dst.reshape(1, H))


def _sc_scalar_body(src_hbm, dst_hbm, u_hbm, v_hbm, mx_hbm,
                    ex_hbm, den_hbm, cnt_hbm,
                    u_tab, v_tab, mx_tab, sbuf, dbuf, exbuf, ones, zbuf,
                    den_sp, cnt_sp):
    cid = lax.axis_index("c")
    sid = lax.axis_index("s")
    wid = sid * NC + cid

    @pl.loop(0, 128)
    def _(i):
        zbuf[pl.ds(i * 16, 16)] = jnp.zeros((16,), jnp.float32)

    @pl.when(sid == 0)
    def _():
        @pl.loop(0, 5)
        def _(k):
            pltpu.sync_copy(zbuf, den_sp.at[pl.ds(k * 2048, 2048)])
            pltpu.sync_copy(zbuf, cnt_sp.at[pl.ds(k * 2048, 2048)])

    @pl.loop(0, GW // 16)
    def _(i):
        ones[pl.ds(i * 16, 16)] = jnp.full((16,), 1.0, jnp.float32)

    pltpu.sync_copy(u_hbm, u_tab)
    pltpu.sync_copy(v_hbm, v_tab)
    pltpu.sync_copy(mx_hbm, mx_tab)
    plsc.subcore_barrier()

    mx = mx_tab[...]
    row0 = wid * GPT

    @pl.loop(0, 10)
    def _(c):
        r = row0 + c * 8
        pltpu.sync_copy(src_hbm.at[pl.ds(r, 8)], sbuf)
        pltpu.sync_copy(dst_hbm.at[pl.ds(r, 8)], dbuf)

        @pl.loop(0, 8)
        def _(j):
            @pl.loop(0, GW // 16)
            def _(i):
                s16 = sbuf[j, pl.ds(i * 16, 16)]
                d16 = dbuf[j, pl.ds(i * 16, 16)]
                ug = plsc.load_gather(u_tab, [s16])
                vg = plsc.load_gather(v_tab, [d16])
                e = ug + vg
                e = jnp.where(e > 0, e, 0.2 * e)
                mp = mx + vg
                mp = jnp.where(mp > 0, mp, 0.2 * mp)
                exbuf[j, pl.ds(i * 16, 16)] = jnp.exp(e - mp)

        pltpu.sync_copy(exbuf, ex_hbm.at[pl.ds(r, 8)])

        @pl.loop(0, 8)
        def _(j):
            pltpu.sync_copy(exbuf.at[j], den_sp.at[dbuf.at[j]], add=True)
            pltpu.sync_copy(ones, cnt_sp.at[dbuf.at[j]], add=True)

    plsc.subcore_barrier()

    @pl.when(sid == 0)
    def _():
        pltpu.sync_copy(den_sp.at[pl.ds(0, NPAD)], den_hbm.at[cid])
        pltpu.sync_copy(cnt_sp.at[pl.ds(0, NPAD)], cnt_hbm.at[cid])


def _sc_scalar(src2d, dst2d, u, v, mx16):
    mesh = plsc.VectorSubcoreMesh(core_axis_name="c", subcore_axis_name="s")
    kern = pl.kernel(
        _sc_scalar_body,
        mesh=mesh,
        out_type=(
            jax.ShapeDtypeStruct((NG, GW), jnp.float32),
            jax.ShapeDtypeStruct((NC, NPAD), jnp.float32),
            jax.ShapeDtypeStruct((NC, NPAD), jnp.float32),
        ),
        scratch_types=[
            pltpu.VMEM((NPAD,), jnp.float32),
            pltpu.VMEM((NPAD,), jnp.float32),
            pltpu.VMEM((16,), jnp.float32),
            pltpu.VMEM((8, GW), jnp.int32),
            pltpu.VMEM((8, GW), jnp.int32),
            pltpu.VMEM((8, GW), jnp.float32),
            pltpu.VMEM((GW,), jnp.float32),
            pltpu.VMEM((2048,), jnp.float32),
            pltpu.VMEM_SHARED((NPAD,), jnp.float32),
            pltpu.VMEM_SHARED((NPAD,), jnp.float32),
        ],
        compiler_params=_sc_compiler_params(),
    )
    return kern(src2d, dst2d, u, v, mx16)


def _mid_body(hg_ref, cp_ref, dp_ref,
              g_ref, cnt_ref, den_ref):
    cnt = cp_ref[...][:, 0] + cp_ref[...][:, 1]
    den = dp_ref[...][:, 0] + dp_ref[...][:, 1]
    cnt_ref[...] = cnt[:, None]
    den_ref[...] = den[:, None]
    dinv = lax.rsqrt(cnt + 1.0)
    g_ref[...] = hg_ref[...] * dinv[:, None]


def _tc_mid(hg, cnt_part, den_part):
    return pl.pallas_call(
        _mid_body,
        grid=(N // RB,),
        in_specs=[
            pl.BlockSpec((RB, H), lambda i: (i, 0)),
            pl.BlockSpec((RB, NC), lambda i: (i, 0)),
            pl.BlockSpec((RB, NC), lambda i: (i, 0)),
        ],
        out_specs=[
            pl.BlockSpec((RB, H), lambda i: (i, 0)),
            pl.BlockSpec((RB, 1), lambda i: (i, 0)),
            pl.BlockSpec((RB, 1), lambda i: (i, 0)),
        ],
        out_shape=[
            jax.ShapeDtypeStruct((N, H), jnp.float32),
            jax.ShapeDtypeStruct((N, 1), jnp.float32),
            jax.ShapeDtypeStruct((N, 1), jnp.float32),
        ],
    )(hg, cnt_part, den_part)


def _sc_feat_body(h_hbm, hgp_hbm, x_hbm, src_hbm, dst_hbm, ex_hbm, z_hbm,
                  s_hbm,
                  rows0, rows1, sbuf, dbuf, exbuf, acc,
                  gsem0, gsem1, ssem0, ssem1):
    cid = lax.axis_index("c")
    sid = lax.axis_index("s")
    wid = sid * NC + cid
    row0 = wid * GPT

    def mul_rows(rows, g):
        gb = jnp.broadcast_to(g, (16,))

        @pl.loop(0, GW)
        def _(t):
            exv = plsc.load_gather(exbuf, [gb, jnp.broadcast_to(t, (16,))])
            for k in range(H // 16):
                rows[t, pl.ds(k * 16, 16)] = rows[t, pl.ds(k * 16, 16)] * exv

    for f, gq in enumerate((h_hbm, hgp_hbm, x_hbm)):
        sq = s_hbm.at[NC * f + cid]

        @pl.loop(0, 5)
        def _(k):
            pltpu.sync_copy(z_hbm, acc.at[pl.ds(sid * 640 + k * 128, 128)])

        plsc.subcore_barrier()

        @pl.loop(0, 10)
        def _(c):
            r = row0 + c * 8
            pltpu.sync_copy(src_hbm.at[pl.ds(r, 8)], sbuf)
            pltpu.sync_copy(dst_hbm.at[pl.ds(r, 8)], dbuf)
            if f == 0:
                pltpu.sync_copy(ex_hbm.at[pl.ds(r, 8)], exbuf)
            pltpu.async_copy(gq.at[sbuf.at[0]], rows0, gsem0)

            @pl.loop(0, 4)
            def _(p):
                e = 2 * p
                o = e + 1
                pltpu.make_async_copy(gq.at[sbuf.at[e]], rows0, gsem0).wait()

                @pl.when(p > 0)
                def _():
                    pltpu.make_async_copy(rows1, acc.at[dbuf.at[e - 1]],
                                          ssem1).wait()

                pltpu.async_copy(gq.at[sbuf.at[o]], rows1, gsem1)
                if f == 0:
                    mul_rows(rows0, e)
                pltpu.async_copy(rows0, acc.at[dbuf.at[e]], ssem0, add=True)
                pltpu.make_async_copy(gq.at[sbuf.at[o]], rows1, gsem1).wait()
                pltpu.make_async_copy(rows0, acc.at[dbuf.at[e]], ssem0).wait()

                @pl.when(p < 3)
                def _():
                    pltpu.async_copy(gq.at[sbuf.at[e + 2]], rows0, gsem0)

                if f == 0:
                    mul_rows(rows1, o)
                pltpu.async_copy(rows1, acc.at[dbuf.at[o]], ssem1, add=True)

            pltpu.make_async_copy(rows1, acc.at[dbuf.at[7]], ssem1).wait()

        plsc.subcore_barrier()
        pltpu.sync_copy(acc.at[pl.ds(sid * 640, 640)],
                        sq.at[pl.ds(sid * 640, 640)])
        plsc.subcore_barrier()


def _sc_feat(h, hgp, x, src2d, dst2d, ex2d, zeros):
    mesh = plsc.VectorSubcoreMesh(core_axis_name="c", subcore_axis_name="s")
    kern = pl.kernel(
        _sc_feat_body,
        mesh=mesh,
        out_type=jax.ShapeDtypeStruct((3 * NC, NPAD, H), jnp.float32),
        scratch_types=[
            pltpu.VMEM((GW, H), jnp.float32),
            pltpu.VMEM((GW, H), jnp.float32),
            pltpu.VMEM((8, GW), jnp.int32),
            pltpu.VMEM((8, GW), jnp.int32),
            pltpu.VMEM((8, GW), jnp.float32),
            pltpu.VMEM_SHARED((NPAD, H), jnp.float32),
            pltpu.SemaphoreType.DMA,
            pltpu.SemaphoreType.DMA,
            pltpu.SemaphoreType.DMA,
            pltpu.SemaphoreType.DMA,
        ],
        compiler_params=_sc_compiler_params(),
    )
    return kern(h, hgp, x, src2d, dst2d, ex2d, zeros)


def _final_body(s_ref, h_ref, hg_ref, x_ref, u_ref, v_ref, mx_ref,
                cnt_ref, den_ref,
                bgat_ref, bgcn_ref, wsl_ref, wsr_ref, bsage_ref,
                gamma_ref, beta_ref, w1_ref, b1_ref, w2_ref, b2_ref,
                w3_ref, b3_ref, out_ref):
    sgat = s_ref[0] + s_ref[1]
    sgcn = s_ref[2] + s_ref[3]
    ssag = s_ref[4] + s_ref[5]

    u = u_ref[...][:, 0]
    v = v_ref[...][:, 0]
    mx = mx_ref[...][0, 0]
    es = u + v
    es = jnp.where(es > 0, es, 0.2 * es)
    mp = mx + v
    mp = jnp.where(mp > 0, mp, 0.2 * mp)
    exs = jnp.exp(es - mp)

    den = den_ref[...][:, 0] + exs
    r = 1.0 / (den + 1e-16)
    x_gat = (sgat + exs[:, None] * h_ref[...]) * r[:, None] + bgat_ref[...]

    cnt = cnt_ref[...][:, 0]
    dinv = lax.rsqrt(cnt + 1.0)
    x_gcn = (dinv[:, None] * sgcn + (dinv * dinv)[:, None] * hg_ref[...]
             + bgcn_ref[...])

    agg = ssag / jnp.maximum(cnt, 1.0)[:, None]
    x_sage = (jnp.dot(agg, wsl_ref[...], preferred_element_type=jnp.float32)
              + bsage_ref[...]
              + jnp.dot(x_ref[...], wsr_ref[...],
                        preferred_element_type=jnp.float32))

    cat = jnp.concatenate([x_gat, x_gcn, x_sage], axis=1)
    bn = cat * gamma_ref[...] + beta_ref[...]
    h1 = jnp.dot(jnp.maximum(bn, 0.0), w1_ref[...],
                 preferred_element_type=jnp.float32) + b1_ref[...]
    h2 = jnp.dot(jnp.maximum(h1, 0.0), w2_ref[...],
                 preferred_element_type=jnp.float32) + b2_ref[...]
    out_ref[...] = jnp.dot(jnp.maximum(h2, 0.0), w3_ref[...],
                           preferred_element_type=jnp.float32) + b3_ref[...]


def _tc_final(S, h, hg, x, u, v, mx, cnt, den_e,
              b_gat, b_gcn, W_sage_l, W_sage_r, b_sage, gamma_s, beta,
              W1, b1, W2, b2, W3, b3):
    row = lambda i: (i, 0)
    full2 = lambda i: (0, 0)
    return pl.pallas_call(
        _final_body,
        grid=(N // RB,),
        in_specs=[
            pl.BlockSpec((3 * NC, RB, H), lambda i: (0, i, 0)),
            pl.BlockSpec((RB, H), row),
            pl.BlockSpec((RB, H), row),
            pl.BlockSpec((RB, D), row),
            pl.BlockSpec((RB, 1), row),
            pl.BlockSpec((RB, 1), row),
            pl.BlockSpec((1, 1), full2),
            pl.BlockSpec((RB, 1), row),
            pl.BlockSpec((RB, 1), row),
            pl.BlockSpec((1, H), full2),
            pl.BlockSpec((1, H), full2),
            pl.BlockSpec((D, H), full2),
            pl.BlockSpec((D, H), full2),
            pl.BlockSpec((1, H), full2),
            pl.BlockSpec((1, 3 * H), full2),
            pl.BlockSpec((1, 3 * H), full2),
            pl.BlockSpec((3 * H, 2 * H), full2),
            pl.BlockSpec((1, 2 * H), full2),
            pl.BlockSpec((2 * H, H), full2),
            pl.BlockSpec((1, H), full2),
            pl.BlockSpec((H, OUT), full2),
            pl.BlockSpec((1, OUT), full2),
        ],
        out_specs=pl.BlockSpec((RB, OUT), row),
        out_shape=jax.ShapeDtypeStruct((N, OUT), jnp.float32),
    )(S, h, hg, x, u, v, mx, cnt, den_e,
      b_gat.reshape(1, H), b_gcn.reshape(1, H), W_sage_l, W_sage_r,
      b_sage.reshape(1, H), gamma_s.reshape(1, 3 * H), beta.reshape(1, 3 * H),
      W1, b1.reshape(1, 2 * H), W2, b2.reshape(1, H), W3, b3.reshape(1, OUT))


def kernel(x, edge_index, W_gat, att_src, att_dst, b_gat, W_gcn, b_gcn,
           W_sage_l, W_sage_r, b_sage, gamma, beta, W1, b1, W2, b2, W3, b3):
    npad = EP - E
    pad_src = jnp.arange(npad, dtype=jnp.int32) % N
    pad_dst = N + (jnp.arange(npad, dtype=jnp.int32) % (NPAD - N))
    src2d = jnp.concatenate([edge_index[0], pad_src]).reshape(NG, GW)
    dst2d = jnp.concatenate([edge_index[1], pad_dst]).reshape(NG, GW)

    h, hg, u, v, mx = _tc_prep(x, W_gat, W_gcn, att_src, att_dst)
    mx16 = jnp.broadcast_to(mx.reshape(1), (16,))

    zpad = jnp.zeros((NPAD - N,), jnp.float32)
    ex2d, den_part, cnt_part = _sc_scalar(
        src2d, dst2d,
        jnp.concatenate([u.reshape(N), zpad]),
        jnp.concatenate([v.reshape(N), zpad]), mx16)
    hgp, cnt, den_e = _tc_mid(hg, cnt_part.T[:N], den_part.T[:N])
    S = _sc_feat(h, hgp, x, src2d, dst2d, ex2d,
                 jnp.zeros((128, H), jnp.float32))

    gamma_s = gamma * (1.0 / jnp.sqrt(1.0 + 1e-5))
    return _tc_final(S, h, hg, x, u, v, mx, cnt, den_e,
                     b_gat, b_gcn, W_sage_l, W_sage_r, b_sage, gamma_s, beta,
                     W1, b1, W2, b2, W3, b3)

# --- scband reference (transcript-rebuilt; emitter-appended) ---
"""Pipeline reference for scband-mixed-model-23957327577306 (READ-ONLY COPY).

The authoritative reference and input builder live on the scoring server;
editing this copy changes nothing except your own understanding.
"""

import jax, jax.numpy as jnp
import numpy as np

N = 10000
E = 320000
D = 128
H = 128
OUT = 128


def setup_inputs(seed: int = 0) -> dict:
    key = jax.random.key(seed)
    ks = jax.random.split(key, 12)

    def w(k, shape, fan_in):
        return jax.random.normal(k, shape, dtype=jnp.float32) * (1.0 / np.sqrt(fan_in))

    inp = {}
    inp["x"] = jax.random.normal(ks[0], (N, D), dtype=jnp.float32)
    inp["edge_index"] = jax.random.randint(ks[1], (2, E), 0, N, dtype=jnp.int32)
    inp["W_gat"] = w(ks[2], (D, H), D)
    inp["att_src"] = w(ks[3], (H,), H)
    inp["att_dst"] = w(ks[4], (H,), H)
    inp["b_gat"] = jnp.zeros((H,), jnp.float32)
    inp["W_gcn"] = w(ks[5], (D, H), D)
    inp["b_gcn"] = jnp.zeros((H,), jnp.float32)
    inp["W_sage_l"] = w(ks[6], (D, H), D)
    inp["W_sage_r"] = w(ks[7], (D, H), D)
    inp["b_sage"] = jnp.zeros((H,), jnp.float32)
    inp["gamma"] = jnp.ones((3 * H,), jnp.float32)
    inp["beta"] = jnp.zeros((3 * H,), jnp.float32)
    inp["W1"] = w(ks[8], (3 * H, 2 * H), 3 * H)
    inp["b1"] = jnp.zeros((2 * H,), jnp.float32)
    inp["W2"] = w(ks[9], (2 * H, H), 2 * H)
    inp["b2"] = jnp.zeros((H,), jnp.float32)
    inp["W3"] = w(ks[10], (H, OUT), H)
    inp["b3"] = jnp.zeros((OUT,), jnp.float32)
    return inp


def _forward(x, edge_index, W_gat, att_src, att_dst, b_gat, W_gcn, b_gcn,
             W_sage_l, W_sage_r, b_sage, gamma, beta, W1, b1, W2, b2, W3, b3):
    src = edge_index[0]
    dst = edge_index[1]
    loop = jnp.arange(N, dtype=src.dtype)
    src_sl = jnp.concatenate([src, loop])
    dst_sl = jnp.concatenate([dst, loop])

    # ---- GATConv (heads=1, add_self_loops=True) ----
    h = x @ W_gat
    e = (h @ att_src)[src_sl] + (h @ att_dst)[dst_sl]
    e = jnp.where(e > 0, e, 0.2 * e)  # leaky_relu(0.2)
    m = jax.ops.segment_max(e, dst_sl, num_segments=N)
    m = jax.lax.stop_gradient(jnp.where(jnp.isfinite(m), m, 0.0))
    ex = jnp.exp(e - m[dst_sl])
    denom = jax.ops.segment_sum(ex, dst_sl, num_segments=N)
    alpha = ex / (denom[dst_sl] + 1e-16)
    x_gat = jax.ops.segment_sum(alpha[:, None] * h[src_sl], dst_sl, num_segments=N) + b_gat

    # ---- GCNConv (add_self_loops=True, sym norm) ----
    hg = x @ W_gcn
    deg = jax.ops.segment_sum(jnp.ones((src_sl.shape[0],), jnp.float32), dst_sl, num_segments=N)
    dinv = jnp.where(deg > 0, 1.0 / jnp.sqrt(deg), 0.0)
    norm = dinv[src_sl] * dinv[dst_sl]
    x_gcn = jax.ops.segment_sum(norm[:, None] * hg[src_sl], dst_sl, num_segments=N) + b_gcn

    # ---- SAGEConv (mean aggregation) ----
    cnt = jax.ops.segment_sum(jnp.ones((E,), jnp.float32), dst, num_segments=N)
    agg = jax.ops.segment_sum(x[src], dst, num_segments=N) / jnp.maximum(cnt, 1.0)[:, None]
    x_sage = agg @ W_sage_l + b_sage + x @ W_sage_r

    cat = jnp.concatenate([x_gat, x_gcn, x_sage], axis=1)
    # BatchNorm1d in eval mode (running_mean=0, running_var=1, eps=1e-5); dropout = identity
    bn = cat / jnp.sqrt(1.0 + 1e-5) * gamma + beta
    h1 = jnp.maximum(bn, 0.0) @ W1 + b1
    h2 = jnp.maximum(h1, 0.0) @ W2 + b2
    out = jnp.maximum(h2, 0.0) @ W3 + b3
    return out


def reference(x, edge_index, W_gat, att_src, att_dst, b_gat, W_gcn, b_gcn,
              W_sage_l, W_sage_r, b_sage, gamma, beta, W1, b1, W2, b2, W3, b3):
    return _forward(x, edge_index, W_gat, att_src, att_dst, b_gat, W_gcn, b_gcn,
                    W_sage_l, W_sage_r, b_sage, gamma, beta, W1, b1, W2, b2, W3, b3)

if __name__ == "__main__":
    import jax
    _d = setup_inputs()
    print(jax.jit(kernel)(*tuple(_d.values())))

</pallas_src>

<mosaic_0001>
#map = affine_map<(d0, d1) -> (0, 0)>
#map1 = affine_map<(d0, d1) -> (0, 0, 0)>
module attributes {stable_mosaic.version = 14 : i64} {
  func.func @_sc_feat_body(%arg0: i32, %arg1: i32, %arg2: memref<10000x128xf32, #tpu.memory_space<hbm>>, %arg3: memref<10000x128xf32, #tpu.memory_space<hbm>>, %arg4: memref<10000x128xf32, #tpu.memory_space<hbm>>, %arg5: memref<2560x128xi32, #tpu.memory_space<hbm>>, %arg6: memref<2560x128xi32, #tpu.memory_space<hbm>>, %arg7: memref<2560x128xf32, #tpu.memory_space<hbm>>, %arg8: memref<128x128xf32, #tpu.memory_space<hbm>>, %arg9: memref<6x10240x128xf32, #tpu.memory_space<hbm>>, %arg10: memref<128x128xf32, #tpu.memory_space<vmem>>, %arg11: memref<128x128xf32, #tpu.memory_space<vmem>>, %arg12: memref<8x128xi32, #tpu.memory_space<vmem>>, %arg13: memref<8x128xi32, #tpu.memory_space<vmem>>, %arg14: memref<8x128xf32, #tpu.memory_space<vmem>>, %arg15: memref<10240x128xf32, #tpu.memory_space<vmem_shared>>, %arg16: memref<!tpu.dma_semaphore, #tpu.memory_space<semaphore_mem>>, %arg17: memref<!tpu.dma_semaphore, #tpu.memory_space<semaphore_mem>>, %arg18: memref<!tpu.dma_semaphore, #tpu.memory_space<semaphore_mem>>, %arg19: memref<!tpu.dma_semaphore, #tpu.memory_space<semaphore_mem>>) attributes {dimension_semantics = [#tpu.dimension_semantics<core_parallel>, #tpu.dimension_semantics<subcore_parallel>], iteration_bounds = array<i64: 2, 16>, scalar_prefetch = 0 : i64, scratch_operands = 10 : i64, tpu.core_type = #tpu.core_type<sc_vector_subcore>, window_params = [{transform_indices = #map}, {transform_indices = #map}, {transform_indices = #map}, {transform_indices = #map}, {transform_indices = #map}, {transform_indices = #map}, {transform_indices = #map}, {transform_indices = #map1}]} {
    %mul3A = arith.constant 2 : i32
    %mul3A_0 = arith.muli %arg1, %mul3A : i32
    %add3A = arith.addi %mul3A_0, %arg0 : i32
    %mul3A_1 = arith.constant 80 : i32
    %mul3A_2 = arith.muli %add3A, %mul3A_1 : i32
    %add3A_3 = arith.constant 0 : i32
    %add3A_4 = arith.addi %add3A_3, %arg0 : i32
    %scan3A = arith.constant 0 : i32
    %scan3A_5 = arith.constant 5 : i32
    %scan3A_6 = arith.addi %scan3A, %scan3A_5 : i32
    %scan3A_7 = arith.constant 1 : i32
    scf.for %scan3A_58 = %scan3A to %scan3A_6 step %scan3A_7  : i32 {
      %mul3A_59 = arith.constant 1 : i32
      %mul3A_60 = arith.muli %scan3A_58, %mul3A_59 : i32
      %add3A_61 = arith.constant 0 : i32
      %add3A_62 = arith.addi %add3A_61, %mul3A_60 : i32
      %mul3A_63 = arith.constant 640 : i32
      %mul3A_64 = arith.muli %arg1, %mul3A_63 : i32
      %mul3A_65 = arith.constant 128 : i32
      %mul3A_66 = arith.muli %add3A_62, %mul3A_65 : i32
      %add3A_67 = arith.addi %mul3A_64, %mul3A_66 : i32
      "tpu.region"() ({
        %run_scoped3A = tpu.sem_alloc : memref<!tpu.dma_semaphore, #tpu.memory_space<semaphore_mem>>
        %dma_start3A = arith.constant 0 : i32
        %dma_start3A_68 = tpu.memref_slice %arg15[%add3A_67, %dma_start3A] : memref<10240x128xf32, #tpu.memory_space<vmem_shared>> -> memref<128x128xf32, #tpu.memory_space<vmem_shared>>
        tpu.enqueue_dma source(%arg8 : memref<128x128xf32, #tpu.memory_space<hbm>>) target(%dma_start3A_68 : memref<128x128xf32, #tpu.memory_space<vmem_shared>>) target_semaphore(%run_scoped3A : memref<!tpu.dma_semaphore, #tpu.memory_space<semaphore_mem>>)
        %dma_wait3A = arith.constant 0 : i32
        %dma_wait3A_69 = tpu.memref_slice %arg15[%add3A_67, %dma_wait3A] : memref<10240x128xf32, #tpu.memory_space<vmem_shared>> -> memref<128x128xf32, #tpu.memory_space<vmem_shared>>
        tpu.wait_dma2 semaphore(%run_scoped3A : memref<!tpu.dma_semaphore, #tpu.memory_space<semaphore_mem>>) src(%arg8 : memref<128x128xf32, #tpu.memory_space<hbm>>) dst(%dma_wait3A_69 : memref<128x128xf32, #tpu.memory_space<vmem_shared>>)
        tpu.yield
      }) : () -> ()
    }
    %scan3A_8 = arith.constant 5 : i32
    %barrier3A = arith.constant 0 : index
    tpu.barrier barrier_id(%barrier3A)
    %scan3A_9 = arith.constant 0 : i32
    %scan3A_10 = arith.constant 10 : i32
    %scan3A_11 = arith.addi %scan3A_9, %scan3A_10 : i32
    %scan3A_12 = arith.constant 1 : i32
    scf.for %scan3A_58 = %scan3A_9 to %scan3A_11 step %scan3A_12  : i32 {
      %mul3A_59 = arith.constant 1 : i32
      %mul3A_60 = arith.muli %scan3A_58, %mul3A_59 : i32
      %add3A_61 = arith.constant 0 : i32
      %add3A_62 = arith.addi %add3A_61, %mul3A_60 : i32
      %mul3A_63 = arith.constant 8 : i32
      %mul3A_64 = arith.muli %add3A_62, %mul3A_63 : i32
      %add3A_65 = arith.addi %mul3A_2, %mul3A_64 : i32
      "tpu.region"() ({
        %run_scoped3A = tpu.sem_alloc : memref<!tpu.dma_semaphore, #tpu.memory_space<semaphore_mem>>
        %dma_start3A_83 = arith.constant 0 : i32
        %dma_start3A_84 = tpu.memref_slice %arg5[%add3A_65, %dma_start3A_83] : memref<2560x128xi32, #tpu.memory_space<hbm>> -> memref<8x128xi32, #tpu.memory_space<hbm>>
        %dma_start3A_85 = arith.constant 0 : i32
        %dma_start3A_86 = tpu.memref_slice %arg5[%add3A_65, %dma_start3A_85] : memref<2560x128xi32, #tpu.memory_space<hbm>> -> memref<8x128xi32, #tpu.memory_space<hbm>>
        tpu.enqueue_dma source(%dma_start3A_86 : memref<8x128xi32, #tpu.memory_space<hbm>>) target(%arg12 : memref<8x128xi32, #tpu.memory_space<vmem>>) target_semaphore(%run_scoped3A : memref<!tpu.dma_semaphore, #tpu.memory_space<semaphore_mem>>)
        %dma_wait3A_87 = arith.constant 0 : i32
        %dma_wait3A_88 = tpu.memref_slice %arg5[%add3A_65, %dma_wait3A_87] : memref<2560x128xi32, #tpu.memory_space<hbm>> -> memref<8x128xi32, #tpu.memory_space<hbm>>
        %dma_wait3A_89 = arith.constant 0 : i32
        %dma_wait3A_90 = tpu.memref_slice %arg5[%add3A_65, %dma_wait3A_89] : memref<2560x128xi32, #tpu.memory_space<hbm>> -> memref<8x128xi32, #tpu.memory_space<hbm>>
        tpu.wait_dma2 semaphore(%run_scoped3A : memref<!tpu.dma_semaphore, #tpu.memory_space<semaphore_mem>>) src(%dma_wait3A_90 : memref<8x128xi32, #tpu.memory_space<hbm>>) dst(%arg12 : memref<8x128xi32, #tpu.memory_space<vmem>>)
        tpu.yield
      }) : () -> ()
      "tpu.region"() ({
        %run_scoped3A = tpu.sem_alloc : memref<!tpu.dma_semaphore, #tpu.memory_space<semaphore_mem>>
        %dma_start3A_83 = arith.constant 0 : i32
        %dma_start3A_84 = tpu.memref_slice %arg6[%add3A_65, %dma_start3A_83] : memref<2560x128xi32, #tpu.memory_space<hbm>> -> memref<8x128xi32, #tpu.memory_space<hbm>>
        %dma_start3A_85 = arith.constant 0 : i32
        %dma_start3A_86 = tpu.memref_slice %arg6[%add3A_65, %dma_start3A_85] : memref<2560x128xi32, #tpu.memory_space<hbm>> -> memref<8x128xi32, #tpu.memory_space<hbm>>
        tpu.enqueue_dma source(%dma_start3A_86 : memref<8x128xi32, #tpu.memory_space<hbm>>) target(%arg13 : memref<8x128xi32, #tpu.memory_space<vmem>>) target_semaphore(%run_scoped3A : memref<!tpu.dma_semaphore, #tpu.memory_space<semaphore_mem>>)
        %dma_wait3A_87 = arith.constant 0 : i32
        %dma_wait3A_88 = tpu.memref_slice %arg6[%add3A_65, %dma_wait3A_87] : memref<2560x128xi32, #tpu.memory_space<hbm>> -> memref<8x128xi32, #tpu.memory_space<hbm>>
        %dma_wait3A_89 = arith.constant 0 : i32
        %dma_wait3A_90 = tpu.memref_slice %arg6[%add3A_65, %dma_wait3A_89] : memref<2560x128xi32, #tpu.memory_space<hbm>> -> memref<8x128xi32, #tpu.memory_space<hbm>>
        tpu.wait_dma2 semaphore(%run_scoped3A : memref<!tpu.dma_semaphore, #tpu.memory_space<semaphore_mem>>) src(%dma_wait3A_90 : memref<8x128xi32, #tpu.memory_space<hbm>>) dst(%arg13 : memref<8x128xi32, #tpu.memory_space<vmem>>)
        tpu.yield
      }) : () -> ()
      "tpu.region"() ({
        %run_scoped3A = tpu.sem_alloc : memref<!tpu.dma_semaphore, #tpu.memory_space<semaphore_mem>>
        %dma_start3A_83 = arith.constant 0 : i32
        %dma_start3A_84 = tpu.memref_slice %arg7[%add3A_65, %dma_start3A_83] : memref<2560x128xf32, #tpu.memory_space<hbm>> -> memref<8x128xf32, #tpu.memory_space<hbm>>
        %dma_start3A_85 = arith.constant 0 : i32
        %dma_start3A_86 = tpu.memref_slice %arg7[%add3A_65, %dma_start3A_85] : memref<2560x128xf32, #tpu.memory_space<hbm>> -> memref<8x128xf32, #tpu.memory_space<hbm>>
        tpu.enqueue_dma source(%dma_start3A_86 : memref<8x128xf32, #tpu.memory_space<hbm>>) target(%arg14 : memref<8x128xf32, #tpu.memory_space<vmem>>) target_semaphore(%run_scoped3A : memref<!tpu.dma_semaphore, #tpu.memory_space<semaphore_mem>>)
        %dma_wait3A_87 = arith.constant 0 : i32
        %dma_wait3A_88 = tpu.memref_slice %arg7[%add3A_65, %dma_wait3A_87] : memref<2560x128xf32, #tpu.memory_space<hbm>> -> memref<8x128xf32, #tpu.memory_space<hbm>>
        %dma_wait3A_89 = arith.constant 0 : i32
        %dma_wait3A_90 = tpu.memref_slice %arg7[%add3A_65, %dma_wait3A_89] : memref<2560x128xf32, #tpu.memory_space<hbm>> -> memref<8x128xf32, #tpu.memory_space<hbm>>
        tpu.wait_dma2 semaphore(%run_scoped3A : memref<!tpu.dma_semaphore, #tpu.memory_space<semaphore_mem>>) src(%dma_wait3A_90 : memref<8x128xf32, #tpu.memory_space<hbm>>) dst(%arg14 : memref<8x128xf32, #tpu.memory_space<vmem>>)
        tpu.yield
      }) : () -> ()
      %dma_start3A = arith.constant 0 : i32
      %dma_start3A_66 = arith.constant 0 : i32
      %dma_start3A_67 = tpu.memref_slice %arg12[%dma_start3A, %dma_start3A_66] : memref<8x128xi32, #tpu.memory_space<vmem>> -> memref<1x128xi32, #tpu.memory_space<vmem>>
      %dma_start3A_68 = tpu.memref_squeeze %dma_start3A_67 : memref<1x128xi32, #tpu.memory_space<vmem>> -> memref<128xi32, #tpu.memory_space<vmem>>
      %dma_start3A_69 = arith.constant 0 : i32
      %dma_start3A_70 = arith.constant 0 : i32
      %dma_start3A_71 = tpu.memref_slice %arg2[%dma_start3A_69, %dma_start3A_70] : memref<10000x128xf32, #tpu.memory_space<hbm>> -> memref<10000x128xf32, #tpu.memory_space<hbm>>
      tpu.enqueue_indirect_dma source(%dma_start3A_71 : memref<10000x128xf32, #tpu.memory_space<hbm>>) target(%arg10 : memref<128x128xf32, #tpu.memory_space<vmem>>) offsets(%dma_start3A_68 : memref<128xi32, #tpu.memory_space<vmem>>) semaphore(%arg16 : memref<!tpu.dma_semaphore, #tpu.memory_space<semaphore_mem>>)
      %scan3A_72 = arith.constant 0 : i32
      %scan3A_73 = arith.constant 4 : i32
      %scan3A_74 = arith.addi %scan3A_72, %scan3A_73 : i32
      %scan3A_75 = arith.constant 1 : i32
      scf.for %scan3A_83 = %scan3A_72 to %scan3A_74 step %scan3A_75  : i32 {
        %mul3A_84 = arith.constant 1 : i32
        %mul3A_85 = arith.muli %scan3A_83, %mul3A_84 : i32
        %add3A_86 = arith.constant 0 : i32
        %add3A_87 = arith.addi %add3A_86, %mul3A_85 : i32
        %mul3A_88 = arith.constant 2 : i32
        %mul3A_89 = arith.muli %mul3A_88, %add3A_87 : i32
        %add3A_90 = arith.constant 1 : i32
        %add3A_91 = arith.addi %mul3A_89, %add3A_90 : i32
        %dma_wait3A_92 = arith.constant 0 : i32
        %dma_wait3A_93 = tpu.memref_slice %arg12[%mul3A_89, %dma_wait3A_92] : memref<8x128xi32, #tpu.memory_space<vmem>> -> memref<1x128xi32, #tpu.memory_space<vmem>>
        %dma_wait3A_94 = tpu.memref_squeeze %dma_wait3A_93 : memref<1x128xi32, #tpu.memory_space<vmem>> -> memref<128xi32, #tpu.memory_space<vmem>>
        %dma_wait3A_95 = arith.constant 0 : i32
        %dma_wait3A_96 = arith.constant 0 : i32
        %dma_wait3A_97 = tpu.memref_slice %arg2[%dma_wait3A_95, %dma_wait3A_96] : memref<10000x128xf32, #tpu.memory_space<hbm>> -> memref<10000x128xf32, #tpu.memory_space<hbm>>
        tpu.wait_indirect_dma semaphore(%arg16 : memref<!tpu.dma_semaphore, #tpu.memory_space<semaphore_mem>>) src(%dma_wait3A_97 : memref<10000x128xf32, #tpu.memory_space<hbm>>) dst(%arg10 : memref<128x128xf32, #tpu.memory_space<vmem>>)
        %gt3A = arith.constant 0 : i32
        %gt3A_98 = arith.cmpi sgt, %add3A_87, %gt3A : i32
        %convert_element_type3A = arith.extui %gt3A_98 : i1 to i32
        %cond3A = arith.constant 0 : i32
        %cond3A_99 = arith.cmpi ne, %convert_element_type3A, %cond3A : i32
        scf.if %cond3A_99 {
          %sub3A = arith.constant 1 : i32
          %sub3A_145 = arith.subi %mul3A_89, %sub3A : i32
          %dma_wait3A_146 = arith.constant 0 : i32
          %dma_wait3A_147 = tpu.memref_slice %arg13[%sub3A_145, %dma_wait3A_146] : memref<8x128xi32, #tpu.memory_space<vmem>> -> memref<1x128xi32, #tpu.memory_space<vmem>>
          %dma_wait3A_148 = tpu.memref_squeeze %dma_wait3A_147 : memref<1x128xi32, #tpu.memory_space<vmem>> -> memref<128xi32, #tpu.memory_space<vmem>>
          %dma_wait3A_149 = arith.constant 0 : i32
          %dma_wait3A_150 = arith.constant 0 : i32
          %dma_wait3A_151 = tpu.memref_slice %arg15[%dma_wait3A_149, %dma_wait3A_150] : memref<10240x128xf32, #tpu.memory_space<vmem_shared>> -> memref<10240x128xf32, #tpu.memory_space<vmem_shared>>
          tpu.wait_indirect_dma semaphore(%arg19 : memref<!tpu.dma_semaphore, #tpu.memory_space<semaphore_mem>>) src(%arg11 : memref<128x128xf32, #tpu.memory_space<vmem>>) dst(%dma_wait3A_151 : memref<10240x128xf32, #tpu.memory_space<vmem_shared>>)
        } else {
        }
        %dma_start3A_100 = arith.constant 0 : i32
        %dma_start3A_101 = tpu.memref_slice %arg12[%add3A_91, %dma_start3A_100] : memref<8x128xi32, #tpu.memory_space<vmem>> -> memref<1x128xi32, #tpu.memory_space<vmem>>
        %dma_start3A_102 = tpu.memref_squeeze %dma_start3A_101 : memref<1x128xi32, #tpu.memory_space<vmem>> -> memref<128xi32, #tpu.memory_space<vmem>>
        %dma_start3A_103 = arith.constant 0 : i32
        %dma_start3A_104 = arith.constant 0 : i32
        %dma_start3A_105 = tpu.memref_slice %arg2[%dma_start3A_103, %dma_start3A_104] : memref<10000x128xf32, #tpu.memory_space<hbm>> -> memref<10000x128xf32, #tpu.memory_space<hbm>>
        tpu.enqueue_indirect_dma source(%dma_start3A_105 : memref<10000x128xf32, #tpu.memory_space<hbm>>) target(%arg11 : memref<128x128xf32, #tpu.memory_space<vmem>>) offsets(%dma_start3A_102 : memref<128xi32, #tpu.memory_space<vmem>>) semaphore(%arg17 : memref<!tpu.dma_semaphore, #tpu.memory_space<semaphore_mem>>)
        %broadcast_in_dim3A = vector.broadcast %mul3A_89 : i32 to vector<16xi32>
        %scan3A_106 = arith.constant 0 : i32
        %scan3A_107 = arith.constant 128 : i32
        %scan3A_108 = arith.addi %scan3A_106, %scan3A_107 : i32
        %scan3A_109 = arith.constant 1 : i32
        scf.for %scan3A_145 = %scan3A_106 to %scan3A_108 step %scan3A_109  : i32 {
          %mul3A_146 = arith.constant 1 : i32
          %mul3A_147 = arith.muli %scan3A_145, %mul3A_146 : i32
          %add3A_148 = arith.constant 0 : i32
          %add3A_149 = arith.addi %add3A_148, %mul3A_147 : i32
          %broadcast_in_dim3A_150 = vector.broadcast %add3A_149 : i32 to vector<16xi32>
          %gather3A = tpu.vector_load_idx %arg14[%broadcast_in_dim3A, %broadcast_in_dim3A_150] : memref<8x128xf32, #tpu.memory_space<vmem>>[vector<16xi32>, vector<16xi32>], vector<16xf32>,
          %get3A = arith.index_cast %add3A_149 : i32 to index
          %get3A_151 = arith.constant 0 : index
          %get3A_152 = tpu.vector_load %arg10[%get3A, %get3A_151] {strides = array<i32>} : memref<128x128xf32, #tpu.memory_space<vmem>>, vector<16xf32>,
          %mul3A_153 = arith.mulf %get3A_152, %gather3A : vector<16xf32>
          %swap3A = arith.index_cast %add3A_149 : i32 to index
          %swap3A_154 = arith.constant 0 : index
          %swap3A_155 = tpu.vector_load %arg10[%swap3A, %swap3A_154] {strides = array<i32>} : memref<128x128xf32, #tpu.memory_space<vmem>>, vector<16xf32>,
          tpu.vector_store %arg10[%swap3A, %swap3A_154], %mul3A_153 {strides = array<i32>} : memref<128x128xf32, #tpu.memory_space<vmem>>, vector<16xf32>,
          %get3A_156 = arith.index_cast %add3A_149 : i32 to index
          %get3A_157 = arith.constant 16 : index
          %get3A_158 = tpu.vector_load %arg10[%get3A_156, %get3A_157] {strides = array<i32>} : memref<128x128xf32, #tpu.memory_space<vmem>>, vector<16xf32>,
          %mul3A_159 = arith.mulf %get3A_158, %gather3A : vector<16xf32>
          %swap3A_160 = arith.index_cast %add3A_149 : i32 to index
          %swap3A_161 = arith.constant 16 : index
          %swap3A_162 = tpu.vector_load %arg10[%swap3A_160, %swap3A_161] {strides = array<i32>} : memref<128x128xf32, #tpu.memory_space<vmem>>, vector<16xf32>,
          tpu.vector_store %arg10[%swap3A_160, %swap3A_161], %mul3A_159 {strides = array<i32>} : memref<128x128xf32, #tpu.memory_space<vmem>>, vector<16xf32>,
          %get3A_163 = arith.index_cast %add3A_149 : i32 to index
          %get3A_164 = arith.constant 32 : index
          %get3A_165 = tpu.vector_load %arg10[%get3A_163, %get3A_164] {strides = array<i32>} : memref<128x128xf32, #tpu.memory_space<vmem>>, vector<16xf32>,
          %mul3A_166 = arith.mulf %get3A_165, %gather3A : vector<16xf32>
          %swap3A_167 = arith.index_cast %add3A_149 : i32 to index
          %swap3A_168 = arith.constant 32 : index
          %swap3A_169 = tpu.vector_load %arg10[%swap3A_167, %swap3A_168] {strides = array<i32>} : memref<128x128xf32, #tpu.memory_space<vmem>>, vector<16xf32>,
          tpu.vector_store %arg10[%swap3A_167, %swap3A_168], %mul3A_166 {strides = array<i32>} : memref<128x128xf32, #tpu.memory_space<vmem>>, vector<16xf32>,
          %get3A_170 = arith.index_cast %add3A_149 : i32 to index
          %get3A_171 = arith.constant 48 : index
          %get3A_172 = tpu.vector_load %arg10[%get3A_170, %get3A_171] {strides = array<i32>} : memref<128x128xf32, #tpu.memory_space<vmem>>, vector<16xf32>,
          %mul3A_173 = arith.mulf %get3A_172, %gather3A : vector<16xf32>
          %swap3A_174 = arith.index_cast %add3A_149 : i32 to index
          %swap3A_175 = arith.constant 48 : index
          %swap3A_176 = tpu.vector_load %arg10[%swap3A_174, %swap3A_175] {strides = array<i32>} : memref<128x128xf32, #tpu.memory_space<vmem>>, vector<16xf32>,
          tpu.vector_store %arg10[%swap3A_174, %swap3A_175], %mul3A_173 {strides = array<i32>} : memref<128x128xf32, #tpu.memory_space<vmem>>, vector<16xf32>,
          %get3A_177 = arith.index_cast %add3A_149 : i32 to index
          %get3A_178 = arith.constant 64 : index
          %get3A_179 = tpu.vector_load %arg10[%get3A_177, %get3A_178] {strides = array<i32>} : memref<128x128xf32, #tpu.memory_space<vmem>>, vector<16xf32>,
          %mul3A_180 = arith.mulf %get3A_179, %gather3A : vector<16xf32>
          %swap3A_181 = arith.index_cast %add3A_149 : i32 to index
          %swap3A_182 = arith.constant 64 : index
          %swap3A_183 = tpu.vector_load %arg10[%swap3A_181, %swap3A_182] {strides = array<i32>} : memref<128x128xf32, #tpu.memory_space<vmem>>, vector<16xf32>,
          tpu.vector_store %arg10[%swap3A_181, %swap3A_182], %mul3A_180 {strides = array<i32>} : memref<128x128xf32, #tpu.memory_space<vmem>>, vector<16xf32>,
          %get3A_184 = arith.index_cast %add3A_149 : i32 to index
          %get3A_185 = arith.constant 80 : index
          %get3A_186 = tpu.vector_load %arg10[%get3A_184, %get3A_185] {strides = array<i32>} : memref<128x128xf32, #tpu.memory_space<vmem>>, vector<16xf32>,
          %mul3A_187 = arith.mulf %get3A_186, %gather3A : vector<16xf32>
          %swap3A_188 = arith.index_cast %add3A_149 : i32 to index
          %swap3A_189 = arith.constant 80 : index
          %swap3A_190 = tpu.vector_load %arg10[%swap3A_188, %swap3A_189] {strides = array<i32>} : memref<128x128xf32, #tpu.memory_space<vmem>>, vector<16xf32>,
          tpu.vector_store %arg10[%swap3A_188, %swap3A_189], %mul3A_187 {strides = array<i32>} : memref<128x128xf32, #tpu.memory_space<vmem>>, vector<16xf32>,
          %get3A_191 = arith.index_cast %add3A_149 : i32 to index
          %get3A_192 = arith.constant 96 : index
          %get3A_193 = tpu.vector_load %arg10[%get3A_191, %get3A_192] {strides = array<i32>} : memref<128x128xf32, #tpu.memory_space<vmem>>, vector<16xf32>,
          %mul3A_194 = arith.mulf %get3A_193, %gather3A : vector<16xf32>
          %swap3A_195 = arith.index_cast %add3A_149 : i32 to index
          %swap3A_196 = arith.constant 96 : index
          %swap3A_197 = tpu.vector_load %arg10[%swap3A_195, %swap3A_196] {strides = array<i32>} : memref<128x128xf32, #tpu.memory_space<vmem>>, vector<16xf32>,
          tpu.vector_store %arg10[%swap3A_195, %swap3A_196], %mul3A_194 {strides = array<i32>} : memref<128x128xf32, #tpu.memory_space<vmem>>, vector<16xf32>,
          %get3A_198 = arith.index_cast %add3A_149 : i32 to index
          %get3A_199 = arith.constant 112 : index
          %get3A_200 = tpu.vector_load %arg10[%get3A_198, %get3A_199] {strides = array<i32>} : memref<128x128xf32, #tpu.memory_space<vmem>>, vector<16xf32>,
          %mul3A_201 = arith.mulf %get3A_200, %gather3A : vector<16xf32>
          %swap3A_202 = arith.index_cast %add3A_149 : i32 to index
          %swap3A_203 = arith.constant 112 : index
          %swap3A_204 = tpu.vector_load %arg10[%swap3A_202, %swap3A_203] {strides = array<i32>} : memref<128x128xf32, #tpu.memory_space<vmem>>, vector<16xf32>,
          tpu.vector_store %arg10[%swap3A_202, %swap3A_203], %mul3A_201 {strides = array<i32>} : memref<128x128xf32, #tpu.memory_space<vmem>>, vector<16xf32>,
        }
        %scan3A_110 = arith.constant 128 : i32
        %dma_start3A_111 = arith.constant 0 : i32
        %dma_start3A_112 = tpu.memref_slice %arg13[%mul3A_89, %dma_start3A_111] : memref<8x128xi32, #tpu.memory_space<vmem>> -> memref<1x128xi32, #tpu.memory_space<vmem>>
        %dma_start3A_113 = tpu.memref_squeeze %dma_start3A_112 : memref<1x128xi32, #tpu.memory_space<vmem>> -> memref<128xi32, #tpu.memory_space<vmem>>
        %dma_start3A_114 = arith.constant 0 : i32
        %dma_start3A_115 = arith.constant 0 : i32
        %dma_start3A_116 = tpu.memref_slice %arg15[%dma_start3A_114, %dma_start3A_115] : memref<10240x128xf32, #tpu.memory_space<vmem_shared>> -> memref<10240x128xf32, #tpu.memory_space<vmem_shared>>
        tpu.enqueue_indirect_dma source(%arg10 : memref<128x128xf32, #tpu.memory_space<vmem>>) target(%dma_start3A_116 : memref<10240x128xf32, #tpu.memory_space<vmem_shared>>) offsets(%dma_start3A_113 : memref<128xi32, #tpu.memory_space<vmem>>) semaphore(%arg18 : memref<!tpu.dma_semaphore, #tpu.memory_space<semaphore_mem>>) {add = true}
        %dma_wait3A_117 = arith.constant 0 : i32
        %dma_wait3A_118 = tpu.memref_slice %arg12[%add3A_91, %dma_wait3A_117] : memref<8x128xi32, #tpu.memory_space<vmem>> -> memref<1x128xi32, #tpu.memory_space<vmem>>
        %dma_wait3A_119 = tpu.memref_squeeze %dma_wait3A_118 : memref<1x128xi32, #tpu.memory_space<vmem>> -> memref<128xi32, #tpu.memory_space<vmem>>
        %dma_wait3A_120 = arith.constant 0 : i32
        %dma_wait3A_121 = arith.constant 0 : i32
        %dma_wait3A_122 = tpu.memref_slice %arg2[%dma_wait3A_120, %dma_wait3A_121] : memref<10000x128xf32, #tpu.memory_space<hbm>> -> memref<10000x128xf32, #tpu.memory_space<hbm>>
        tpu.wait_indirect_dma semaphore(%arg17 : memref<!tpu.dma_semaphore, #tpu.memory_space<semaphore_mem>>) src(%dma_wait3A_122 : memref<10000x128xf32, #tpu.memory_space<hbm>>) dst(%arg11 : memref<128x128xf32, #tpu.memory_space<vmem>>)
        %dma_wait3A_123 = arith.constant 0 : i32
        %dma_wait3A_124 = tpu.memref_slice %arg13[%mul3A_89, %dma_wait3A_123] : memref<8x128xi32, #tpu.memory_space<vmem>> -> memref<1x128xi32, #tpu.memory_space<vmem>>
        %dma_wait3A_125 = tpu.memref_squeeze %dma_wait3A_124 : memref<1x128xi32, #tpu.memory_space<vmem>> -> memref<128xi32, #tpu.memory_space<vmem>>
        %dma_wait3A_126 = arith.constant 0 : i32
        %dma_wait3A_127 = arith.constant 0 : i32
        %dma_wait3A_128 = tpu.memref_slice %arg15[%dma_wait3A_126, %dma_wait3A_127] : memref<10240x128xf32, #tpu.memory_space<vmem_shared>> -> memref<10240x128xf32, #tpu.memory_space<vmem_shared>>
        tpu.wait_indirect_dma semaphore(%arg18 : memref<!tpu.dma_semaphore, #tpu.memory_space<semaphore_mem>>) src(%arg10 : memref<128x128xf32, #tpu.memory_space<vmem>>) dst(%dma_wait3A_128 : memref<10240x128xf32, #tpu.memory_space<vmem_shared>>)
        %lt3A = arith.constant 3 : i32
        %lt3A_129 = arith.cmpi slt, %add3A_87, %lt3A : i32
        %convert_element_type3A_130 = arith.extui %lt3A_129 : i1 to i32
        %cond3A_131 = arith.constant 0 : i32
        %cond3A_132 = arith.cmpi ne, %convert_element_type3A_130, %cond3A_131 : i32
        scf.if %cond3A_132 {
          %add3A_145 = arith.constant 2 : i32
          %add3A_146 = arith.addi %mul3A_89, %add3A_145 : i32
          %dma_start3A_147 = arith.constant 0 : i32
          %dma_start3A_148 = tpu.memref_slice %arg12[%add3A_146, %dma_start3A_147] : memref<8x128xi32, #tpu.memory_space<vmem>> -> memref<1x128xi32, #tpu.memory_space<vmem>>
          %dma_start3A_149 = tpu.memref_squeeze %dma_start3A_148 : memref<1x128xi32, #tpu.memory_space<vmem>> -> memref<128xi32, #tpu.memory_space<vmem>>
          %dma_start3A_150 = arith.constant 0 : i32
          %dma_start3A_151 = arith.constant 0 : i32
          %dma_start3A_152 = tpu.memref_slice %arg2[%dma_start3A_150, %dma_start3A_151] : memref<10000x128xf32, #tpu.memory_space<hbm>> -> memref<10000x128xf32, #tpu.memory_space<hbm>>
          tpu.enqueue_indirect_dma source(%dma_start3A_152 : memref<10000x128xf32, #tpu.memory_space<hbm>>) target(%arg10 : memref<128x128xf32, #tpu.memory_space<vmem>>) offsets(%dma_start3A_149 : memref<128xi32, #tpu.memory_space<vmem>>) semaphore(%arg16 : memref<!tpu.dma_semaphore, #tpu.memory_space<semaphore_mem>>)
        } else {
        }
        %broadcast_in_dim3A_133 = vector.broadcast %add3A_91 : i32 to vector<16xi32>
        %scan3A_134 = arith.constant 0 : i32
        %scan3A_135 = arith.constant 128 : i32
        %scan3A_136 = arith.addi %scan3A_134, %scan3A_135 : i32
        %scan3A_137 = arith.constant 1 : i32
        scf.for %scan3A_145 = %scan3A_134 to %scan3A_136 step %scan3A_137  : i32 {
          %mul3A_146 = arith.constant 1 : i32
          %mul3A_147 = arith.muli %scan3A_145, %mul3A_146 : i32
          %add3A_148 = arith.constant 0 : i32
          %add3A_149 = arith.addi %add3A_148, %mul3A_147 : i32
          %broadcast_in_dim3A_150 = vector.broadcast %add3A_149 : i32 to vector<16xi32>
          %gather3A = tpu.vector_load_idx %arg14[%broadcast_in_dim3A_133, %broadcast_in_dim3A_150] : memref<8x128xf32, #tpu.memory_space<vmem>>[vector<16xi32>, vector<16xi32>], vector<16xf32>,
          %get3A = arith.index_cast %add3A_149 : i32 to index
          %get3A_151 = arith.constant 0 : index
          %get3A_152 = tpu.vector_load %arg11[%get3A, %get3A_151] {strides = array<i32>} : memref<128x128xf32, #tpu.memory_space<vmem>>, vector<16xf32>,
          %mul3A_153 = arith.mulf %get3A_152, %gather3A : vector<16xf32>
          %swap3A = arith.index_cast %add3A_149 : i32 to index
          %swap3A_154 = arith.constant 0 : index
          %swap3A_155 = tpu.vector_load %arg11[%swap3A, %swap3A_154] {strides = array<i32>} : memref<128x128xf32, #tpu.memory_space<vmem>>, vector<16xf32>,
          tpu.vector_store %arg11[%swap3A, %swap3A_154], %mul3A_153 {strides = array<i32>} : memref<128x128xf32, #tpu.memory_space<vmem>>, vector<16xf32>,
          %get3A_156 = arith.index_cast %add3A_149 : i32 to index
          %get3A_157 = arith.constant 16 : index
          %get3A_158 = tpu.vector_load %arg11[%get3A_156, %get3A_157] {strides = array<i32>} : memref<128x128xf32, #tpu.memory_space<vmem>>, vector<16xf32>,
          %mul3A_159 = arith.mulf %get3A_158, %gather3A : vector<16xf32>
          %swap3A_160 = arith.index_cast %add3A_149 : i32 to index
          %swap3A_161 = arith.constant 16 : index
          %swap3A_162 = tpu.vector_load %arg11[%swap3A_160, %swap3A_161] {strides = array<i32>} : memref<128x128xf32, #tpu.memory_space<vmem>>, vector<16xf32>,
          tpu.vector_store %arg11[%swap3A_160, %swap3A_161], %mul3A_159 {strides = array<i32>} : memref<128x128xf32, #tpu.memory_space<vmem>>, vector<16xf32>,
          %get3A_163 = arith.index_cast %add3A_149 : i32 to index
          %get3A_164 = arith.constant 32 : index
          %get3A_165 = tpu.vector_load %arg11[%get3A_163, %get3A_164] {strides = array<i32>} : memref<128x128xf32, #tpu.memory_space<vmem>>, vector<16xf32>,
          %mul3A_166 = arith.mulf %get3A_165, %gather3A : vector<16xf32>
          %swap3A_167 = arith.index_cast %add3A_149 : i32 to index
          %swap3A_168 = arith.constant 32 : index
          %swap3A_169 = tpu.vector_load %arg11[%swap3A_167, %swap3A_168] {strides = array<i32>} : memref<128x128xf32, #tpu.memory_space<vmem>>, vector<16xf32>,
          tpu.vector_store %arg11[%swap3A_167, %swap3A_168], %mul3A_166 {strides = array<i32>} : memref<128x128xf32, #tpu.memory_space<vmem>>, vector<16xf32>,
          %get3A_170 = arith.index_cast %add3A_149 : i32 to index
          %get3A_171 = arith.constant 48 : index
          %get3A_172 = tpu.vector_load %arg11[%get3A_170, %get3A_171] {strides = array<i32>} : memref<128x128xf32, #tpu.memory_space<vmem>>, vector<16xf32>,
          %mul3A_173 = arith.mulf %get3A_172, %gather3A : vector<16xf32>
          %swap3A_174 = arith.index_cast %add3A_149 : i32 to index
          %swap3A_175 = arith.constant 48 : index
          %swap3A_176 = tpu.vector_load %arg11[%swap3A_174, %swap3A_175] {strides = array<i32>} : memref<128x128xf32, #tpu.memory_space<vmem>>, vector<16xf32>,
          tpu.vector_store %arg11[%swap3A_174, %swap3A_175], %mul3A_173 {strides = array<i32>} : memref<128x128xf32, #tpu.memory_space<vmem>>, vector<16xf32>,
          %get3A_177 = arith.index_cast %add3A_149 : i32 to index
          %get3A_178 = arith.constant 64 : index
          %get3A_179 = tpu.vector_load %arg11[%get3A_177, %get3A_178] {strides = array<i32>} : memref<128x128xf32, #tpu.memory_space<vmem>>, vector<16xf32>,
          %mul3A_180 = arith.mulf %get3A_179, %gather3A : vector<16xf32>
          %swap3A_181 = arith.index_cast %add3A_149 : i32 to index
          %swap3A_182 = arith.constant 64 : index
          %swap3A_183 = tpu.vector_load %arg11[%swap3A_181, %swap3A_182] {strides = array<i32>} : memref<128x128xf32, #tpu.memory_space<vmem>>, vector<16xf32>,
          tpu.vector_store %arg11[%swap3A_181, %swap3A_182], %mul3A_180 {strides = array<i32>} : memref<128x128xf32, #tpu.memory_space<vmem>>, vector<16xf32>,
          %get3A_184 = arith.index_cast %add3A_149 : i32 to index
          %get3A_185 = arith.constant 80 : index
          %get3A_186 = tpu.vector_load %arg11[%get3A_184, %get3A_185] {strides = array<i32>} : memref<128x128xf32, #tpu.memory_space<vmem>>, vector<16xf32>,
          %mul3A_187 = arith.mulf %get3A_186, %gather3A : vector<16xf32>
          %swap3A_188 = arith.index_cast %add3A_149 : i32 to index
          %swap3A_189 = arith.constant 80 : index
          %swap3A_190 = tpu.vector_load %arg11[%swap3A_188, %swap3A_189] {strides = array<i32>} : memref<128x128xf32, #tpu.memory_space<vmem>>, vector<16xf32>,
          tpu.vector_store %arg11[%swap3A_188, %swap3A_189], %mul3A_187 {strides = array<i32>} : memref<128x128xf32, #tpu.memory_space<vmem>>, vector<16xf32>,
          %get3A_191 = arith.index_cast %add3A_149 : i32 to index
          %get3A_192 = arith.constant 96 : index
          %get3A_193 = tpu.vector_load %arg11[%get3A_191, %get3A_192] {strides = array<i32>} : memref<128x128xf32, #tpu.memory_space<vmem>>, vector<16xf32>,
          %mul3A_194 = arith.mulf %get3A_193, %gather3A : vector<16xf32>
          %swap3A_195 = arith.index_cast %add3A_149 : i32 to index
          %swap3A_196 = arith.constant 96 : index
          %swap3A_197 = tpu.vector_load %arg11[%swap3A_195, %swap3A_196] {strides = array<i32>} : memref<128x128xf32, #tpu.memory_space<vmem>>, vector<16xf32>,
          tpu.vector_store %arg11[%swap3A_195, %swap3A_196], %mul3A_194 {strides = array<i32>} : memref<128x128xf32, #tpu.memory_space<vmem>>, vector<16xf32>,
          %get3A_198 = arith.index_cast %add3A_149 : i32 to index
          %get3A_199 = arith.constant 112 : index
          %get3A_200 = tpu.vector_load %arg11[%get3A_198, %get3A_199] {strides = array<i32>} : memref<128x128xf32, #tpu.memory_space<vmem>>, vector<16xf32>,
          %mul3A_201 = arith.mulf %get3A_200, %gather3A : vector<16xf32>
          %swap3A_202 = arith.index_cast %add3A_149 : i32 to index
          %swap3A_203 = arith.constant 112 : index
          %swap3A_204 = tpu.vector_load %arg11[%swap3A_202, %swap3A_203] {strides = array<i32>} : memref<128x128xf32, #tpu.memory_space<vmem>>, vector<16xf32>,
          tpu.vector_store %arg11[%swap3A_202, %swap3A_203], %mul3A_201 {strides = array<i32>} : memref<128x128xf32, #tpu.memory_space<vmem>>, vector<16xf32>,
        }
        %scan3A_138 = arith.constant 128 : i32
        %dma_start3A_139 = arith.constant 0 : i32
        %dma_start3A_140 = tpu.memref_slice %arg13[%add3A_91, %dma_start3A_139] : memref<8x128xi32, #tpu.memory_space<vmem>> -> memref<1x128xi32, #tpu.memory_space<vmem>>
        %dma_start3A_141 = tpu.memref_squeeze %dma_start3A_140 : memref<1x128xi32, #tpu.memory_space<vmem>> -> memref<128xi32, #tpu.memory_space<vmem>>
        %dma_start3A_142 = arith.constant 0 : i32
        %dma_start3A_143 = arith.constant 0 : i32
        %dma_start3A_144 = tpu.memref_slice %arg15[%dma_start3A_142, %dma_start3A_143] : memref<10240x128xf32, #tpu.memory_space<vmem_shared>> -> memref<10240x128xf32, #tpu.memory_space<vmem_shared>>
        tpu.enqueue_indirect_dma source(%arg11 : memref<128x128xf32, #tpu.memory_space<vmem>>) target(%dma_start3A_144 : memref<10240x128xf32, #tpu.memory_space<vmem_shared>>) offsets(%dma_start3A_141 : memref<128xi32, #tpu.memory_space<vmem>>) semaphore(%arg19 : memref<!tpu.dma_semaphore, #tpu.memory_space<semaphore_mem>>) {add = true}
      }
      %scan3A_76 = arith.constant 4 : i32
      %dma_wait3A = arith.constant 7 : i32
      %dma_wait3A_77 = arith.constant 0 : i32
      %dma_wait3A_78 = tpu.memref_slice %arg13[%dma_wait3A, %dma_wait3A_77] : memref<8x128xi32, #tpu.memory_space<vmem>> -> memref<1x128xi32, #tpu.memory_space<vmem>>
      %dma_wait3A_79 = tpu.memref_squeeze %dma_wait3A_78 : memref<1x128xi32, #tpu.memory_space<vmem>> -> memref<128xi32, #tpu.memory_space<vmem>>
      %dma_wait3A_80 = arith.constant 0 : i32
      %dma_wait3A_81 = arith.constant 0 : i32
      %dma_wait3A_82 = tpu.memref_slice %arg15[%dma_wait3A_80, %dma_wait3A_81] : memref<10240x128xf32, #tpu.memory_space<vmem_shared>> -> memref<10240x128xf32, #tpu.memory_space<vmem_shared>>
      tpu.wait_indirect_dma semaphore(%arg19 : memref<!tpu.dma_semaphore, #tpu.memory_space<semaphore_mem>>) src(%arg11 : memref<128x128xf32, #tpu.memory_space<vmem>>) dst(%dma_wait3A_82 : memref<10240x128xf32, #tpu.memory_space<vmem_shared>>)
    }
    %scan3A_13 = arith.constant 10 : i32
    %barrier3A_14 = arith.constant 0 : index
    tpu.barrier barrier_id(%barrier3A_14)
    %mul3A_15 = arith.constant 640 : i32
    %mul3A_16 = arith.muli %arg1, %mul3A_15 : i32
    %mul3A_17 = arith.constant 640 : i32
    %mul3A_18 = arith.muli %arg1, %mul3A_17 : i32
    "tpu.region"() ({
      %run_scoped3A = tpu.sem_alloc : memref<!tpu.dma_semaphore, #tpu.memory_space<semaphore_mem>>
      %dma_start3A = arith.constant 0 : i32
      %dma_start3A_58 = arith.constant 0 : i32
      %dma_start3A_59 = tpu.memref_slice %arg9[%add3A_4, %dma_start3A, %dma_start3A_58] : memref<6x10240x128xf32, #tpu.memory_space<hbm>> -> memref<1x10240x128xf32, #tpu.memory_space<hbm>>
      %dma_start3A_60 = tpu.memref_squeeze %dma_start3A_59 : memref<1x10240x128xf32, #tpu.memory_space<hbm>> -> memref<10240x128xf32, #tpu.memory_space<hbm>>
      %dma_start3A_61 = arith.constant 0 : i32
      %dma_start3A_62 = tpu.memref_slice %dma_start3A_60[%mul3A_18, %dma_start3A_61] : memref<10240x128xf32, #tpu.memory_space<hbm>> -> memref<640x128xf32, #tpu.memory_space<hbm>>
      %dma_start3A_63 = arith.constant 0 : i32
      %dma_start3A_64 = tpu.memref_slice %arg15[%mul3A_16, %dma_start3A_63] : memref<10240x128xf32, #tpu.memory_space<vmem_shared>> -> memref<640x128xf32, #tpu.memory_space<vmem_shared>>
      tpu.enqueue_dma source(%dma_start3A_64 : memref<640x128xf32, #tpu.memory_space<vmem_shared>>) target(%dma_start3A_62 : memref<640x128xf32, #tpu.memory_space<hbm>>) target_semaphore(%run_scoped3A : memref<!tpu.dma_semaphore, #tpu.memory_space<semaphore_mem>>)
      %dma_wait3A = arith.constant 0 : i32
      %dma_wait3A_65 = arith.constant 0 : i32
      %dma_wait3A_66 = tpu.memref_slice %arg9[%add3A_4, %dma_wait3A, %dma_wait3A_65] : memref<6x10240x128xf32, #tpu.memory_space<hbm>> -> memref<1x10240x128xf32, #tpu.memory_space<hbm>>
      %dma_wait3A_67 = tpu.memref_squeeze %dma_wait3A_66 : memref<1x10240x128xf32, #tpu.memory_space<hbm>> -> memref<10240x128xf32, #tpu.memory_space<hbm>>
      %dma_wait3A_68 = arith.constant 0 : i32
      %dma_wait3A_69 = tpu.memref_slice %dma_wait3A_67[%mul3A_18, %dma_wait3A_68] : memref<10240x128xf32, #tpu.memory_space<hbm>> -> memref<640x128xf32, #tpu.memory_space<hbm>>
      %dma_wait3A_70 = arith.constant 0 : i32
      %dma_wait3A_71 = tpu.memref_slice %arg15[%mul3A_16, %dma_wait3A_70] : memref<10240x128xf32, #tpu.memory_space<vmem_shared>> -> memref<640x128xf32, #tpu.memory_space<vmem_shared>>
      tpu.wait_dma2 semaphore(%run_scoped3A : memref<!tpu.dma_semaphore, #tpu.memory_space<semaphore_mem>>) src(%dma_wait3A_71 : memref<640x128xf32, #tpu.memory_space<vmem_shared>>) dst(%dma_wait3A_69 : memref<640x128xf32, #tpu.memory_space<hbm>>)
      tpu.yield
    }) : () -> ()
    %barrier3A_19 = arith.constant 0 : index
    tpu.barrier barrier_id(%barrier3A_19)
    %add3A_20 = arith.constant 2 : i32
    %add3A_21 = arith.addi %add3A_20, %arg0 : i32
    %scan3A_22 = arith.constant 0 : i32
    %scan3A_23 = arith.constant 5 : i32
    %scan3A_24 = arith.addi %scan3A_22, %scan3A_23 : i32
    %scan3A_25 = arith.constant 1 : i32
    scf.for %scan3A_58 = %scan3A_22 to %scan3A_24 step %scan3A_25  : i32 {
      %mul3A_59 = arith.constant 1 : i32
      %mul3A_60 = arith.muli %scan3A_58, %mul3A_59 : i32
      %add3A_61 = arith.constant 0 : i32
      %add3A_62 = arith.addi %add3A_61, %mul3A_60 : i32
      %mul3A_63 = arith.constant 640 : i32
      %mul3A_64 = arith.muli %arg1, %mul3A_63 : i32
      %mul3A_65 = arith.constant 128 : i32
      %mul3A_66 = arith.muli %add3A_62, %mul3A_65 : i32
      %add3A_67 = arith.addi %mul3A_64, %mul3A_66 : i32
      "tpu.region"() ({
        %run_scoped3A = tpu.sem_alloc : memref<!tpu.dma_semaphore, #tpu.memory_space<semaphore_mem>>
        %dma_start3A = arith.constant 0 : i32
        %dma_start3A_68 = tpu.memref_slice %arg15[%add3A_67, %dma_start3A] : memref<10240x128xf32, #tpu.memory_space<vmem_shared>> -> memref<128x128xf32, #tpu.memory_space<vmem_shared>>
        tpu.enqueue_dma source(%arg8 : memref<128x128xf32, #tpu.memory_space<hbm>>) target(%dma_start3A_68 : memref<128x128xf32, #tpu.memory_space<vmem_shared>>) target_semaphore(%run_scoped3A : memref<!tpu.dma_semaphore, #tpu.memory_space<semaphore_mem>>)
        %dma_wait3A = arith.constant 0 : i32
        %dma_wait3A_69 = tpu.memref_slice %arg15[%add3A_67, %dma_wait3A] : memref<10240x128xf32, #tpu.memory_space<vmem_shared>> -> memref<128x128xf32, #tpu.memory_space<vmem_shared>>
        tpu.wait_dma2 semaphore(%run_scoped3A : memref<!tpu.dma_semaphore, #tpu.memory_space<semaphore_mem>>) src(%arg8 : memref<128x128xf32, #tpu.memory_space<hbm>>) dst(%dma_wait3A_69 : memref<128x128xf32, #tpu.memory_space<vmem_shared>>)
        tpu.yield
      }) : () -> ()
    }
    %scan3A_26 = arith.constant 5 : i32
    %barrier3A_27 = arith.constant 0 : index
    tpu.barrier barrier_id(%barrier3A_27)
    %scan3A_28 = arith.constant 0 : i32
    %scan3A_29 = arith.constant 10 : i32
    %scan3A_30 = arith.addi %scan3A_28, %scan3A_29 : i32
    %scan3A_31 = arith.constant 1 : i32
    scf.for %scan3A_58 = %scan3A_28 to %scan3A_30 step %scan3A_31  : i32 {
      %mul3A_59 = arith.constant 1 : i32
      %mul3A_60 = arith.muli %scan3A_58, %mul3A_59 : i32
      %add3A_61 = arith.constant 0 : i32
      %add3A_62 = arith.addi %add3A_61, %mul3A_60 : i32
      %mul3A_63 = arith.constant 8 : i32
      %mul3A_64 = arith.muli %add3A_62, %mul3A_63 : i32
      %add3A_65 = arith.addi %mul3A_2, %mul3A_64 : i32
      "tpu.region"() ({
        %run_scoped3A = tpu.sem_alloc : memref<!tpu.dma_semaphore, #tpu.memory_space<semaphore_mem>>
        %dma_start3A_83 = arith.constant 0 : i32
        %dma_start3A_84 = tpu.memref_slice %arg5[%add3A_65, %dma_start3A_83] : memref<2560x128xi32, #tpu.memory_space<hbm>> -> memref<8x128xi32, #tpu.memory_space<hbm>>
        %dma_start3A_85 = arith.constant 0 : i32
        %dma_start3A_86 = tpu.memref_slice %arg5[%add3A_65, %dma_start3A_85] : memref<2560x128xi32, #tpu.memory_space<hbm>> -> memref<8x128xi32, #tpu.memory_space<hbm>>
        tpu.enqueue_dma source(%dma_start3A_86 : memref<8x128xi32, #tpu.memory_space<hbm>>) target(%arg12 : memref<8x128xi32, #tpu.memory_space<vmem>>) target_semaphore(%run_scoped3A : memref<!tpu.dma_semaphore, #tpu.memory_space<semaphore_mem>>)
        %dma_wait3A_87 = arith.constant 0 : i32
        %dma_wait3A_88 = tpu.memref_slice %arg5[%add3A_65, %dma_wait3A_87] : memref<2560x128xi32, #tpu.memory_space<hbm>> -> memref<8x128xi32, #tpu.memory_space<hbm>>
        %dma_wait3A_89 = arith.constant 0 : i32
        %dma_wait3A_90 = tpu.memref_slice %arg5[%add3A_65, %dma_wait3A_89] : memref<2560x128xi32, #tpu.memory_space<hbm>> -> memref<8x128xi32, #tpu.memory_space<hbm>>
        tpu.wait_dma2 semaphore(%run_scoped3A : memref<!tpu.dma_semaphore, #tpu.memory_space<semaphore_mem>>) src(%dma_wait3A_90 : memref<8x128xi32, #tpu.memory_space<hbm>>) dst(%arg12 : memref<8x128xi32, #tpu.memory_space<vmem>>)
        tpu.yield
      }) : () -> ()
      "tpu.region"() ({
        %run_scoped3A = tpu.sem_alloc : memref<!tpu.dma_semaphore, #tpu.memory_space<semaphore_mem>>
        %dma_start3A_83 = arith.constant 0 : i32
        %dma_start3A_84 = tpu.memref_slice %arg6[%add3A_65, %dma_start3A_83] : memref<2560x128xi32, #tpu.memory_space<hbm>> -> memref<8x128xi32, #tpu.memory_space<hbm>>
        %dma_start3A_85 = arith.constant 0 : i32
        %dma_start3A_86 = tpu.memref_slice %arg6[%add3A_65, %dma_start3A_85] : memref<2560x128xi32, #tpu.memory_space<hbm>> -> memref<8x128xi32, #tpu.memory_space<hbm>>
        tpu.enqueue_dma source(%dma_start3A_86 : memref<8x128xi32, #tpu.memory_space<hbm>>) target(%arg13 : memref<8x128xi32, #tpu.memory_space<vmem>>) target_semaphore(%run_scoped3A : memref<!tpu.dma_semaphore, #tpu.memory_space<semaphore_mem>>)
        %dma_wait3A_87 = arith.constant 0 : i32
        %dma_wait3A_88 = tpu.memref_slice %arg6[%add3A_65, %dma_wait3A_87] : memref<2560x128xi32, #tpu.memory_space<hbm>> -> memref<8x128xi32, #tpu.memory_space<hbm>>
        %dma_wait3A_89 = arith.constant 0 : i32
        %dma_wait3A_90 = tpu.memref_slice %arg6[%add3A_65, %dma_wait3A_89] : memref<2560x128xi32, #tpu.memory_space<hbm>> -> memref<8x128xi32, #tpu.memory_space<hbm>>
        tpu.wait_dma2 semaphore(%run_scoped3A : memref<!tpu.dma_semaphore, #tpu.memory_space<semaphore_mem>>) src(%dma_wait3A_90 : memref<8x128xi32, #tpu.memory_space<hbm>>) dst(%arg13 : memref<8x128xi32, #tpu.memory_space<vmem>>)
        tpu.yield
      }) : () -> ()
      %dma_start3A = arith.constant 0 : i32
      %dma_start3A_66 = arith.constant 0 : i32
      %dma_start3A_67 = tpu.memref_slice %arg12[%dma_start3A, %dma_start3A_66] : memref<8x128xi32, #tpu.memory_space<vmem>> -> memref<1x128xi32, #tpu.memory_space<vmem>>
      %dma_start3A_68 = tpu.memref_squeeze %dma_start3A_67 : memref<1x128xi32, #tpu.memory_space<vmem>> -> memref<128xi32, #tpu.memory_space<vmem>>
      %dma_start3A_69 = arith.constant 0 : i32
      %dma_start3A_70 = arith.constant 0 : i32
      %dma_start3A_71 = tpu.memref_slice %arg3[%dma_start3A_69, %dma_start3A_70] : memref<10000x128xf32, #tpu.memory_space<hbm>> -> memref<10000x128xf32, #tpu.memory_space<hbm>>
      tpu.enqueue_indirect_dma source(%dma_start3A_71 : memref<10000x128xf32, #tpu.memory_space<hbm>>) target(%arg10 : memref<128x128xf32, #tpu.memory_space<vmem>>) offsets(%dma_start3A_68 : memref<128xi32, #tpu.memory_space<vmem>>) semaphore(%arg16 : memref<!tpu.dma_semaphore, #tpu.memory_space<semaphore_mem>>)
      %scan3A_72 = arith.constant 0 : i32
      %scan3A_73 = arith.constant 4 : i32
      %scan3A_74 = arith.addi %scan3A_72, %scan3A_73 : i32
      %scan3A_75 = arith.constant 1 : i32
      scf.for %scan3A_83 = %scan3A_72 to %scan3A_74 step %scan3A_75  : i32 {
        %mul3A_84 = arith.constant 1 : i32
        %mul3A_85 = arith.muli %scan3A_83, %mul3A_84 : i32
        %add3A_86 = arith.constant 0 : i32
        %add3A_87 = arith.addi %add3A_86, %mul3A_85 : i32
        %mul3A_88 = arith.constant 2 : i32
        %mul3A_89 = arith.muli %mul3A_88, %add3A_87 : i32
        %add3A_90 = arith.constant 1 : i32
        %add3A_91 = arith.addi %mul3A_89, %add3A_90 : i32
        %dma_wait3A_92 = arith.constant 0 : i32
        %dma_wait3A_93 = tpu.memref_slice %arg12[%mul3A_89, %dma_wait3A_92] : memref<8x128xi32, #tpu.memory_space<vmem>> -> memref<1x128xi32, #tpu.memory_space<vmem>>
        %dma_wait3A_94 = tpu.memref_squeeze %dma_wait3A_93 : memref<1x128xi32, #tpu.memory_space<vmem>> -> memref<128xi32, #tpu.memory_space<vmem>>
        %dma_wait3A_95 = arith.constant 0 : i32
        %dma_wait3A_96 = arith.constant 0 : i32
        %dma_wait3A_97 = tpu.memref_slice %arg3[%dma_wait3A_95, %dma_wait3A_96] : memref<10000x128xf32, #tpu.memory_space<hbm>> -> memref<10000x128xf32, #tpu.memory_space<hbm>>
        tpu.wait_indirect_dma semaphore(%arg16 : memref<!tpu.dma_semaphore, #tpu.memory_space<semaphore_mem>>) src(%dma_wait3A_97 : memref<10000x128xf32, #tpu.memory_space<hbm>>) dst(%arg10 : memref<128x128xf32, #tpu.memory_space<vmem>>)
        %gt3A = arith.constant 0 : i32
        %gt3A_98 = arith.cmpi sgt, %add3A_87, %gt3A : i32
        %convert_element_type3A = arith.extui %gt3A_98 : i1 to i32
        %cond3A = arith.constant 0 : i32
        %cond3A_99 = arith.cmpi ne, %convert_element_type3A, %cond3A : i32
        scf.if %cond3A_99 {
          %sub3A = arith.constant 1 : i32
          %sub3A_134 = arith.subi %mul3A_89, %sub3A : i32
          %dma_wait3A_135 = arith.constant 0 : i32
          %dma_wait3A_136 = tpu.memref_slice %arg13[%sub3A_134, %dma_wait3A_135] : memref<8x128xi32, #tpu.memory_space<vmem>> -> memref<1x128xi32, #tpu.memory_space<vmem>>
          %dma_wait3A_137 = tpu.memref_squeeze %dma_wait3A_136 : memref<1x128xi32, #tpu.memory_space<vmem>> -> memref<128xi32, #tpu.memory_space<vmem>>
          %dma_wait3A_138 = arith.constant 0 : i32
          %dma_wait3A_139 = arith.constant 0 : i32
          %dma_wait3A_140 = tpu.memref_slice %arg15[%dma_wait3A_138, %dma_wait3A_139] : memref<10240x128xf32, #tpu.memory_space<vmem_shared>> -> memref<10240x128xf32, #tpu.memory_space<vmem_shared>>
          tpu.wait_indirect_dma semaphore(%arg19 : memref<!tpu.dma_semaphore, #tpu.memory_space<semaphore_mem>>) src(%arg11 : memref<128x128xf32, #tpu.memory_space<vmem>>) dst(%dma_wait3A_140 : memref<10240x128xf32, #tpu.memory_space<vmem_shared>>)
        } else {
        }
        %dma_start3A_100 = arith.constant 0 : i32
        %dma_start3A_101 = tpu.memref_slice %arg12[%add3A_91, %dma_start3A_100] : memref<8x128xi32, #tpu.memory_space<vmem>> -> memref<1x128xi32, #tpu.memory_space<vmem>>
        %dma_start3A_102 = tpu.memref_squeeze %dma_start3A_101 : memref<1x128xi32, #tpu.memory_space<vmem>> -> memref<128xi32, #tpu.memory_space<vmem>>
        %dma_start3A_103 = arith.constant 0 : i32
        %dma_start3A_104 = arith.constant 0 : i32
        %dma_start3A_105 = tpu.memref_slice %arg3[%dma_start3A_103, %dma_start3A_104] : memref<10000x128xf32, #tpu.memory_space<hbm>> -> memref<10000x128xf32, #tpu.memory_space<hbm>>
        tpu.enqueue_indirect_dma source(%dma_start3A_105 : memref<10000x128xf32, #tpu.memory_space<hbm>>) target(%arg11 : memref<128x128xf32, #tpu.memory_space<vmem>>) offsets(%dma_start3A_102 : memref<128xi32, #tpu.memory_space<vmem>>) semaphore(%arg17 : memref<!tpu.dma_semaphore, #tpu.memory_space<semaphore_mem>>)
        %dma_start3A_106 = arith.constant 0 : i32
        %dma_start3A_107 = tpu.memref_slice %arg13[%mul3A_89, %dma_start3A_106] : memref<8x128xi32, #tpu.memory_space<vmem>> -> memref<1x128xi32, #tpu.memory_space<vmem>>
        %dma_start3A_108 = tpu.memref_squeeze %dma_start3A_107 : memref<1x128xi32, #tpu.memory_space<vmem>> -> memref<128xi32, #tpu.memory_space<vmem>>
        %dma_start3A_109 = arith.constant 0 : i32
        %dma_start3A_110 = arith.constant 0 : i32
        %dma_start3A_111 = tpu.memref_slice %arg15[%dma_start3A_109, %dma_start3A_110] : memref<10240x128xf32, #tpu.memory_space<vmem_shared>> -> memref<10240x128xf32, #tpu.memory_space<vmem_shared>>
        tpu.enqueue_indirect_dma source(%arg10 : memref<128x128xf32, #tpu.memory_space<vmem>>) target(%dma_start3A_111 : memref<10240x128xf32, #tpu.memory_space<vmem_shared>>) offsets(%dma_start3A_108 : memref<128xi32, #tpu.memory_space<vmem>>) semaphore(%arg18 : memref<!tpu.dma_semaphore, #tpu.memory_space<semaphore_mem>>) {add = true}
        %dma_wait3A_112 = arith.constant 0 : i32
        %dma_wait3A_113 = tpu.memref_slice %arg12[%add3A_91, %dma_wait3A_112] : memref<8x128xi32, #tpu.memory_space<vmem>> -> memref<1x128xi32, #tpu.memory_space<vmem>>
        %dma_wait3A_114 = tpu.memref_squeeze %dma_wait3A_113 : memref<1x128xi32, #tpu.memory_space<vmem>> -> memref<128xi32, #tpu.memory_space<vmem>>
        %dma_wait3A_115 = arith.constant 0 : i32
        %dma_wait3A_116 = arith.constant 0 : i32
        %dma_wait3A_117 = tpu.memref_slice %arg3[%dma_wait3A_115, %dma_wait3A_116] : memref<10000x128xf32, #tpu.memory_space<hbm>> -> memref<10000x128xf32, #tpu.memory_space<hbm>>
        tpu.wait_indirect_dma semaphore(%arg17 : memref<!tpu.dma_semaphore, #tpu.memory_space<semaphore_mem>>) src(%dma_wait3A_117 : memref<10000x128xf32, #tpu.memory_space<hbm>>) dst(%arg11 : memref<128x128xf32, #tpu.memory_space<vmem>>)
        %dma_wait3A_118 = arith.constant 0 : i32
        %dma_wait3A_119 = tpu.memref_slice %arg13[%mul3A_89, %dma_wait3A_118] : memref<8x128xi32, #tpu.memory_space<vmem>> -> memref<1x128xi32, #tpu.memory_space<vmem>>
        %dma_wait3A_120 = tpu.memref_squeeze %dma_wait3A_119 : memref<1x128xi32, #tpu.memory_space<vmem>> -> memref<128xi32, #tpu.memory_space<vmem>>
        %dma_wait3A_121 = arith.constant 0 : i32
        %dma_wait3A_122 = arith.constant 0 : i32
        %dma_wait3A_123 = tpu.memref_slice %arg15[%dma_wait3A_121, %dma_wait3A_122] : memref<10240x128xf32, #tpu.memory_space<vmem_shared>> -> memref<10240x128xf32, #tpu.memory_space<vmem_shared>>
        tpu.wait_indirect_dma semaphore(%arg18 : memref<!tpu.dma_semaphore, #tpu.memory_space<semaphore_mem>>) src(%arg10 : memref<128x128xf32, #tpu.memory_space<vmem>>) dst(%dma_wait3A_123 : memref<10240x128xf32, #tpu.memory_space<vmem_shared>>)
        %lt3A = arith.constant 3 : i32
        %lt3A_124 = arith.cmpi slt, %add3A_87, %lt3A : i32
        %convert_element_type3A_125 = arith.extui %lt3A_124 : i1 to i32
        %cond3A_126 = arith.constant 0 : i32
        %cond3A_127 = arith.cmpi ne, %convert_element_type3A_125, %cond3A_126 : i32
        scf.if %cond3A_127 {
          %add3A_134 = arith.constant 2 : i32
          %add3A_135 = arith.addi %mul3A_89, %add3A_134 : i32
          %dma_start3A_136 = arith.constant 0 : i32
          %dma_start3A_137 = tpu.memref_slice %arg12[%add3A_135, %dma_start3A_136] : memref<8x128xi32, #tpu.memory_space<vmem>> -> memref<1x128xi32, #tpu.memory_space<vmem>>
          %dma_start3A_138 = tpu.memref_squeeze %dma_start3A_137 : memref<1x128xi32, #tpu.memory_space<vmem>> -> memref<128xi32, #tpu.memory_space<vmem>>
          %dma_start3A_139 = arith.constant 0 : i32
          %dma_start3A_140 = arith.constant 0 : i32
          %dma_start3A_141 = tpu.memref_slice %arg3[%dma_start3A_139, %dma_start3A_140] : memref<10000x128xf32, #tpu.memory_space<hbm>> -> memref<10000x128xf32, #tpu.memory_space<hbm>>
          tpu.enqueue_indirect_dma source(%dma_start3A_141 : memref<10000x128xf32, #tpu.memory_space<hbm>>) target(%arg10 : memref<128x128xf32, #tpu.memory_space<vmem>>) offsets(%dma_start3A_138 : memref<128xi32, #tpu.memory_space<vmem>>) semaphore(%arg16 : memref<!tpu.dma_semaphore, #tpu.memory_space<semaphore_mem>>)
        } else {
        }
        %dma_start3A_128 = arith.constant 0 : i32
        %dma_start3A_129 = tpu.memref_slice %arg13[%add3A_91, %dma_start3A_128] : memref<8x128xi32, #tpu.memory_space<vmem>> -> memref<1x128xi32, #tpu.memory_space<vmem>>
        %dma_start3A_130 = tpu.memref_squeeze %dma_start3A_129 : memref<1x128xi32, #tpu.memory_space<vmem>> -> memref<128xi32, #tpu.memory_space<vmem>>
        %dma_start3A_131 = arith.constant 0 : i32
        %dma_start3A_132 = arith.constant 0 : i32
        %dma_start3A_133 = tpu.memref_slice %arg15[%dma_start3A_131, %dma_start3A_132] : memref<10240x128xf32, #tpu.memory_space<vmem_shared>> -> memref<10240x128xf32, #tpu.memory_space<vmem_shared>>
        tpu.enqueue_indirect_dma source(%arg11 : memref<128x128xf32, #tpu.memory_space<vmem>>) target(%dma_start3A_133 : memref<10240x128xf32, #tpu.memory_space<vmem_shared>>) offsets(%dma_start3A_130 : memref<128xi32, #tpu.memory_space<vmem>>) semaphore(%arg19 : memref<!tpu.dma_semaphore, #tpu.memory_space<semaphore_mem>>) {add = true}
      }
      %scan3A_76 = arith.constant 4 : i32
      %dma_wait3A = arith.constant 7 : i32
      %dma_wait3A_77 = arith.constant 0 : i32
      %dma_wait3A_78 = tpu.memref_slice %arg13[%dma_wait3A, %dma_wait3A_77] : memref<8x128xi32, #tpu.memory_space<vmem>> -> memref<1x128xi32, #tpu.memory_space<vmem>>
      %dma_wait3A_79 = tpu.memref_squeeze %dma_wait3A_78 : memref<1x128xi32, #tpu.memory_space<vmem>> -> memref<128xi32, #tpu.memory_space<vmem>>
      %dma_wait3A_80 = arith.constant 0 : i32
      %dma_wait3A_81 = arith.constant 0 : i32
      %dma_wait3A_82 = tpu.memref_slice %arg15[%dma_wait3A_80, %dma_wait3A_81] : memref<10240x128xf32, #tpu.memory_space<vmem_shared>> -> memref<10240x128xf32, #tpu.memory_space<vmem_shared>>
      tpu.wait_indirect_dma semaphore(%arg19 : memref<!tpu.dma_semaphore, #tpu.memory_space<semaphore_mem>>) src(%arg11 : memref<128x128xf32, #tpu.memory_space<vmem>>) dst(%dma_wait3A_82 : memref<10240x128xf32, #tpu.memory_space<vmem_shared>>)
    }
    %scan3A_32 = arith.constant 10 : i32
    %barrier3A_33 = arith.constant 0 : index
    tpu.barrier barrier_id(%barrier3A_33)
    %mul3A_34 = arith.constant 640 : i32
    %mul3A_35 = arith.muli %arg1, %mul3A_34 : i32
    %mul3A_36 = arith.constant 640 : i32
    %mul3A_37 = arith.muli %arg1, %mul3A_36 : i32
    "tpu.region"() ({
      %run_scoped3A = tpu.sem_alloc : memref<!tpu.dma_semaphore, #tpu.memory_space<semaphore_mem>>
      %dma_start3A = arith.constant 0 : i32
      %dma_start3A_58 = arith.constant 0 : i32
      %dma_start3A_59 = tpu.memref_slice %arg9[%add3A_21, %dma_start3A, %dma_start3A_58] : memref<6x10240x128xf32, #tpu.memory_space<hbm>> -> memref<1x10240x128xf32, #tpu.memory_space<hbm>>
      %dma_start3A_60 = tpu.memref_squeeze %dma_start3A_59 : memref<1x10240x128xf32, #tpu.memory_space<hbm>> -> memref<10240x128xf32, #tpu.memory_space<hbm>>
      %dma_start3A_61 = arith.constant 0 : i32
      %dma_start3A_62 = tpu.memref_slice %dma_start3A_60[%mul3A_37, %dma_start3A_61] : memref<10240x128xf32, #tpu.memory_space<hbm>> -> memref<640x128xf32, #tpu.memory_space<hbm>>
      %dma_start3A_63 = arith.constant 0 : i32
      %dma_start3A_64 = tpu.memref_slice %arg15[%mul3A_35, %dma_start3A_63] : memref<10240x128xf32, #tpu.memory_space<vmem_shared>> -> memref<640x128xf32, #tpu.memory_space<vmem_shared>>
      tpu.enqueue_dma source(%dma_start3A_64 : memref<640x128xf32, #tpu.memory_space<vmem_shared>>) target(%dma_start3A_62 : memref<640x128xf32, #tpu.memory_space<hbm>>) target_semaphore(%run_scoped3A : memref<!tpu.dma_semaphore, #tpu.memory_space<semaphore_mem>>)
      %dma_wait3A = arith.constant 0 : i32
      %dma_wait3A_65 = arith.constant 0 : i32
      %dma_wait3A_66 = tpu.memref_slice %arg9[%add3A_21, %dma_wait3A, %dma_wait3A_65] : memref<6x10240x128xf32, #tpu.memory_space<hbm>> -> memref<1x10240x128xf32, #tpu.memory_space<hbm>>
      %dma_wait3A_67 = tpu.memref_squeeze %dma_wait3A_66 : memref<1x10240x128xf32, #tpu.memory_space<hbm>> -> memref<10240x128xf32, #tpu.memory_space<hbm>>
      %dma_wait3A_68 = arith.constant 0 : i32
      %dma_wait3A_69 = tpu.memref_slice %dma_wait3A_67[%mul3A_37, %dma_wait3A_68] : memref<10240x128xf32, #tpu.memory_space<hbm>> -> memref<640x128xf32, #tpu.memory_space<hbm>>
      %dma_wait3A_70 = arith.constant 0 : i32
      %dma_wait3A_71 = tpu.memref_slice %arg15[%mul3A_35, %dma_wait3A_70] : memref<10240x128xf32, #tpu.memory_space<vmem_shared>> -> memref<640x128xf32, #tpu.memory_space<vmem_shared>>
      tpu.wait_dma2 semaphore(%run_scoped3A : memref<!tpu.dma_semaphore, #tpu.memory_space<semaphore_mem>>) src(%dma_wait3A_71 : memref<640x128xf32, #tpu.memory_space<vmem_shared>>) dst(%dma_wait3A_69 : memref<640x128xf32, #tpu.memory_space<hbm>>)
      tpu.yield
    }) : () -> ()
    %barrier3A_38 = arith.constant 0 : index
    tpu.barrier barrier_id(%barrier3A_38)
    %add3A_39 = arith.constant 4 : i32
    %add3A_40 = arith.addi %add3A_39, %arg0 : i32
    %scan3A_41 = arith.constant 0 : i32
    %scan3A_42 = arith.constant 5 : i32
    %scan3A_43 = arith.addi %scan3A_41, %scan3A_42 : i32
    %scan3A_44 = arith.constant 1 : i32
    scf.for %scan3A_58 = %scan3A_41 to %scan3A_43 step %scan3A_44  : i32 {
      %mul3A_59 = arith.constant 1 : i32
      %mul3A_60 = arith.muli %scan3A_58, %mul3A_59 : i32
      %add3A_61 = arith.constant 0 : i32
      %add3A_62 = arith.addi %add3A_61, %mul3A_60 : i32
      %mul3A_63 = arith.constant 640 : i32
      %mul3A_64 = arith.muli %arg1, %mul3A_63 : i32
      %mul3A_65 = arith.constant 128 : i32
      %mul3A_66 = arith.muli %add3A_62, %mul3A_65 : i32
      %add3A_67 = arith.addi %mul3A_64, %mul3A_66 : i32
      "tpu.region"() ({
        %run_scoped3A = tpu.sem_alloc : memref<!tpu.dma_semaphore, #tpu.memory_space<semaphore_mem>>
        %dma_start3A = arith.constant 0 : i32
        %dma_start3A_68 = tpu.memref_slice %arg15[%add3A_67, %dma_start3A] : memref<10240x128xf32, #tpu.memory_space<vmem_shared>> -> memref<128x128xf32, #tpu.memory_space<vmem_shared>>
        tpu.enqueue_dma source(%arg8 : memref<128x128xf32, #tpu.memory_space<hbm>>) target(%dma_start3A_68 : memref<128x128xf32, #tpu.memory_space<vmem_shared>>) target_semaphore(%run_scoped3A : memref<!tpu.dma_semaphore, #tpu.memory_space<semaphore_mem>>)
        %dma_wait3A = arith.constant 0 : i32
        %dma_wait3A_69 = tpu.memref_slice %arg15[%add3A_67, %dma_wait3A] : memref<10240x128xf32, #tpu.memory_space<vmem_shared>> -> memref<128x128xf32, #tpu.memory_space<vmem_shared>>
        tpu.wait_dma2 semaphore(%run_scoped3A : memref<!tpu.dma_semaphore, #tpu.memory_space<semaphore_mem>>) src(%arg8 : memref<128x128xf32, #tpu.memory_space<hbm>>) dst(%dma_wait3A_69 : memref<128x128xf32, #tpu.memory_space<vmem_shared>>)
        tpu.yield
      }) : () -> ()
    }
    %scan3A_45 = arith.constant 5 : i32
    %barrier3A_46 = arith.constant 0 : index
    tpu.barrier barrier_id(%barrier3A_46)
    %scan3A_47 = arith.constant 0 : i32
    %scan3A_48 = arith.constant 10 : i32
    %scan3A_49 = arith.addi %scan3A_47, %scan3A_48 : i32
    %scan3A_50 = arith.constant 1 : i32
    scf.for %scan3A_58 = %scan3A_47 to %scan3A_49 step %scan3A_50  : i32 {
      %mul3A_59 = arith.constant 1 : i32
      %mul3A_60 = arith.muli %scan3A_58, %mul3A_59 : i32
      %add3A_61 = arith.constant 0 : i32
      %add3A_62 = arith.addi %add3A_61, %mul3A_60 : i32
      %mul3A_63 = arith.constant 8 : i32
      %mul3A_64 = arith.muli %add3A_62, %mul3A_63 : i32
      %add3A_65 = arith.addi %mul3A_2, %mul3A_64 : i32
      "tpu.region"() ({
        %run_scoped3A = tpu.sem_alloc : memref<!tpu.dma_semaphore, #tpu.memory_space<semaphore_mem>>
        %dma_start3A_83 = arith.constant 0 : i32
        %dma_start3A_84 = tpu.memref_slice %arg5[%add3A_65, %dma_start3A_83] : memref<2560x128xi32, #tpu.memory_space<hbm>> -> memref<8x128xi32, #tpu.memory_space<hbm>>
        %dma_start3A_85 = arith.constant 0 : i32
        %dma_start3A_86 = tpu.memref_slice %arg5[%add3A_65, %dma_start3A_85] : memref<2560x128xi32, #tpu.memory_space<hbm>> -> memref<8x128xi32, #tpu.memory_space<hbm>>
        tpu.enqueue_dma source(%dma_start3A_86 : memref<8x128xi32, #tpu.memory_space<hbm>>) target(%arg12 : memref<8x128xi32, #tpu.memory_space<vmem>>) target_semaphore(%run_scoped3A : memref<!tpu.dma_semaphore, #tpu.memory_space<semaphore_mem>>)
        %dma_wait3A_87 = arith.constant 0 : i32
        %dma_wait3A_88 = tpu.memref_slice %arg5[%add3A_65, %dma_wait3A_87] : memref<2560x128xi32, #tpu.memory_space<hbm>> -> memref<8x128xi32, #tpu.memory_space<hbm>>
        %dma_wait3A_89 = arith.constant 0 : i32
        %dma_wait3A_90 = tpu.memref_slice %arg5[%add3A_65, %dma_wait3A_89] : memref<2560x128xi32, #tpu.memory_space<hbm>> -> memref<8x128xi32, #tpu.memory_space<hbm>>
        tpu.wait_dma2 semaphore(%run_scoped3A : memref<!tpu.dma_semaphore, #tpu.memory_space<semaphore_mem>>) src(%dma_wait3A_90 : memref<8x128xi32, #tpu.memory_space<hbm>>) dst(%arg12 : memref<8x128xi32, #tpu.memory_space<vmem>>)
        tpu.yield
      }) : () -> ()
      "tpu.region"() ({
        %run_scoped3A = tpu.sem_alloc : memref<!tpu.dma_semaphore, #tpu.memory_space<semaphore_mem>>
        %dma_start3A_83 = arith.constant 0 : i32
        %dma_start3A_84 = tpu.memref_slice %arg6[%add3A_65, %dma_start3A_83] : memref<2560x128xi32, #tpu.memory_space<hbm>> -> memref<8x128xi32, #tpu.memory_space<hbm>>
        %dma_start3A_85 = arith.constant 0 : i32
        %dma_start3A_86 = tpu.memref_slice %arg6[%add3A_65, %dma_start3A_85] : memref<2560x128xi32, #tpu.memory_space<hbm>> -> memref<8x128xi32, #tpu.memory_space<hbm>>
        tpu.enqueue_dma source(%dma_start3A_86 : memref<8x128xi32, #tpu.memory_space<hbm>>) target(%arg13 : memref<8x128xi32, #tpu.memory_space<vmem>>) target_semaphore(%run_scoped3A : memref<!tpu.dma_semaphore, #tpu.memory_space<semaphore_mem>>)
        %dma_wait3A_87 = arith.constant 0 : i32
        %dma_wait3A_88 = tpu.memref_slice %arg6[%add3A_65, %dma_wait3A_87] : memref<2560x128xi32, #tpu.memory_space<hbm>> -> memref<8x128xi32, #tpu.memory_space<hbm>>
        %dma_wait3A_89 = arith.constant 0 : i32
        %dma_wait3A_90 = tpu.memref_slice %arg6[%add3A_65, %dma_wait3A_89] : memref<2560x128xi32, #tpu.memory_space<hbm>> -> memref<8x128xi32, #tpu.memory_space<hbm>>
        tpu.wait_dma2 semaphore(%run_scoped3A : memref<!tpu.dma_semaphore, #tpu.memory_space<semaphore_mem>>) src(%dma_wait3A_90 : memref<8x128xi32, #tpu.memory_space<hbm>>) dst(%arg13 : memref<8x128xi32, #tpu.memory_space<vmem>>)
        tpu.yield
      }) : () -> ()
      %dma_start3A = arith.constant 0 : i32
      %dma_start3A_66 = arith.constant 0 : i32
      %dma_start3A_67 = tpu.memref_slice %arg12[%dma_start3A, %dma_start3A_66] : memref<8x128xi32, #tpu.memory_space<vmem>> -> memref<1x128xi32, #tpu.memory_space<vmem>>
      %dma_start3A_68 = tpu.memref_squeeze %dma_start3A_67 : memref<1x128xi32, #tpu.memory_space<vmem>> -> memref<128xi32, #tpu.memory_space<vmem>>
      %dma_start3A_69 = arith.constant 0 : i32
      %dma_start3A_70 = arith.constant 0 : i32
      %dma_start3A_71 = tpu.memref_slice %arg4[%dma_start3A_69, %dma_start3A_70] : memref<10000x128xf32, #tpu.memory_space<hbm>> -> memref<10000x128xf32, #tpu.memory_space<hbm>>
      tpu.enqueue_indirect_dma source(%dma_start3A_71 : memref<10000x128xf32, #tpu.memory_space<hbm>>) target(%arg10 : memref<128x128xf32, #tpu.memory_space<vmem>>) offsets(%dma_start3A_68 : memref<128xi32, #tpu.memory_space<vmem>>) semaphore(%arg16 : memref<!tpu.dma_semaphore, #tpu.memory_space<semaphore_mem>>)
      %scan3A_72 = arith.constant 0 : i32
      %scan3A_73 = arith.constant 4 : i32
      %scan3A_74 = arith.addi %scan3A_72, %scan3A_73 : i32
      %scan3A_75 = arith.constant 1 : i32
      scf.for %scan3A_83 = %scan3A_72 to %scan3A_74 step %scan3A_75  : i32 {
        %mul3A_84 = arith.constant 1 : i32
        %mul3A_85 = arith.muli %scan3A_83, %mul3A_84 : i32
        %add3A_86 = arith.constant 0 : i32
        %add3A_87 = arith.addi %add3A_86, %mul3A_85 : i32
        %mul3A_88 = arith.constant 2 : i32
        %mul3A_89 = arith.muli %mul3A_88, %add3A_87 : i32
        %add3A_90 = arith.constant 1 : i32
        %add3A_91 = arith.addi %mul3A_89, %add3A_90 : i32
        %dma_wait3A_92 = arith.constant 0 : i32
        %dma_wait3A_93 = tpu.memref_slice %arg12[%mul3A_89, %dma_wait3A_92] : memref<8x128xi32, #tpu.memory_space<vmem>> -> memref<1x128xi32, #tpu.memory_space<vmem>>
        %dma_wait3A_94 = tpu.memref_squeeze %dma_wait3A_93 : memref<1x128xi32, #tpu.memory_space<vmem>> -> memref<128xi32, #tpu.memory_space<vmem>>
        %dma_wait3A_95 = arith.constant 0 : i32
        %dma_wait3A_96 = arith.constant 0 : i32
        %dma_wait3A_97 = tpu.memref_slice %arg4[%dma_wait3A_95, %dma_wait3A_96] : memref<10000x128xf32, #tpu.memory_space<hbm>> -> memref<10000x128xf32, #tpu.memory_space<hbm>>
        tpu.wait_indirect_dma semaphore(%arg16 : memref<!tpu.dma_semaphore, #tpu.memory_space<semaphore_mem>>) src(%dma_wait3A_97 : memref<10000x128xf32, #tpu.memory_space<hbm>>) dst(%arg10 : memref<128x128xf32, #tpu.memory_space<vmem>>)
        %gt3A = arith.constant 0 : i32
        %gt3A_98 = arith.cmpi sgt, %add3A_87, %gt3A : i32
        %convert_element_type3A = arith.extui %gt3A_98 : i1 to i32
        %cond3A = arith.constant 0 : i32
        %cond3A_99 = arith.cmpi ne, %convert_element_type3A, %cond3A : i32
        scf.if %cond3A_99 {
          %sub3A = arith.constant 1 : i32
          %sub3A_134 = arith.subi %mul3A_89, %sub3A : i32
          %dma_wait3A_135 = arith.constant 0 : i32
          %dma_wait3A_136 = tpu.memref_slice %arg13[%sub3A_134, %dma_wait3A_135] : memref<8x128xi32, #tpu.memory_space<vmem>> -> memref<1x128xi32, #tpu.memory_space<vmem>>
          %dma_wait3A_137 = tpu.memref_squeeze %dma_wait3A_136 : memref<1x128xi32, #tpu.memory_space<vmem>> -> memref<128xi32, #tpu.memory_space<vmem>>
          %dma_wait3A_138 = arith.constant 0 : i32
          %dma_wait3A_139 = arith.constant 0 : i32
          %dma_wait3A_140 = tpu.memref_slice %arg15[%dma_wait3A_138, %dma_wait3A_139] : memref<10240x128xf32, #tpu.memory_space<vmem_shared>> -> memref<10240x128xf32, #tpu.memory_space<vmem_shared>>
          tpu.wait_indirect_dma semaphore(%arg19 : memref<!tpu.dma_semaphore, #tpu.memory_space<semaphore_mem>>) src(%arg11 : memref<128x128xf32, #tpu.memory_space<vmem>>) dst(%dma_wait3A_140 : memref<10240x128xf32, #tpu.memory_space<vmem_shared>>)
        } else {
        }
        %dma_start3A_100 = arith.constant 0 : i32
        %dma_start3A_101 = tpu.memref_slice %arg12[%add3A_91, %dma_start3A_100] : memref<8x128xi32, #tpu.memory_space<vmem>> -> memref<1x128xi32, #tpu.memory_space<vmem>>
        %dma_start3A_102 = tpu.memref_squeeze %dma_start3A_101 : memref<1x128xi32, #tpu.memory_space<vmem>> -> memref<128xi32, #tpu.memory_space<vmem>>
        %dma_start3A_103 = arith.constant 0 : i32
        %dma_start3A_104 = arith.constant 0 : i32
        %dma_start3A_105 = tpu.memref_slice %arg4[%dma_start3A_103, %dma_start3A_104] : memref<10000x128xf32, #tpu.memory_space<hbm>> -> memref<10000x128xf32, #tpu.memory_space<hbm>>
        tpu.enqueue_indirect_dma source(%dma_start3A_105 : memref<10000x128xf32, #tpu.memory_space<hbm>>) target(%arg11 : memref<128x128xf32, #tpu.memory_space<vmem>>) offsets(%dma_start3A_102 : memref<128xi32, #tpu.memory_space<vmem>>) semaphore(%arg17 : memref<!tpu.dma_semaphore, #tpu.memory_space<semaphore_mem>>)
        %dma_start3A_106 = arith.constant 0 : i32
        %dma_start3A_107 = tpu.memref_slice %arg13[%mul3A_89, %dma_start3A_106] : memref<8x128xi32, #tpu.memory_space<vmem>> -> memref<1x128xi32, #tpu.memory_space<vmem>>
        %dma_start3A_108 = tpu.memref_squeeze %dma_start3A_107 : memref<1x128xi32, #tpu.memory_space<vmem>> -> memref<128xi32, #tpu.memory_space<vmem>>
        %dma_start3A_109 = arith.constant 0 : i32
        %dma_start3A_110 = arith.constant 0 : i32
        %dma_start3A_111 = tpu.memref_slice %arg15[%dma_start3A_109, %dma_start3A_110] : memref<10240x128xf32, #tpu.memory_space<vmem_shared>> -> memref<10240x128xf32, #tpu.memory_space<vmem_shared>>
        tpu.enqueue_indirect_dma source(%arg10 : memref<128x128xf32, #tpu.memory_space<vmem>>) target(%dma_start3A_111 : memref<10240x128xf32, #tpu.memory_space<vmem_shared>>) offsets(%dma_start3A_108 : memref<128xi32, #tpu.memory_space<vmem>>) semaphore(%arg18 : memref<!tpu.dma_semaphore, #tpu.memory_space<semaphore_mem>>) {add = true}
        %dma_wait3A_112 = arith.constant 0 : i32
        %dma_wait3A_113 = tpu.memref_slice %arg12[%add3A_91, %dma_wait3A_112] : memref<8x128xi32, #tpu.memory_space<vmem>> -> memref<1x128xi32, #tpu.memory_space<vmem>>
        %dma_wait3A_114 = tpu.memref_squeeze %dma_wait3A_113 : memref<1x128xi32, #tpu.memory_space<vmem>> -> memref<128xi32, #tpu.memory_space<vmem>>
        %dma_wait3A_115 = arith.constant 0 : i32
        %dma_wait3A_116 = arith.constant 0 : i32
        %dma_wait3A_117 = tpu.memref_slice %arg4[%dma_wait3A_115, %dma_wait3A_116] : memref<10000x128xf32, #tpu.memory_space<hbm>> -> memref<10000x128xf32, #tpu.memory_space<hbm>>
        tpu.wait_indirect_dma semaphore(%arg17 : memref<!tpu.dma_semaphore, #tpu.memory_space<semaphore_mem>>) src(%dma_wait3A_117 : memref<10000x128xf32, #tpu.memory_space<hbm>>) dst(%arg11 : memref<128x128xf32, #tpu.memory_space<vmem>>)
        %dma_wait3A_118 = arith.constant 0 : i32
        %dma_wait3A_119 = tpu.memref_slice %arg13[%mul3A_89, %dma_wait3A_118] : memref<8x128xi32, #tpu.memory_space<vmem>> -> memref<1x128xi32, #tpu.memory_space<vmem>>
        %dma_wait3A_120 = tpu.memref_squeeze %dma_wait3A_119 : memref<1x128xi32, #tpu.memory_space<vmem>> -> memref<128xi32, #tpu.memory_space<vmem>>
        %dma_wait3A_121 = arith.constant 0 : i32
        %dma_wait3A_122 = arith.constant 0 : i32
        %dma_wait3A_123 = tpu.memref_slice %arg15[%dma_wait3A_121, %dma_wait3A_122] : memref<10240x128xf32, #tpu.memory_space<vmem_shared>> -> memref<10240x128xf32, #tpu.memory_space<vmem_shared>>
        tpu.wait_indirect_dma semaphore(%arg18 : memref<!tpu.dma_semaphore, #tpu.memory_space<semaphore_mem>>) src(%arg10 : memref<128x128xf32, #tpu.memory_space<vmem>>) dst(%dma_wait3A_123 : memref<10240x128xf32, #tpu.memory_space<vmem_shared>>)
        %lt3A = arith.constant 3 : i32
        %lt3A_124 = arith.cmpi slt, %add3A_87, %lt3A : i32
        %convert_element_type3A_125 = arith.extui %lt3A_124 : i1 to i32
        %cond3A_126 = arith.constant 0 : i32
        %cond3A_127 = arith.cmpi ne, %convert_element_type3A_125, %cond3A_126 : i32
        scf.if %cond3A_127 {
          %add3A_134 = arith.constant 2 : i32
          %add3A_135 = arith.addi %mul3A_89, %add3A_134 : i32
          %dma_start3A_136 = arith.constant 0 : i32
          %dma_start3A_137 = tpu.memref_slice %arg12[%add3A_135, %dma_start3A_136] : memref<8x128xi32, #tpu.memory_space<vmem>> -> memref<1x128xi32, #tpu.memory_space<vmem>>
          %dma_start3A_138 = tpu.memref_squeeze %dma_start3A_137 : memref<1x128xi32, #tpu.memory_space<vmem>> -> memref<128xi32, #tpu.memory_space<vmem>>
          %dma_start3A_139 = arith.constant 0 : i32
          %dma_start3A_140 = arith.constant 0 : i32
          %dma_start3A_141 = tpu.memref_slice %arg4[%dma_start3A_139, %dma_start3A_140] : memref<10000x128xf32, #tpu.memory_space<hbm>> -> memref<10000x128xf32, #tpu.memory_space<hbm>>
          tpu.enqueue_indirect_dma source(%dma_start3A_141 : memref<10000x128xf32, #tpu.memory_space<hbm>>) target(%arg10 : memref<128x128xf32, #tpu.memory_space<vmem>>) offsets(%dma_start3A_138 : memref<128xi32, #tpu.memory_space<vmem>>) semaphore(%arg16 : memref<!tpu.dma_semaphore, #tpu.memory_space<semaphore_mem>>)
        } else {
        }
        %dma_start3A_128 = arith.constant 0 : i32
        %dma_start3A_129 = tpu.memref_slice %arg13[%add3A_91, %dma_start3A_128] : memref<8x128xi32, #tpu.memory_space<vmem>> -> memref<1x128xi32, #tpu.memory_space<vmem>>
        %dma_start3A_130 = tpu.memref_squeeze %dma_start3A_129 : memref<1x128xi32, #tpu.memory_space<vmem>> -> memref<128xi32, #tpu.memory_space<vmem>>
        %dma_start3A_131 = arith.constant 0 : i32
        %dma_start3A_132 = arith.constant 0 : i32
        %dma_start3A_133 = tpu.memref_slice %arg15[%dma_start3A_131, %dma_start3A_132] : memref<10240x128xf32, #tpu.memory_space<vmem_shared>> -> memref<10240x128xf32, #tpu.memory_space<vmem_shared>>
        tpu.enqueue_indirect_dma source(%arg11 : memref<128x128xf32, #tpu.memory_space<vmem>>) target(%dma_start3A_133 : memref<10240x128xf32, #tpu.memory_space<vmem_shared>>) offsets(%dma_start3A_130 : memref<128xi32, #tpu.memory_space<vmem>>) semaphore(%arg19 : memref<!tpu.dma_semaphore, #tpu.memory_space<semaphore_mem>>) {add = true}
      }
      %scan3A_76 = arith.constant 4 : i32
      %dma_wait3A = arith.constant 7 : i32
      %dma_wait3A_77 = arith.constant 0 : i32
      %dma_wait3A_78 = tpu.memref_slice %arg13[%dma_wait3A, %dma_wait3A_77] : memref<8x128xi32, #tpu.memory_space<vmem>> -> memref<1x128xi32, #tpu.memory_space<vmem>>
      %dma_wait3A_79 = tpu.memref_squeeze %dma_wait3A_78 : memref<1x128xi32, #tpu.memory_space<vmem>> -> memref<128xi32, #tpu.memory_space<vmem>>
      %dma_wait3A_80 = arith.constant 0 : i32
      %dma_wait3A_81 = arith.constant 0 : i32
      %dma_wait3A_82 = tpu.memref_slice %arg15[%dma_wait3A_80, %dma_wait3A_81] : memref<10240x128xf32, #tpu.memory_space<vmem_shared>> -> memref<10240x128xf32, #tpu.memory_space<vmem_shared>>
      tpu.wait_indirect_dma semaphore(%arg19 : memref<!tpu.dma_semaphore, #tpu.memory_space<semaphore_mem>>) src(%arg11 : memref<128x128xf32, #tpu.memory_space<vmem>>) dst(%dma_wait3A_82 : memref<10240x128xf32, #tpu.memory_space<vmem_shared>>)
    }
    %scan3A_51 = arith.constant 10 : i32
    %barrier3A_52 = arith.constant 0 : index
    tpu.barrier barrier_id(%barrier3A_52)
    %mul3A_53 = arith.constant 640 : i32
    %mul3A_54 = arith.muli %arg1, %mul3A_53 : i32
    %mul3A_55 = arith.constant 640 : i32
    %mul3A_56 = arith.muli %arg1, %mul3A_55 : i32
    "tpu.region"() ({
      %run_scoped3A = tpu.sem_alloc : memref<!tpu.dma_semaphore, #tpu.memory_space<semaphore_mem>>
      %dma_start3A = arith.constant 0 : i32
      %dma_start3A_58 = arith.constant 0 : i32
      %dma_start3A_59 = tpu.memref_slice %arg9[%add3A_40, %dma_start3A, %dma_start3A_58] : memref<6x10240x128xf32, #tpu.memory_space<hbm>> -> memref<1x10240x128xf32, #tpu.memory_space<hbm>>
      %dma_start3A_60 = tpu.memref_squeeze %dma_start3A_59 : memref<1x10240x128xf32, #tpu.memory_space<hbm>> -> memref<10240x128xf32, #tpu.memory_space<hbm>>
      %dma_start3A_61 = arith.constant 0 : i32
      %dma_start3A_62 = tpu.memref_slice %dma_start3A_60[%mul3A_56, %dma_start3A_61] : memref<10240x128xf32, #tpu.memory_space<hbm>> -> memref<640x128xf32, #tpu.memory_space<hbm>>
      %dma_start3A_63 = arith.constant 0 : i32
      %dma_start3A_64 = tpu.memref_slice %arg15[%mul3A_54, %dma_start3A_63] : memref<10240x128xf32, #tpu.memory_space<vmem_shared>> -> memref<640x128xf32, #tpu.memory_space<vmem_shared>>
      tpu.enqueue_dma source(%dma_start3A_64 : memref<640x128xf32, #tpu.memory_space<vmem_shared>>) target(%dma_start3A_62 : memref<640x128xf32, #tpu.memory_space<hbm>>) target_semaphore(%run_scoped3A : memref<!tpu.dma_semaphore, #tpu.memory_space<semaphore_mem>>)
      %dma_wait3A = arith.constant 0 : i32
      %dma_wait3A_65 = arith.constant 0 : i32
      %dma_wait3A_66 = tpu.memref_slice %arg9[%add3A_40, %dma_wait3A, %dma_wait3A_65] : memref<6x10240x128xf32, #tpu.memory_space<hbm>> -> memref<1x10240x128xf32, #tpu.memory_space<hbm>>
      %dma_wait3A_67 = tpu.memref_squeeze %dma_wait3A_66 : memref<1x10240x128xf32, #tpu.memory_space<hbm>> -> memref<10240x128xf32, #tpu.memory_space<hbm>>
      %dma_wait3A_68 = arith.constant 0 : i32
      %dma_wait3A_69 = tpu.memref_slice %dma_wait3A_67[%mul3A_56, %dma_wait3A_68] : memref<10240x128xf32, #tpu.memory_space<hbm>> -> memref<640x128xf32, #tpu.memory_space<hbm>>
      %dma_wait3A_70 = arith.constant 0 : i32
      %dma_wait3A_71 = tpu.memref_slice %arg15[%mul3A_54, %dma_wait3A_70] : memref<10240x128xf32, #tpu.memory_space<vmem_shared>> -> memref<640x128xf32, #tpu.memory_space<vmem_shared>>
      tpu.wait_dma2 semaphore(%run_scoped3A : memref<!tpu.dma_semaphore, #tpu.memory_space<semaphore_mem>>) src(%dma_wait3A_71 : memref<640x128xf32, #tpu.memory_space<vmem_shared>>) dst(%dma_wait3A_69 : memref<640x128xf32, #tpu.memory_space<hbm>>)
      tpu.yield
    }) : () -> ()
    %barrier3A_57 = arith.constant 0 : index
    tpu.barrier barrier_id(%barrier3A_57)
    return
  }
}

#map = affine_map<(d0, d1) -> (0, 0)>
#map1 = affine_map<(d0, d1) -> (0)>
module attributes {stable_mosaic.version = 14 : i64} {
  func.func @_sc_scalar_body(%arg0: i32, %arg1: i32, %arg2: memref<2560x128xi32, #tpu.memory_space<hbm>>, %arg3: memref<2560x128xi32, #tpu.memory_space<hbm>>, %arg4: memref<10240xf32, #tpu.memory_space<hbm>>, %arg5: memref<10240xf32, #tpu.memory_space<hbm>>, %arg6: memref<16xf32, #tpu.memory_space<hbm>>, %arg7: memref<2560x128xf32, #tpu.memory_space<hbm>>, %arg8: memref<2x10240xf32, #tpu.memory_space<hbm>>, %arg9: memref<2x10240xf32, #tpu.memory_space<hbm>>, %arg10: memref<10240xf32, #tpu.memory_space<vmem>>, %arg11: memref<10240xf32, #tpu.memory_space<vmem>>, %arg12: memref<16xf32, #tpu.memory_space<vmem>>, %arg13: memref<8x128xi32, #tpu.memory_space<vmem>>, %arg14: memref<8x128xi32, #tpu.memory_space<vmem>>, %arg15: memref<8x128xf32, #tpu.memory_space<vmem>>, %arg16: memref<128xf32, #tpu.memory_space<vmem>>, %arg17: memref<2048xf32, #tpu.memory_space<vmem>>, %arg18: memref<10240xf32, #tpu.memory_space<vmem_shared>>, %arg19: memref<10240xf32, #tpu.memory_space<vmem_shared>>) attributes {dimension_semantics = [#tpu.dimension_semantics<core_parallel>, #tpu.dimension_semantics<subcore_parallel>], iteration_bounds = array<i64: 2, 16>, scalar_prefetch = 0 : i64, scratch_operands = 10 : i64, tpu.core_type = #tpu.core_type<sc_vector_subcore>, window_params = [{transform_indices = #map}, {transform_indices = #map}, {transform_indices = #map1}, {transform_indices = #map1}, {transform_indices = #map1}, {transform_indices = #map}, {transform_indices = #map}, {transform_indices = #map}]} {
    %mul3A = arith.constant 2 : i32
    %mul3A_0 = arith.muli %arg1, %mul3A : i32
    %add3A = arith.addi %mul3A_0, %arg0 : i32
    %scan3A = arith.constant 0 : i32
    %scan3A_1 = arith.constant 128 : i32
    %scan3A_2 = arith.addi %scan3A, %scan3A_1 : i32
    %scan3A_3 = arith.constant 1 : i32
    scf.for %scan3A_26 = %scan3A to %scan3A_2 step %scan3A_3  : i32 {
      %mul3A_27 = arith.constant 1 : i32
      %mul3A_28 = arith.muli %scan3A_26, %mul3A_27 : i32
      %add3A_29 = arith.constant 0 : i32
      %add3A_30 = arith.addi %add3A_29, %mul3A_28 : i32
      %broadcast_in_dim3A = arith.constant 0.000000e+00 : f32
      %broadcast_in_dim3A_31 = vector.broadcast %broadcast_in_dim3A : f32 to vector<16xf32>
      %mul3A_32 = arith.constant 16 : i32
      %mul3A_33 = arith.muli %add3A_30, %mul3A_32 : i32
      %swap3A = arith.index_cast %mul3A_33 : i32 to index
      %swap3A_34 = tpu.vector_load %arg17[%swap3A] {strides = array<i32>} : memref<2048xf32, #tpu.memory_space<vmem>>, vector<16xf32>,
      tpu.vector_store %arg17[%swap3A], %broadcast_in_dim3A_31 {strides = array<i32>} : memref<2048xf32, #tpu.memory_space<vmem>>, vector<16xf32>,
    }
    %scan3A_4 = arith.constant 128 : i32
    %eq3A = arith.constant 0 : i32
    %eq3A_5 = arith.cmpi eq, %arg1, %eq3A : i32
    %convert_element_type3A = arith.extui %eq3A_5 : i1 to i32
    %cond3A = arith.constant 0 : i32
    %cond3A_6 = arith.cmpi ne, %convert_element_type3A, %cond3A : i32
    scf.if %cond3A_6 {
      %scan3A_26 = arith.constant 0 : i32
      %scan3A_27 = arith.constant 5 : i32
      %scan3A_28 = arith.addi %scan3A_26, %scan3A_27 : i32
      %scan3A_29 = arith.constant 1 : i32
      scf.for %scan3A_31 = %scan3A_26 to %scan3A_28 step %scan3A_29  : i32 {
        %mul3A_32 = arith.constant 1 : i32
        %mul3A_33 = arith.muli %scan3A_31, %mul3A_32 : i32
        %add3A_34 = arith.constant 0 : i32
        %add3A_35 = arith.addi %add3A_34, %mul3A_33 : i32
        %mul3A_36 = arith.constant 2048 : i32
        %mul3A_37 = arith.muli %add3A_35, %mul3A_36 : i32
        "tpu.region"() ({
          %run_scoped3A = tpu.sem_alloc : memref<!tpu.dma_semaphore, #tpu.memory_space<semaphore_mem>>
          %dma_start3A = tpu.memref_slice %arg18[%mul3A_37] : memref<10240xf32, #tpu.memory_space<vmem_shared>> -> memref<2048xf32, #tpu.memory_space<vmem_shared>>
          %dma_start3A_40 = tpu.memref_slice %arg18[%mul3A_37] : memref<10240xf32, #tpu.memory_space<vmem_shared>> -> memref<2048xf32, #tpu.memory_space<vmem_shared>>
          tpu.enqueue_dma source(%arg17 : memref<2048xf32, #tpu.memory_space<vmem>>) target(%dma_start3A_40 : memref<2048xf32, #tpu.memory_space<vmem_shared>>) target_semaphore(%run_scoped3A : memref<!tpu.dma_semaphore, #tpu.memory_space<semaphore_mem>>)
          %dma_wait3A = tpu.memref_slice %arg18[%mul3A_37] : memref<10240xf32, #tpu.memory_space<vmem_shared>> -> memref<2048xf32, #tpu.memory_space<vmem_shared>>
          %dma_wait3A_41 = tpu.memref_slice %arg18[%mul3A_37] : memref<10240xf32, #tpu.memory_space<vmem_shared>> -> memref<2048xf32, #tpu.memory_space<vmem_shared>>
          tpu.wait_dma2 semaphore(%run_scoped3A : memref<!tpu.dma_semaphore, #tpu.memory_space<semaphore_mem>>) src(%arg17 : memref<2048xf32, #tpu.memory_space<vmem>>) dst(%dma_wait3A_41 : memref<2048xf32, #tpu.memory_space<vmem_shared>>)
          tpu.yield
        }) : () -> ()
        %mul3A_38 = arith.constant 2048 : i32
        %mul3A_39 = arith.muli %add3A_35, %mul3A_38 : i32
        "tpu.region"() ({
          %run_scoped3A = tpu.sem_alloc : memref<!tpu.dma_semaphore, #tpu.memory_space<semaphore_mem>>
          %dma_start3A = tpu.memref_slice %arg19[%mul3A_39] : memref<10240xf32, #tpu.memory_space<vmem_shared>> -> memref<2048xf32, #tpu.memory_space<vmem_shared>>
          %dma_start3A_40 = tpu.memref_slice %arg19[%mul3A_39] : memref<10240xf32, #tpu.memory_space<vmem_shared>> -> memref<2048xf32, #tpu.memory_space<vmem_shared>>
          tpu.enqueue_dma source(%arg17 : memref<2048xf32, #tpu.memory_space<vmem>>) target(%dma_start3A_40 : memref<2048xf32, #tpu.memory_space<vmem_shared>>) target_semaphore(%run_scoped3A : memref<!tpu.dma_semaphore, #tpu.memory_space<semaphore_mem>>)
          %dma_wait3A = tpu.memref_slice %arg19[%mul3A_39] : memref<10240xf32, #tpu.memory_space<vmem_shared>> -> memref<2048xf32, #tpu.memory_space<vmem_shared>>
          %dma_wait3A_41 = tpu.memref_slice %arg19[%mul3A_39] : memref<10240xf32, #tpu.memory_space<vmem_shared>> -> memref<2048xf32, #tpu.memory_space<vmem_shared>>
          tpu.wait_dma2 semaphore(%run_scoped3A : memref<!tpu.dma_semaphore, #tpu.memory_space<semaphore_mem>>) src(%arg17 : memref<2048xf32, #tpu.memory_space<vmem>>) dst(%dma_wait3A_41 : memref<2048xf32, #tpu.memory_space<vmem_shared>>)
          tpu.yield
        }) : () -> ()
      }
      %scan3A_30 = arith.constant 5 : i32
    } else {
    }
    %scan3A_7 = arith.constant 0 : i32
    %scan3A_8 = arith.constant 8 : i32
    %scan3A_9 = arith.addi %scan3A_7, %scan3A_8 : i32
    %scan3A_10 = arith.constant 1 : i32
    scf.for %scan3A_26 = %scan3A_7 to %scan3A_9 step %scan3A_10  : i32 {
      %mul3A_27 = arith.constant 1 : i32
      %mul3A_28 = arith.muli %scan3A_26, %mul3A_27 : i32
      %add3A_29 = arith.constant 0 : i32
      %add3A_30 = arith.addi %add3A_29, %mul3A_28 : i32
      %broadcast_in_dim3A = arith.constant 1.000000e+00 : f32
      %broadcast_in_dim3A_31 = vector.broadcast %broadcast_in_dim3A : f32 to vector<16xf32>
      %mul3A_32 = arith.constant 16 : i32
      %mul3A_33 = arith.muli %add3A_30, %mul3A_32 : i32
      %swap3A = arith.index_cast %mul3A_33 : i32 to index
      %swap3A_34 = tpu.vector_load %arg16[%swap3A] {strides = array<i32>} : memref<128xf32, #tpu.memory_space<vmem>>, vector<16xf32>,
      tpu.vector_store %arg16[%swap3A], %broadcast_in_dim3A_31 {strides = array<i32>} : memref<128xf32, #tpu.memory_space<vmem>>, vector<16xf32>,
    }
    %scan3A_11 = arith.constant 8 : i32
    "tpu.region"() ({
      %run_scoped3A = tpu.sem_alloc : memref<!tpu.dma_semaphore, #tpu.memory_space<semaphore_mem>>
      tpu.enqueue_dma source(%arg4 : memref<10240xf32, #tpu.memory_space<hbm>>) target(%arg10 : memref<10240xf32, #tpu.memory_space<vmem>>) target_semaphore(%run_scoped3A : memref<!tpu.dma_semaphore, #tpu.memory_space<semaphore_mem>>)
      tpu.wait_dma2 semaphore(%run_scoped3A : memref<!tpu.dma_semaphore, #tpu.memory_space<semaphore_mem>>) src(%arg4 : memref<10240xf32, #tpu.memory_space<hbm>>) dst(%arg10 : memref<10240xf32, #tpu.memory_space<vmem>>)
      tpu.yield
    }) : () -> ()
    "tpu.region"() ({
      %run_scoped3A = tpu.sem_alloc : memref<!tpu.dma_semaphore, #tpu.memory_space<semaphore_mem>>
      tpu.enqueue_dma source(%arg5 : memref<10240xf32, #tpu.memory_space<hbm>>) target(%arg11 : memref<10240xf32, #tpu.memory_space<vmem>>) target_semaphore(%run_scoped3A : memref<!tpu.dma_semaphore, #tpu.memory_space<semaphore_mem>>)
      tpu.wait_dma2 semaphore(%run_scoped3A : memref<!tpu.dma_semaphore, #tpu.memory_space<semaphore_mem>>) src(%arg5 : memref<10240xf32, #tpu.memory_space<hbm>>) dst(%arg11 : memref<10240xf32, #tpu.memory_space<vmem>>)
      tpu.yield
    }) : () -> ()
    "tpu.region"() ({
      %run_scoped3A = tpu.sem_alloc : memref<!tpu.dma_semaphore, #tpu.memory_space<semaphore_mem>>
      tpu.enqueue_dma source(%arg6 : memref<16xf32, #tpu.memory_space<hbm>>) target(%arg12 : memref<16xf32, #tpu.memory_space<vmem>>) target_semaphore(%run_scoped3A : memref<!tpu.dma_semaphore, #tpu.memory_space<semaphore_mem>>)
      tpu.wait_dma2 semaphore(%run_scoped3A : memref<!tpu.dma_semaphore, #tpu.memory_space<semaphore_mem>>) src(%arg6 : memref<16xf32, #tpu.memory_space<hbm>>) dst(%arg12 : memref<16xf32, #tpu.memory_space<vmem>>)
      tpu.yield
    }) : () -> ()
    %barrier3A = arith.constant 0 : index
    tpu.barrier barrier_id(%barrier3A)
    %get3A = arith.constant 0 : index
    %get3A_12 = tpu.vector_load %arg12[%get3A] {strides = array<i32>} : memref<16xf32, #tpu.memory_space<vmem>>, vector<16xf32>,
    %mul3A_13 = arith.constant 80 : i32
    %mul3A_14 = arith.muli %add3A, %mul3A_13 : i32
    %scan3A_15 = arith.constant 0 : i32
    %scan3A_16 = arith.constant 10 : i32
    %scan3A_17 = arith.addi %scan3A_15, %scan3A_16 : i32
    %scan3A_18 = arith.constant 1 : i32
    scf.for %scan3A_26 = %scan3A_15 to %scan3A_17 step %scan3A_18  : i32 {
      %mul3A_27 = arith.constant 1 : i32
      %mul3A_28 = arith.muli %scan3A_26, %mul3A_27 : i32
      %add3A_29 = arith.constant 0 : i32
      %add3A_30 = arith.addi %add3A_29, %mul3A_28 : i32
      %mul3A_31 = arith.constant 8 : i32
      %mul3A_32 = arith.muli %add3A_30, %mul3A_31 : i32
      %add3A_33 = arith.addi %mul3A_14, %mul3A_32 : i32
      "tpu.region"() ({
        %run_scoped3A = tpu.sem_alloc : memref<!tpu.dma_semaphore, #tpu.memory_space<semaphore_mem>>
        %dma_start3A = arith.constant 0 : i32
        %dma_start3A_44 = tpu.memref_slice %arg2[%add3A_33, %dma_start3A] : memref<2560x128xi32, #tpu.memory_space<hbm>> -> memref<8x128xi32, #tpu.memory_space<hbm>>
        %dma_start3A_45 = arith.constant 0 : i32
        %dma_start3A_46 = tpu.memref_slice %arg2[%add3A_33, %dma_start3A_45] : memref<2560x128xi32, #tpu.memory_space<hbm>> -> memref<8x128xi32, #tpu.memory_space<hbm>>
        tpu.enqueue_dma source(%dma_start3A_46 : memref<8x128xi32, #tpu.memory_space<hbm>>) target(%arg13 : memref<8x128xi32, #tpu.memory_space<vmem>>) target_semaphore(%run_scoped3A : memref<!tpu.dma_semaphore, #tpu.memory_space<semaphore_mem>>)
        %dma_wait3A = arith.constant 0 : i32
        %dma_wait3A_47 = tpu.memref_slice %arg2[%add3A_33, %dma_wait3A] : memref<2560x128xi32, #tpu.memory_space<hbm>> -> memref<8x128xi32, #tpu.memory_space<hbm>>
        %dma_wait3A_48 = arith.constant 0 : i32
        %dma_wait3A_49 = tpu.memref_slice %arg2[%add3A_33, %dma_wait3A_48] : memref<2560x128xi32, #tpu.memory_space<hbm>> -> memref<8x128xi32, #tpu.memory_space<hbm>>
        tpu.wait_dma2 semaphore(%run_scoped3A : memref<!tpu.dma_semaphore, #tpu.memory_space<semaphore_mem>>) src(%dma_wait3A_49 : memref<8x128xi32, #tpu.memory_space<hbm>>) dst(%arg13 : memref<8x128xi32, #tpu.memory_space<vmem>>)
        tpu.yield
      }) : () -> ()
      "tpu.region"() ({
        %run_scoped3A = tpu.sem_alloc : memref<!tpu.dma_semaphore, #tpu.memory_space<semaphore_mem>>
        %dma_start3A = arith.constant 0 : i32
        %dma_start3A_44 = tpu.memref_slice %arg3[%add3A_33, %dma_start3A] : memref<2560x128xi32, #tpu.memory_space<hbm>> -> memref<8x128xi32, #tpu.memory_space<hbm>>
        %dma_start3A_45 = arith.constant 0 : i32
        %dma_start3A_46 = tpu.memref_slice %arg3[%add3A_33, %dma_start3A_45] : memref<2560x128xi32, #tpu.memory_space<hbm>> -> memref<8x128xi32, #tpu.memory_space<hbm>>
        tpu.enqueue_dma source(%dma_start3A_46 : memref<8x128xi32, #tpu.memory_space<hbm>>) target(%arg14 : memref<8x128xi32, #tpu.memory_space<vmem>>) target_semaphore(%run_scoped3A : memref<!tpu.dma_semaphore, #tpu.memory_space<semaphore_mem>>)
        %dma_wait3A = arith.constant 0 : i32
        %dma_wait3A_47 = tpu.memref_slice %arg3[%add3A_33, %dma_wait3A] : memref<2560x128xi32, #tpu.memory_space<hbm>> -> memref<8x128xi32, #tpu.memory_space<hbm>>
        %dma_wait3A_48 = arith.constant 0 : i32
        %dma_wait3A_49 = tpu.memref_slice %arg3[%add3A_33, %dma_wait3A_48] : memref<2560x128xi32, #tpu.memory_space<hbm>> -> memref<8x128xi32, #tpu.memory_space<hbm>>
        tpu.wait_dma2 semaphore(%run_scoped3A : memref<!tpu.dma_semaphore, #tpu.memory_space<semaphore_mem>>) src(%dma_wait3A_49 : memref<8x128xi32, #tpu.memory_space<hbm>>) dst(%arg14 : memref<8x128xi32, #tpu.memory_space<vmem>>)
        tpu.yield
      }) : () -> ()
      %scan3A_34 = arith.constant 0 : i32
      %scan3A_35 = arith.constant 8 : i32
      %scan3A_36 = arith.addi %scan3A_34, %scan3A_35 : i32
      %scan3A_37 = arith.constant 1 : i32
      scf.for %scan3A_44 = %scan3A_34 to %scan3A_36 step %scan3A_37  : i32 {
        %mul3A_45 = arith.constant 1 : i32
        %mul3A_46 = arith.muli %scan3A_44, %mul3A_45 : i32
        %add3A_47 = arith.constant 0 : i32
        %add3A_48 = arith.addi %add3A_47, %mul3A_46 : i32
        %scan3A_49 = arith.constant 0 : i32
        %scan3A_50 = arith.constant 8 : i32
        %scan3A_51 = arith.addi %scan3A_49, %scan3A_50 : i32
        %scan3A_52 = arith.constant 1 : i32
        scf.for %scan3A_54 = %scan3A_49 to %scan3A_51 step %scan3A_52  : i32 {
          %mul3A_55 = arith.constant 1 : i32
          %mul3A_56 = arith.muli %scan3A_54, %mul3A_55 : i32
          %add3A_57 = arith.constant 0 : i32
          %add3A_58 = arith.addi %add3A_57, %mul3A_56 : i32
          %mul3A_59 = arith.constant 16 : i32
          %mul3A_60 = arith.muli %add3A_58, %mul3A_59 : i32
          %get3A_61 = arith.index_cast %add3A_48 : i32 to index
          %get3A_62 = arith.index_cast %mul3A_60 : i32 to index
          %get3A_63 = tpu.vector_load %arg13[%get3A_61, %get3A_62] {strides = array<i32>} : memref<8x128xi32, #tpu.memory_space<vmem>>, vector<16xi32>,
          %mul3A_64 = arith.constant 16 : i32
          %mul3A_65 = arith.muli %add3A_58, %mul3A_64 : i32
          %get3A_66 = arith.index_cast %add3A_48 : i32 to index
          %get3A_67 = arith.index_cast %mul3A_65 : i32 to index
          %get3A_68 = tpu.vector_load %arg14[%get3A_66, %get3A_67] {strides = array<i32>} : memref<8x128xi32, #tpu.memory_space<vmem>>, vector<16xi32>,
          %gather3A = tpu.vector_load_idx %arg10[%get3A_63] : memref<10240xf32, #tpu.memory_space<vmem>>[vector<16xi32>], vector<16xf32>,
          %gather3A_69 = tpu.vector_load_idx %arg11[%get3A_68] : memref<10240xf32, #tpu.memory_space<vmem>>[vector<16xi32>], vector<16xf32>,
          %add3A_70 = arith.addf %gather3A, %gather3A_69 : vector<16xf32>
          %gt3A = arith.constant 0.000000e+00 : f32
          %gt3A_71 = vector.broadcast %gt3A : f32 to vector<16xf32>
          %gt3A_72 = arith.cmpf ogt, %add3A_70, %gt3A_71 : vector<16xf32>
          %mul3A_73 = arith.constant 2.000000e-01 : f32
          %mul3A_74 = vector.broadcast %mul3A_73 : f32 to vector<16xf32>
          %mul3A_75 = arith.mulf %mul3A_74, %add3A_70 : vector<16xf32>
          %select_n3A = arith.select %gt3A_72, %add3A_70, %mul3A_75 : vector<16xi1>, vector<16xf32>
          %add3A_76 = arith.addf %get3A_12, %gather3A_69 : vector<16xf32>
          %gt3A_77 = arith.constant 0.000000e+00 : f32
          %gt3A_78 = vector.broadcast %gt3A_77 : f32 to vector<16xf32>
          %gt3A_79 = arith.cmpf ogt, %add3A_76, %gt3A_78 : vector<16xf32>
          %mul3A_80 = arith.constant 2.000000e-01 : f32
          %mul3A_81 = vector.broadcast %mul3A_80 : f32 to vector<16xf32>
          %mul3A_82 = arith.mulf %mul3A_81, %add3A_76 : vector<16xf32>
          %select_n3A_83 = arith.select %gt3A_79, %add3A_76, %mul3A_82 : vector<16xi1>, vector<16xf32>
          %sub3A = arith.subf %select_n3A, %select_n3A_83 : vector<16xf32>
          %exp3A = math.exp %sub3A : vector<16xf32>
          %mul3A_84 = arith.constant 16 : i32
          %mul3A_85 = arith.muli %add3A_58, %mul3A_84 : i32
          %swap3A = arith.index_cast %add3A_48 : i32 to index
          %swap3A_86 = arith.index_cast %mul3A_85 : i32 to index
          %swap3A_87 = tpu.vector_load %arg15[%swap3A, %swap3A_86] {strides = array<i32>} : memref<8x128xf32, #tpu.memory_space<vmem>>, vector<16xf32>,
          tpu.vector_store %arg15[%swap3A, %swap3A_86], %exp3A {strides = array<i32>} : memref<8x128xf32, #tpu.memory_space<vmem>>, vector<16xf32>,
        }
        %scan3A_53 = arith.constant 8 : i32
      }
      %scan3A_38 = arith.constant 8 : i32
      "tpu.region"() ({
        %run_scoped3A = tpu.sem_alloc : memref<!tpu.dma_semaphore, #tpu.memory_space<semaphore_mem>>
        %dma_start3A = arith.constant 0 : i32
        %dma_start3A_44 = tpu.memref_slice %arg7[%add3A_33, %dma_start3A] : memref<2560x128xf32, #tpu.memory_space<hbm>> -> memref<8x128xf32, #tpu.memory_space<hbm>>
        %dma_start3A_45 = arith.constant 0 : i32
        %dma_start3A_46 = tpu.memref_slice %arg7[%add3A_33, %dma_start3A_45] : memref<2560x128xf32, #tpu.memory_space<hbm>> -> memref<8x128xf32, #tpu.memory_space<hbm>>
        tpu.enqueue_dma source(%arg15 : memref<8x128xf32, #tpu.memory_space<vmem>>) target(%dma_start3A_46 : memref<8x128xf32, #tpu.memory_space<hbm>>) target_semaphore(%run_scoped3A : memref<!tpu.dma_semaphore, #tpu.memory_space<semaphore_mem>>)
        %dma_wait3A = arith.constant 0 : i32
        %dma_wait3A_47 = tpu.memref_slice %arg7[%add3A_33, %dma_wait3A] : memref<2560x128xf32, #tpu.memory_space<hbm>> -> memref<8x128xf32, #tpu.memory_space<hbm>>
        %dma_wait3A_48 = arith.constant 0 : i32
        %dma_wait3A_49 = tpu.memref_slice %arg7[%add3A_33, %dma_wait3A_48] : memref<2560x128xf32, #tpu.memory_space<hbm>> -> memref<8x128xf32, #tpu.memory_space<hbm>>
        tpu.wait_dma2 semaphore(%run_scoped3A : memref<!tpu.dma_semaphore, #tpu.memory_space<semaphore_mem>>) src(%arg15 : memref<8x128xf32, #tpu.memory_space<vmem>>) dst(%dma_wait3A_49 : memref<8x128xf32, #tpu.memory_space<hbm>>)
        tpu.yield
      }) : () -> ()
      %scan3A_39 = arith.constant 0 : i32
      %scan3A_40 = arith.constant 8 : i32
      %scan3A_41 = arith.addi %scan3A_39, %scan3A_40 : i32
      %scan3A_42 = arith.constant 1 : i32
      scf.for %scan3A_44 = %scan3A_39 to %scan3A_41 step %scan3A_42  : i32 {
        %mul3A_45 = arith.constant 1 : i32
        %mul3A_46 = arith.muli %scan3A_44, %mul3A_45 : i32
        %add3A_47 = arith.constant 0 : i32
        %add3A_48 = arith.addi %add3A_47, %mul3A_46 : i32
        "tpu.region"() ({
          %run_scoped3A = tpu.sem_alloc : memref<!tpu.dma_semaphore, #tpu.memory_space<semaphore_mem>>
          %dma_start3A = arith.constant 0 : i32
          %dma_start3A_49 = tpu.memref_slice %arg15[%add3A_48, %dma_start3A] : memref<8x128xf32, #tpu.memory_space<vmem>> -> memref<1x128xf32, #tpu.memory_space<vmem>>
          %dma_start3A_50 = tpu.memref_squeeze %dma_start3A_49 : memref<1x128xf32, #tpu.memory_space<vmem>> -> memref<128xf32, #tpu.memory_space<vmem>>
          %dma_start3A_51 = arith.constant 0 : i32
          %dma_start3A_52 = tpu.memref_slice %arg14[%add3A_48, %dma_start3A_51] : memref<8x128xi32, #tpu.memory_space<vmem>> -> memref<1x128xi32, #tpu.memory_space<vmem>>
          %dma_start3A_53 = tpu.memref_squeeze %dma_start3A_52 : memref<1x128xi32, #tpu.memory_space<vmem>> -> memref<128xi32, #tpu.memory_space<vmem>>
          %dma_start3A_54 = arith.constant 0 : i32
          %dma_start3A_55 = tpu.memref_slice %arg18[%dma_start3A_54] : memref<10240xf32, #tpu.memory_space<vmem_shared>> -> memref<10240xf32, #tpu.memory_space<vmem_shared>>
          tpu.enqueue_indirect_dma source(%dma_start3A_50 : memref<128xf32, #tpu.memory_space<vmem>>) target(%dma_start3A_55 : memref<10240xf32, #tpu.memory_space<vmem_shared>>) offsets(%dma_start3A_53 : memref<128xi32, #tpu.memory_space<vmem>>) semaphore(%run_scoped3A : memref<!tpu.dma_semaphore, #tpu.memory_space<semaphore_mem>>) {add = true}
          %dma_wait3A = arith.constant 0 : i32
          %dma_wait3A_56 = tpu.memref_slice %arg15[%add3A_48, %dma_wait3A] : memref<8x128xf32, #tpu.memory_space<vmem>> -> memref<1x128xf32, #tpu.memory_space<vmem>>
          %dma_wait3A_57 = tpu.memref_squeeze %dma_wait3A_56 : memref<1x128xf32, #tpu.memory_space<vmem>> -> memref<128xf32, #tpu.memory_space<vmem>>
          %dma_wait3A_58 = arith.constant 0 : i32
          %dma_wait3A_59 = tpu.memref_slice %arg14[%add3A_48, %dma_wait3A_58] : memref<8x128xi32, #tpu.memory_space<vmem>> -> memref<1x128xi32, #tpu.memory_space<vmem>>
          %dma_wait3A_60 = tpu.memref_squeeze %dma_wait3A_59 : memref<1x128xi32, #tpu.memory_space<vmem>> -> memref<128xi32, #tpu.memory_space<vmem>>
          %dma_wait3A_61 = arith.constant 0 : i32
          %dma_wait3A_62 = tpu.memref_slice %arg18[%dma_wait3A_61] : memref<10240xf32, #tpu.memory_space<vmem_shared>> -> memref<10240xf32, #tpu.memory_space<vmem_shared>>
          tpu.wait_indirect_dma semaphore(%run_scoped3A : memref<!tpu.dma_semaphore, #tpu.memory_space<semaphore_mem>>) src(%dma_wait3A_57 : memref<128xf32, #tpu.memory_space<vmem>>) dst(%dma_wait3A_62 : memref<10240xf32, #tpu.memory_space<vmem_shared>>)
          tpu.yield
        }) : () -> ()
        "tpu.region"() ({
          %run_scoped3A = tpu.sem_alloc : memref<!tpu.dma_semaphore, #tpu.memory_space<semaphore_mem>>
          %dma_start3A = arith.constant 0 : i32
          %dma_start3A_49 = tpu.memref_slice %arg14[%add3A_48, %dma_start3A] : memref<8x128xi32, #tpu.memory_space<vmem>> -> memref<1x128xi32, #tpu.memory_space<vmem>>
          %dma_start3A_50 = tpu.memref_squeeze %dma_start3A_49 : memref<1x128xi32, #tpu.memory_space<vmem>> -> memref<128xi32, #tpu.memory_space<vmem>>
          %dma_start3A_51 = arith.constant 0 : i32
          %dma_start3A_52 = tpu.memref_slice %arg19[%dma_start3A_51] : memref<10240xf32, #tpu.memory_space<vmem_shared>> -> memref<10240xf32, #tpu.memory_space<vmem_shared>>
          tpu.enqueue_indirect_dma source(%arg16 : memref<128xf32, #tpu.memory_space<vmem>>) target(%dma_start3A_52 : memref<10240xf32, #tpu.memory_space<vmem_shared>>) offsets(%dma_start3A_50 : memref<128xi32, #tpu.memory_space<vmem>>) semaphore(%run_scoped3A : memref<!tpu.dma_semaphore, #tpu.memory_space<semaphore_mem>>) {add = true}
          %dma_wait3A = arith.constant 0 : i32
          %dma_wait3A_53 = tpu.memref_slice %arg14[%add3A_48, %dma_wait3A] : memref<8x128xi32, #tpu.memory_space<vmem>> -> memref<1x128xi32, #tpu.memory_space<vmem>>
          %dma_wait3A_54 = tpu.memref_squeeze %dma_wait3A_53 : memref<1x128xi32, #tpu.memory_space<vmem>> -> memref<128xi32, #tpu.memory_space<vmem>>
          %dma_wait3A_55 = arith.constant 0 : i32
          %dma_wait3A_56 = tpu.memref_slice %arg19[%dma_wait3A_55] : memref<10240xf32, #tpu.memory_space<vmem_shared>> -> memref<10240xf32, #tpu.memory_space<vmem_shared>>
          tpu.wait_indirect_dma semaphore(%run_scoped3A : memref<!tpu.dma_semaphore, #tpu.memory_space<semaphore_mem>>) src(%arg16 : memref<128xf32, #tpu.memory_space<vmem>>) dst(%dma_wait3A_56 : memref<10240xf32, #tpu.memory_space<vmem_shared>>)
          tpu.yield
        }) : () -> ()
      }
      %scan3A_43 = arith.constant 8 : i32
    }
    %scan3A_19 = arith.constant 10 : i32
    %barrier3A_20 = arith.constant 0 : index
    tpu.barrier barrier_id(%barrier3A_20)
    %eq3A_21 = arith.constant 0 : i32
    %eq3A_22 = arith.cmpi eq, %arg1, %eq3A_21 : i32
    %convert_element_type3A_23 = arith.extui %eq3A_22 : i1 to i32
    %cond3A_24 = arith.constant 0 : i32
    %cond3A_25 = arith.cmpi ne, %convert_element_type3A_23, %cond3A_24 : i32
    scf.if %cond3A_25 {
      "tpu.region"() ({
        %run_scoped3A = tpu.sem_alloc : memref<!tpu.dma_semaphore, #tpu.memory_space<semaphore_mem>>
        %dma_start3A = arith.constant 0 : i32
        %dma_start3A_26 = tpu.memref_slice %arg8[%arg0, %dma_start3A] : memref<2x10240xf32, #tpu.memory_space<hbm>> -> memref<1x10240xf32, #tpu.memory_space<hbm>>
        %dma_start3A_27 = tpu.memref_squeeze %dma_start3A_26 : memref<1x10240xf32, #tpu.memory_space<hbm>> -> memref<10240xf32, #tpu.memory_space<hbm>>
        %dma_start3A_28 = arith.constant 0 : i32
        %dma_start3A_29 = tpu.memref_slice %arg18[%dma_start3A_28] : memref<10240xf32, #tpu.memory_space<vmem_shared>> -> memref<10240xf32, #tpu.memory_space<vmem_shared>>
        tpu.enqueue_dma source(%dma_start3A_29 : memref<10240xf32, #tpu.memory_space<vmem_shared>>) target(%dma_start3A_27 : memref<10240xf32, #tpu.memory_space<hbm>>) target_semaphore(%run_scoped3A : memref<!tpu.dma_semaphore, #tpu.memory_space<semaphore_mem>>)
        %dma_wait3A = arith.constant 0 : i32
        %dma_wait3A_30 = tpu.memref_slice %arg8[%arg0, %dma_wait3A] : memref<2x10240xf32, #tpu.memory_space<hbm>> -> memref<1x10240xf32, #tpu.memory_space<hbm>>
        %dma_wait3A_31 = tpu.memref_squeeze %dma_wait3A_30 : memref<1x10240xf32, #tpu.memory_space<hbm>> -> memref<10240xf32, #tpu.memory_space<hbm>>
        %dma_wait3A_32 = arith.constant 0 : i32
        %dma_wait3A_33 = tpu.memref_slice %arg18[%dma_wait3A_32] : memref<10240xf32, #tpu.memory_space<vmem_shared>> -> memref<10240xf32, #tpu.memory_space<vmem_shared>>
        tpu.wait_dma2 semaphore(%run_scoped3A : memref<!tpu.dma_semaphore, #tpu.memory_space<semaphore_mem>>) src(%dma_wait3A_33 : memref<10240xf32, #tpu.memory_space<vmem_shared>>) dst(%dma_wait3A_31 : memref<10240xf32, #tpu.memory_space<hbm>>)
        tpu.yield
      }) : () -> ()
      "tpu.region"() ({
        %run_scoped3A = tpu.sem_alloc : memref<!tpu.dma_semaphore, #tpu.memory_space<semaphore_mem>>
        %dma_start3A = arith.constant 0 : i32
        %dma_start3A_26 = tpu.memref_slice %arg9[%arg0, %dma_start3A] : memref<2x10240xf32, #tpu.memory_space<hbm>> -> memref<1x10240xf32, #tpu.memory_space<hbm>>
        %dma_start3A_27 = tpu.memref_squeeze %dma_start3A_26 : memref<1x10240xf32, #tpu.memory_space<hbm>> -> memref<10240xf32, #tpu.memory_space<hbm>>
        %dma_start3A_28 = arith.constant 0 : i32
        %dma_start3A_29 = tpu.memref_slice %arg19[%dma_start3A_28] : memref<10240xf32, #tpu.memory_space<vmem_shared>> -> memref<10240xf32, #tpu.memory_space<vmem_shared>>
        tpu.enqueue_dma source(%dma_start3A_29 : memref<10240xf32, #tpu.memory_space<vmem_shared>>) target(%dma_start3A_27 : memref<10240xf32, #tpu.memory_space<hbm>>) target_semaphore(%run_scoped3A : memref<!tpu.dma_semaphore, #tpu.memory_space<semaphore_mem>>)
        %dma_wait3A = arith.constant 0 : i32
        %dma_wait3A_30 = tpu.memref_slice %arg9[%arg0, %dma_wait3A] : memref<2x10240xf32, #tpu.memory_space<hbm>> -> memref<1x10240xf32, #tpu.memory_space<hbm>>
        %dma_wait3A_31 = tpu.memref_squeeze %dma_wait3A_30 : memref<1x10240xf32, #tpu.memory_space<hbm>> -> memref<10240xf32, #tpu.memory_space<hbm>>
        %dma_wait3A_32 = arith.constant 0 : i32
        %dma_wait3A_33 = tpu.memref_slice %arg19[%dma_wait3A_32] : memref<10240xf32, #tpu.memory_space<vmem_shared>> -> memref<10240xf32, #tpu.memory_space<vmem_shared>>
        tpu.wait_dma2 semaphore(%run_scoped3A : memref<!tpu.dma_semaphore, #tpu.memory_space<semaphore_mem>>) src(%dma_wait3A_33 : memref<10240xf32, #tpu.memory_space<vmem_shared>>) dst(%dma_wait3A_31 : memref<10240xf32, #tpu.memory_space<hbm>>)
        tpu.yield
      }) : () -> ()
    } else {
    }
    return
  }
}

module attributes {stable_mosaic.version = 14 : i64} {
  func.func @_prep_body(%arg0: i32, %arg1: memref<1000x128xf32, #tpu.memory_space<vmem>>, %arg2: memref<128x128xf32, #tpu.memory_space<vmem>>, %arg3: memref<128x128xf32, #tpu.memory_space<vmem>>, %arg4: memref<1x128xf32, #tpu.memory_space<vmem>>, %arg5: memref<1x128xf32, #tpu.memory_space<vmem>>, %arg6: memref<1000x128xf32, #tpu.memory_space<vmem>>, %arg7: memref<1000x128xf32, #tpu.memory_space<vmem>>, %arg8: memref<1000x1xf32, #tpu.memory_space<vmem>>, %arg9: memref<1000x1xf32, #tpu.memory_space<vmem>>, %arg10: memref<1x1xf32, #tpu.memory_space<vmem>>) attributes {dimension_semantics = [#tpu.dimension_semantics<arbitrary>], iteration_bounds = array<i64: 10>, scalar_prefetch = 0 : i64, scratch_operands = 0 : i64, tpu.core_type = #tpu.core_type<tc>, window_params = [{transform_indices = @transform_0, window_bounds = array<i64: 1000, 128>}, {pipeline_mode = #tpu.pipeline_mode<synchronous>, transform_indices = @transform_1, window_bounds = array<i64: 128, 128>}, {pipeline_mode = #tpu.pipeline_mode<synchronous>, transform_indices = @transform_2, window_bounds = array<i64: 128, 128>}, {pipeline_mode = #tpu.pipeline_mode<synchronous>, transform_indices = @transform_3, window_bounds = array<i64: 1, 128>}, {pipeline_mode = #tpu.pipeline_mode<synchronous>, transform_indices = @transform_4, window_bounds = array<i64: 1, 128>}, {transform_indices = @transform_5, window_bounds = array<i64: 1000, 128>}, {transform_indices = @transform_6, window_bounds = array<i64: 1000, 128>}, {transform_indices = @transform_7, window_bounds = array<i64: 1000, 1>}, {transform_indices = @transform_8, window_bounds = array<i64: 1000, 1>}, {pipeline_mode = #tpu.pipeline_mode<synchronous>, transform_indices = @transform_9, window_bounds = array<i64: 1, 1>}]} {
    %get3A = arith.constant 0 : index
    %get3A_0 = arith.constant 0 : index
    %get3A_1 = vector.load %arg1[%get3A, %get3A_0] : memref<1000x128xf32, #tpu.memory_space<vmem>>, vector<1000x128xf32>
    %get3A_2 = arith.constant 0 : index
    %get3A_3 = arith.constant 0 : index
    %get3A_4 = vector.load %arg2[%get3A_2, %get3A_3] : memref<128x128xf32, #tpu.memory_space<vmem>>, vector<128x128xf32>
    %dot_general3A = arith.constant dense<0.000000e+00> : vector<1000x128xf32>
    %dot_general3A_5 = tpu.matmul %get3A_1, %get3A_4, %dot_general3A {dimension_numbers = #tpu.dot_dimension_numbers<[1], [0], [0], [1], [0, 0, 1, 1], [], []>, transpose_lhs_hint = false} : vector<1000x128xf32>, vector<128x128xf32>, vector<1000x128xf32> -> vector<1000x128xf32>
    %swap3A = arith.constant 0 : index
    %swap3A_6 = arith.constant 0 : index
    %swap3A_7 = vector.load %arg6[%swap3A, %swap3A_6] : memref<1000x128xf32, #tpu.memory_space<vmem>>, vector<1000x128xf32>
    tpu.vector_store %arg6[%swap3A, %swap3A_6], %dot_general3A_5 {strides = array<i32>} : memref<1000x128xf32, #tpu.memory_space<vmem>>, vector<1000x128xf32>,
    %get3A_8 = arith.constant 0 : index
    %get3A_9 = arith.constant 0 : index
    %get3A_10 = vector.load %arg3[%get3A_8, %get3A_9] : memref<128x128xf32, #tpu.memory_space<vmem>>, vector<128x128xf32>
    %dot_general3A_11 = arith.constant dense<0.000000e+00> : vector<1000x128xf32>
    %dot_general3A_12 = tpu.matmul %get3A_1, %get3A_10, %dot_general3A_11 {dimension_numbers = #tpu.dot_dimension_numbers<[1], [0], [0], [1], [0, 0, 1, 1], [], []>, transpose_lhs_hint = false} : vector<1000x128xf32>, vector<128x128xf32>, vector<1000x128xf32> -> vector<1000x128xf32>
    %swap3A_13 = arith.constant 0 : index
    %swap3A_14 = arith.constant 0 : index
    %swap3A_15 = vector.load %arg7[%swap3A_13, %swap3A_14] : memref<1000x128xf32, #tpu.memory_space<vmem>>, vector<1000x128xf32>
    tpu.vector_store %arg7[%swap3A_13, %swap3A_14], %dot_general3A_12 {strides = array<i32>} : memref<1000x128xf32, #tpu.memory_space<vmem>>, vector<1000x128xf32>,
    %get3A_16 = arith.constant 0 : index
    %get3A_17 = arith.constant 0 : index
    %get3A_18 = vector.load %arg4[%get3A_16, %get3A_17] : memref<1x128xf32, #tpu.memory_space<vmem>>, vector<1x128xf32>
    %mul3A = vector.broadcast %get3A_18 : vector<1x128xf32> to vector<1000x128xf32>
    %mul3A_19 = arith.mulf %dot_general3A_5, %mul3A : vector<1000x128xf32>
    %reduce_sum3A = arith.constant dense<0.000000e+00> : vector<1000xf32>
    %reduce_sum3A_20 = vector.multi_reduction <add>, %mul3A_19, %reduce_sum3A [1] : vector<1000x128xf32> to vector<1000xf32>
    %get3A_21 = arith.constant 0 : index
    %get3A_22 = arith.constant 0 : index
    %get3A_23 = vector.load %arg5[%get3A_21, %get3A_22] : memref<1x128xf32, #tpu.memory_space<vmem>>, vector<1x128xf32>
    %mul3A_24 = vector.broadcast %get3A_23 : vector<1x128xf32> to vector<1000x128xf32>
    %mul3A_25 = arith.mulf %dot_general3A_5, %mul3A_24 : vector<1000x128xf32>
    %reduce_sum3A_26 = arith.constant dense<0.000000e+00> : vector<1000xf32>
    %reduce_sum3A_27 = vector.multi_reduction <add>, %mul3A_25, %reduce_sum3A_26 [1] : vector<1000x128xf32> to vector<1000xf32>
    %broadcast_in_dim3A = vector.shape_cast %reduce_sum3A_20 : vector<1000xf32> to vector<1000x1xf32>
    %swap3A_28 = arith.constant 0 : index
    %swap3A_29 = arith.constant 0 : index
    %swap3A_30 = vector.load %arg8[%swap3A_28, %swap3A_29] : memref<1000x1xf32, #tpu.memory_space<vmem>>, vector<1000x1xf32>
    tpu.vector_store %arg8[%swap3A_28, %swap3A_29], %broadcast_in_dim3A {strides = array<i32>} : memref<1000x1xf32, #tpu.memory_space<vmem>>, vector<1000x1xf32>,
    %broadcast_in_dim3A_31 = vector.shape_cast %reduce_sum3A_27 : vector<1000xf32> to vector<1000x1xf32>
    %swap3A_32 = arith.constant 0 : index
    %swap3A_33 = arith.constant 0 : index
    %swap3A_34 = vector.load %arg9[%swap3A_32, %swap3A_33] : memref<1000x1xf32, #tpu.memory_space<vmem>>, vector<1000x1xf32>
    tpu.vector_store %arg9[%swap3A_32, %swap3A_33], %broadcast_in_dim3A_31 {strides = array<i32>} : memref<1000x1xf32, #tpu.memory_space<vmem>>, vector<1000x1xf32>,
    %eq3A = arith.constant 0 : i32
    %eq3A_35 = arith.cmpi eq, %arg0, %eq3A : i32
    %convert_element_type3A = arith.extui %eq3A_35 : i1 to i32
    %cond3A = arith.constant 0 : i32
    %cond3A_36 = arith.cmpi ne, %convert_element_type3A, %cond3A : i32
    scf.if %cond3A_36 {
      %broadcast_in_dim3A_48 = arith.constant -1.000000e+30 : f32
      %broadcast_in_dim3A_49 = vector.broadcast %broadcast_in_dim3A_48 : f32 to vector<1x1xf32>
      %swap3A_50 = arith.constant 0 : index
      %swap3A_51 = arith.constant 0 : index
      %swap3A_52 = vector.load %arg10[%swap3A_50, %swap3A_51] : memref<1x1xf32, #tpu.memory_space<vmem>>, vector<1x1xf32>
      tpu.vector_store %arg10[%swap3A_50, %swap3A_51], %broadcast_in_dim3A_49 {strides = array<i32>} : memref<1x1xf32, #tpu.memory_space<vmem>>, vector<1x1xf32>,
    } else {
    }
    %get3A_37 = arith.constant 0 : index
    %get3A_38 = arith.constant 0 : index
    %get3A_39 = vector.load %arg10[%get3A_37, %get3A_38] : memref<1x1xf32, #tpu.memory_space<vmem>>, vector<1x1xf32>
    %reduce_max3A = vector.shape_cast %reduce_sum3A_20 : vector<1000xf32> to vector<1x1000xf32>
    %reduce_max3A_40 = arith.constant dense<0xFF800000> : vector<1xf32>
    %reduce_max3A_41 = vector.multi_reduction <maximumf>, %reduce_max3A, %reduce_max3A_40 [1] : vector<1x1000xf32> to vector<1xf32>
    %reduce_max3A_42 = vector.shape_cast %reduce_max3A_41 : vector<1xf32> to vector<1x1xf32>
    %reduce_max3A_43 = vector.extract %reduce_max3A_42[0, 0] : f32 from vector<1x1xf32>
    %max3A = vector.broadcast %reduce_max3A_43 : f32 to vector<1x1xf32>
    %max3A_44 = arith.maximumf %get3A_39, %max3A : vector<1x1xf32>
    %swap3A_45 = arith.constant 0 : index
    %swap3A_46 = arith.constant 0 : index
    %swap3A_47 = vector.load %arg10[%swap3A_45, %swap3A_46] : memref<1x1xf32, #tpu.memory_space<vmem>>, vector<1x1xf32>
    tpu.vector_store %arg10[%swap3A_45, %swap3A_46], %max3A_44 {strides = array<i32>} : memref<1x1xf32, #tpu.memory_space<vmem>>, vector<1x1xf32>,
    return
  }
  func.func @transform_0(%arg0: i32) -> (i32, i32) {
    %c0_i32 = arith.constant 0 : i32
    %c0_i32_0 = arith.constant 0 : i32
    return %arg0, %c0_i32 : i32, i32
  }
  func.func @transform_1(%arg0: i32) -> (i32, i32) {
    %c0_i32 = arith.constant 0 : i32
    %c0_i32_0 = arith.constant 0 : i32
    %c0_i32_1 = arith.constant 0 : i32
    return %c0_i32, %c0_i32_0 : i32, i32
  }
  func.func @transform_2(%arg0: i32) -> (i32, i32) {
    %c0_i32 = arith.constant 0 : i32
    %c0_i32_0 = arith.constant 0 : i32
    %c0_i32_1 = arith.constant 0 : i32
    return %c0_i32, %c0_i32_0 : i32, i32
  }
  func.func @transform_3(%arg0: i32) -> (i32, i32) {
    %c0_i32 = arith.constant 0 : i32
    %c0_i32_0 = arith.constant 0 : i32
    %c0_i32_1 = arith.constant 0 : i32
    return %c0_i32, %c0_i32_0 : i32, i32
  }
  func.func @transform_4(%arg0: i32) -> (i32, i32) {
    %c0_i32 = arith.constant 0 : i32
    %c0_i32_0 = arith.constant 0 : i32
    %c0_i32_1 = arith.constant 0 : i32
    return %c0_i32, %c0_i32_0 : i32, i32
  }
  func.func @transform_5(%arg0: i32) -> (i32, i32) {
    %c0_i32 = arith.constant 0 : i32
    %c0_i32_0 = arith.constant 0 : i32
    return %arg0, %c0_i32 : i32, i32
  }
  func.func @transform_6(%arg0: i32) -> (i32, i32) {
    %c0_i32 = arith.constant 0 : i32
    %c0_i32_0 = arith.constant 0 : i32
    return %arg0, %c0_i32 : i32, i32
  }
  func.func @transform_7(%arg0: i32) -> (i32, i32) {
    %c0_i32 = arith.constant 0 : i32
    %c0_i32_0 = arith.constant 0 : i32
    return %arg0, %c0_i32 : i32, i32
  }
  func.func @transform_8(%arg0: i32) -> (i32, i32) {
    %c0_i32 = arith.constant 0 : i32
    %c0_i32_0 = arith.constant 0 : i32
    return %arg0, %c0_i32 : i32, i32
  }
  func.func @transform_9(%arg0: i32) -> (i32, i32) {
    %c0_i32 = arith.constant 0 : i32
    %c0_i32_0 = arith.constant 0 : i32
    %c0_i32_1 = arith.constant 0 : i32
    return %c0_i32, %c0_i32_0 : i32, i32
  }
}

module attributes {stable_mosaic.version = 14 : i64} {
  func.func @_mid_body(%arg0: i32, %arg1: memref<1000x128xf32, #tpu.memory_space<vmem>>, %arg2: memref<1000x2xf32, #tpu.memory_space<vmem>>, %arg3: memref<1000x2xf32, #tpu.memory_space<vmem>>, %arg4: memref<1000x128xf32, #tpu.memory_space<vmem>>, %arg5: memref<1000x1xf32, #tpu.memory_space<vmem>>, %arg6: memref<1000x1xf32, #tpu.memory_space<vmem>>) attributes {dimension_semantics = [#tpu.dimension_semantics<arbitrary>], iteration_bounds = array<i64: 10>, scalar_prefetch = 0 : i64, scratch_operands = 0 : i64, tpu.core_type = #tpu.core_type<tc>, window_params = [{transform_indices = @transform_0, window_bounds = array<i64: 1000, 128>}, {transform_indices = @transform_1, window_bounds = array<i64: 1000, 2>}, {transform_indices = @transform_2, window_bounds = array<i64: 1000, 2>}, {transform_indices = @transform_3, window_bounds = array<i64: 1000, 128>}, {transform_indices = @transform_4, window_bounds = array<i64: 1000, 1>}, {transform_indices = @transform_5, window_bounds = array<i64: 1000, 1>}]} {
    %get3A = arith.constant 0 : index
    %get3A_0 = arith.constant 0 : index
    %get3A_1 = vector.load %arg2[%get3A, %get3A_0] : memref<1000x2xf32, #tpu.memory_space<vmem>>, vector<1000x2xf32>
    %slice3A = vector.extract_strided_slice %get3A_1 {offsets = [0, 0], sizes = [1000, 1], strides = [1, 1]} : vector<1000x2xf32> to vector<1000x1xf32>
    %squeeze3A = vector.shape_cast %slice3A : vector<1000x1xf32> to vector<1000xf32>
    %get3A_2 = arith.constant 0 : index
    %get3A_3 = arith.constant 0 : index
    %get3A_4 = vector.load %arg2[%get3A_2, %get3A_3] : memref<1000x2xf32, #tpu.memory_space<vmem>>, vector<1000x2xf32>
    %slice3A_5 = vector.extract_strided_slice %get3A_4 {offsets = [0, 1], sizes = [1000, 1], strides = [1, 1]} : vector<1000x2xf32> to vector<1000x1xf32>
    %squeeze3A_6 = vector.shape_cast %slice3A_5 : vector<1000x1xf32> to vector<1000xf32>
    %add3A = arith.addf %squeeze3A, %squeeze3A_6 : vector<1000xf32>
    %get3A_7 = arith.constant 0 : index
    %get3A_8 = arith.constant 0 : index
    %get3A_9 = vector.load %arg3[%get3A_7, %get3A_8] : memref<1000x2xf32, #tpu.memory_space<vmem>>, vector<1000x2xf32>
    %slice3A_10 = vector.extract_strided_slice %get3A_9 {offsets = [0, 0], sizes = [1000, 1], strides = [1, 1]} : vector<1000x2xf32> to vector<1000x1xf32>
    %squeeze3A_11 = vector.shape_cast %slice3A_10 : vector<1000x1xf32> to vector<1000xf32>
    %get3A_12 = arith.constant 0 : index
    %get3A_13 = arith.constant 0 : index
    %get3A_14 = vector.load %arg3[%get3A_12, %get3A_13] : memref<1000x2xf32, #tpu.memory_space<vmem>>, vector<1000x2xf32>
    %slice3A_15 = vector.extract_strided_slice %get3A_14 {offsets = [0, 1], sizes = [1000, 1], strides = [1, 1]} : vector<1000x2xf32> to vector<1000x1xf32>
    %squeeze3A_16 = vector.shape_cast %slice3A_15 : vector<1000x1xf32> to vector<1000xf32>
    %add3A_17 = arith.addf %squeeze3A_11, %squeeze3A_16 : vector<1000xf32>
    %broadcast_in_dim3A = vector.shape_cast %add3A : vector<1000xf32> to vector<1000x1xf32>
    %swap3A = arith.constant 0 : index
    %swap3A_18 = arith.constant 0 : index
    %swap3A_19 = vector.load %arg5[%swap3A, %swap3A_18] : memref<1000x1xf32, #tpu.memory_space<vmem>>, vector<1000x1xf32>
    tpu.vector_store %arg5[%swap3A, %swap3A_18], %broadcast_in_dim3A {strides = array<i32>} : memref<1000x1xf32, #tpu.memory_space<vmem>>, vector<1000x1xf32>,
    %broadcast_in_dim3A_20 = vector.shape_cast %add3A_17 : vector<1000xf32> to vector<1000x1xf32>
    %swap3A_21 = arith.constant 0 : index
    %swap3A_22 = arith.constant 0 : index
    %swap3A_23 = vector.load %arg6[%swap3A_21, %swap3A_22] : memref<1000x1xf32, #tpu.memory_space<vmem>>, vector<1000x1xf32>
    tpu.vector_store %arg6[%swap3A_21, %swap3A_22], %broadcast_in_dim3A_20 {strides = array<i32>} : memref<1000x1xf32, #tpu.memory_space<vmem>>, vector<1000x1xf32>,
    %add3A_24 = arith.constant 1.000000e+00 : f32
    %add3A_25 = vector.broadcast %add3A_24 : f32 to vector<1000xf32>
    %add3A_26 = arith.addf %add3A, %add3A_25 : vector<1000xf32>
    %rsqrt3A = math.rsqrt %add3A_26 : vector<1000xf32>
    %get3A_27 = arith.constant 0 : index
    %get3A_28 = arith.constant 0 : index
    %get3A_29 = vector.load %arg1[%get3A_27, %get3A_28] : memref<1000x128xf32, #tpu.memory_space<vmem>>, vector<1000x128xf32>
    %broadcast_in_dim3A_30 = vector.shape_cast %rsqrt3A : vector<1000xf32> to vector<1000x1xf32>
    %mul3A = vector.broadcast %broadcast_in_dim3A_30 : vector<1000x1xf32> to vector<1000x128xf32>
    %mul3A_31 = arith.mulf %get3A_29, %mul3A : vector<1000x128xf32>
    %swap3A_32 = arith.constant 0 : index
    %swap3A_33 = arith.constant 0 : index
    %swap3A_34 = vector.load %arg4[%swap3A_32, %swap3A_33] : memref<1000x128xf32, #tpu.memory_space<vmem>>, vector<1000x128xf32>
    tpu.vector_store %arg4[%swap3A_32, %swap3A_33], %mul3A_31 {strides = array<i32>} : memref<1000x128xf32, #tpu.memory_space<vmem>>, vector<1000x128xf32>,
    return
  }
  func.func @transform_0(%arg0: i32) -> (i32, i32) {
    %c0_i32 = arith.constant 0 : i32
    %c0_i32_0 = arith.constant 0 : i32
    return %arg0, %c0_i32 : i32, i32
  }
  func.func @transform_1(%arg0: i32) -> (i32, i32) {
    %c0_i32 = arith.constant 0 : i32
    %c0_i32_0 = arith.constant 0 : i32
    return %arg0, %c0_i32 : i32, i32
  }
  func.func @transform_2(%arg0: i32) -> (i32, i32) {
    %c0_i32 = arith.constant 0 : i32
    %c0_i32_0 = arith.constant 0 : i32
    return %arg0, %c0_i32 : i32, i32
  }
  func.func @transform_3(%arg0: i32) -> (i32, i32) {
    %c0_i32 = arith.constant 0 : i32
    %c0_i32_0 = arith.constant 0 : i32
    return %arg0, %c0_i32 : i32, i32
  }
  func.func @transform_4(%arg0: i32) -> (i32, i32) {
    %c0_i32 = arith.constant 0 : i32
    %c0_i32_0 = arith.constant 0 : i32
    return %arg0, %c0_i32 : i32, i32
  }
  func.func @transform_5(%arg0: i32) -> (i32, i32) {
    %c0_i32 = arith.constant 0 : i32
    %c0_i32_0 = arith.constant 0 : i32
    return %arg0, %c0_i32 : i32, i32
  }
}

module attributes {stable_mosaic.version = 14 : i64} {
  func.func @_final_body(%arg0: i32, %arg1: memref<6x1000x128xf32, #tpu.memory_space<vmem>>, %arg2: memref<1000x128xf32, #tpu.memory_space<vmem>>, %arg3: memref<1000x128xf32, #tpu.memory_space<vmem>>, %arg4: memref<1000x128xf32, #tpu.memory_space<vmem>>, %arg5: memref<1000x1xf32, #tpu.memory_space<vmem>>, %arg6: memref<1000x1xf32, #tpu.memory_space<vmem>>, %arg7: memref<1x1xf32, #tpu.memory_space<vmem>>, %arg8: memref<1000x1xf32, #tpu.memory_space<vmem>>, %arg9: memref<1000x1xf32, #tpu.memory_space<vmem>>, %arg10: memref<1x128xf32, #tpu.memory_space<vmem>>, %arg11: memref<1x128xf32, #tpu.memory_space<vmem>>, %arg12: memref<128x128xf32, #tpu.memory_space<vmem>>, %arg13: memref<128x128xf32, #tpu.memory_space<vmem>>, %arg14: memref<1x128xf32, #tpu.memory_space<vmem>>, %arg15: memref<1x384xf32, #tpu.memory_space<vmem>>, %arg16: memref<1x384xf32, #tpu.memory_space<vmem>>, %arg17: memref<384x256xf32, #tpu.memory_space<vmem>>, %arg18: memref<1x256xf32, #tpu.memory_space<vmem>>, %arg19: memref<256x128xf32, #tpu.memory_space<vmem>>, %arg20: memref<1x128xf32, #tpu.memory_space<vmem>>, %arg21: memref<128x128xf32, #tpu.memory_space<vmem>>, %arg22: memref<1x128xf32, #tpu.memory_space<vmem>>, %arg23: memref<1000x128xf32, #tpu.memory_space<vmem>>) attributes {dimension_semantics = [#tpu.dimension_semantics<arbitrary>], iteration_bounds = array<i64: 10>, scalar_prefetch = 0 : i64, scratch_operands = 0 : i64, tpu.core_type = #tpu.core_type<tc>, window_params = [{transform_indices = @transform_0, window_bounds = array<i64: 6, 1000, 128>}, {transform_indices = @transform_1, window_bounds = array<i64: 1000, 128>}, {transform_indices = @transform_2, window_bounds = array<i64: 1000, 128>}, {transform_indices = @transform_3, window_bounds = array<i64: 1000, 128>}, {transform_indices = @transform_4, window_bounds = array<i64: 1000, 1>}, {transform_indices = @transform_5, window_bounds = array<i64: 1000, 1>}, {pipeline_mode = #tpu.pipeline_mode<synchronous>, transform_indices = @transform_6, window_bounds = array<i64: 1, 1>}, {transform_indices = @transform_7, window_bounds = array<i64: 1000, 1>}, {transform_indices = @transform_8, window_bounds = array<i64: 1000, 1>}, {pipeline_mode = #tpu.pipeline_mode<synchronous>, transform_indices = @transform_9, window_bounds = array<i64: 1, 128>}, {pipeline_mode = #tpu.pipeline_mode<synchronous>, transform_indices = @transform_10, window_bounds = array<i64: 1, 128>}, {pipeline_mode = #tpu.pipeline_mode<synchronous>, transform_indices = @transform_11, window_bounds = array<i64: 128, 128>}, {pipeline_mode = #tpu.pipeline_mode<synchronous>, transform_indices = @transform_12, window_bounds = array<i64: 128, 128>}, {pipeline_mode = #tpu.pipeline_mode<synchronous>, transform_indices = @transform_13, window_bounds = array<i64: 1, 128>}, {pipeline_mode = #tpu.pipeline_mode<synchronous>, transform_indices = @transform_14, window_bounds = array<i64: 1, 384>}, {pipeline_mode = #tpu.pipeline_mode<synchronous>, transform_indices = @transform_15, window_bounds = array<i64: 1, 384>}, {pipeline_mode = #tpu.pipeline_mode<synchronous>, transform_indices = @transform_16, window_bounds = array<i64: 384, 256>}, {pipeline_mode = #tpu.pipeline_mode<synchronous>, transform_indices = @transform_17, window_bounds = array<i64: 1, 256>}, {pipeline_mode = #tpu.pipeline_mode<synchronous>, transform_indices = @transform_18, window_bounds = array<i64: 256, 128>}, {pipeline_mode = #tpu.pipeline_mode<synchronous>, transform_indices = @transform_19, window_bounds = array<i64: 1, 128>}, {pipeline_mode = #tpu.pipeline_mode<synchronous>, transform_indices = @transform_20, window_bounds = array<i64: 128, 128>}, {pipeline_mode = #tpu.pipeline_mode<synchronous>, transform_indices = @transform_21, window_bounds = array<i64: 1, 128>}, {transform_indices = @transform_22, window_bounds = array<i64: 1000, 128>}]} {
    %get3A = arith.constant 0 : index
    %get3A_0 = arith.constant 0 : index
    %get3A_1 = arith.constant 0 : index
    %get3A_2 = vector.load %arg1[%get3A, %get3A_0, %get3A_1] : memref<6x1000x128xf32, #tpu.memory_space<vmem>>, vector<1x1000x128xf32>
    %get3A_3 = vector.shape_cast %get3A_2 : vector<1x1000x128xf32> to vector<1000x128xf32>
    %get3A_4 = arith.constant 1 : index
    %get3A_5 = arith.constant 0 : index
    %get3A_6 = arith.constant 0 : index
    %get3A_7 = vector.load %arg1[%get3A_4, %get3A_5, %get3A_6] : memref<6x1000x128xf32, #tpu.memory_space<vmem>>, vector<1x1000x128xf32>
    %get3A_8 = vector.shape_cast %get3A_7 : vector<1x1000x128xf32> to vector<1000x128xf32>
    %add3A = arith.addf %get3A_3, %get3A_8 : vector<1000x128xf32>
    %get3A_9 = arith.constant 2 : index
    %get3A_10 = arith.constant 0 : index
    %get3A_11 = arith.constant 0 : index
    %get3A_12 = vector.load %arg1[%get3A_9, %get3A_10, %get3A_11] : memref<6x1000x128xf32, #tpu.memory_space<vmem>>, vector<1x1000x128xf32>
    %get3A_13 = vector.shape_cast %get3A_12 : vector<1x1000x128xf32> to vector<1000x128xf32>
    %get3A_14 = arith.constant 3 : index
    %get3A_15 = arith.constant 0 : index
    %get3A_16 = arith.constant 0 : index
    %get3A_17 = vector.load %arg1[%get3A_14, %get3A_15, %get3A_16] : memref<6x1000x128xf32, #tpu.memory_space<vmem>>, vector<1x1000x128xf32>
    %get3A_18 = vector.shape_cast %get3A_17 : vector<1x1000x128xf32> to vector<1000x128xf32>
    %add3A_19 = arith.addf %get3A_13, %get3A_18 : vector<1000x128xf32>
    %get3A_20 = arith.constant 4 : index
    %get3A_21 = arith.constant 0 : index
    %get3A_22 = arith.constant 0 : index
    %get3A_23 = vector.load %arg1[%get3A_20, %get3A_21, %get3A_22] : memref<6x1000x128xf32, #tpu.memory_space<vmem>>, vector<1x1000x128xf32>
    %get3A_24 = vector.shape_cast %get3A_23 : vector<1x1000x128xf32> to vector<1000x128xf32>
    %get3A_25 = arith.constant 5 : index
    %get3A_26 = arith.constant 0 : index
    %get3A_27 = arith.constant 0 : index
    %get3A_28 = vector.load %arg1[%get3A_25, %get3A_26, %get3A_27] : memref<6x1000x128xf32, #tpu.memory_space<vmem>>, vector<1x1000x128xf32>
    %get3A_29 = vector.shape_cast %get3A_28 : vector<1x1000x128xf32> to vector<1000x128xf32>
    %add3A_30 = arith.addf %get3A_24, %get3A_29 : vector<1000x128xf32>
    %get3A_31 = arith.constant 0 : index
    %get3A_32 = arith.constant 0 : index
    %get3A_33 = vector.load %arg5[%get3A_31, %get3A_32] : memref<1000x1xf32, #tpu.memory_space<vmem>>, vector<1000x1xf32>
    %squeeze3A = vector.shape_cast %get3A_33 : vector<1000x1xf32> to vector<1000xf32>
    %get3A_34 = arith.constant 0 : index
    %get3A_35 = arith.constant 0 : index
    %get3A_36 = vector.load %arg6[%get3A_34, %get3A_35] : memref<1000x1xf32, #tpu.memory_space<vmem>>, vector<1000x1xf32>
    %squeeze3A_37 = vector.shape_cast %get3A_36 : vector<1000x1xf32> to vector<1000xf32>
    %get3A_38 = arith.constant 0 : index
    %get3A_39 = arith.constant 0 : index
    %get3A_40 = vector.load %arg7[%get3A_38, %get3A_39] : memref<1x1xf32, #tpu.memory_space<vmem>>, vector<1x1xf32>
    %squeeze3A_41 = vector.extract %get3A_40[0, 0] : f32 from vector<1x1xf32>
    %add3A_42 = arith.addf %squeeze3A, %squeeze3A_37 : vector<1000xf32>
    %gt3A = arith.constant 0.000000e+00 : f32
    %gt3A_43 = vector.broadcast %gt3A : f32 to vector<1000xf32>
    %gt3A_44 = arith.cmpf ogt, %add3A_42, %gt3A_43 : vector<1000xf32>
    %mul3A = arith.constant 2.000000e-01 : f32
    %mul3A_45 = vector.broadcast %mul3A : f32 to vector<1000xf32>
    %mul3A_46 = arith.mulf %mul3A_45, %add3A_42 : vector<1000xf32>
    %select_n3A = arith.select %gt3A_44, %add3A_42, %mul3A_46 : vector<1000xi1>, vector<1000xf32>
    %add3A_47 = vector.broadcast %squeeze3A_41 : f32 to vector<1000xf32>
    %add3A_48 = arith.addf %add3A_47, %squeeze3A_37 : vector<1000xf32>
    %gt3A_49 = arith.constant 0.000000e+00 : f32
    %gt3A_50 = vector.broadcast %gt3A_49 : f32 to vector<1000xf32>
    %gt3A_51 = arith.cmpf ogt, %add3A_48, %gt3A_50 : vector<1000xf32>
    %mul3A_52 = arith.constant 2.000000e-01 : f32
    %mul3A_53 = vector.broadcast %mul3A_52 : f32 to vector<1000xf32>
    %mul3A_54 = arith.mulf %mul3A_53, %add3A_48 : vector<1000xf32>
    %select_n3A_55 = arith.select %gt3A_51, %add3A_48, %mul3A_54 : vector<1000xi1>, vector<1000xf32>
    %sub3A = arith.subf %select_n3A, %select_n3A_55 : vector<1000xf32>
    %exp3A = math.exp %sub3A : vector<1000xf32>
    %get3A_56 = arith.constant 0 : index
    %get3A_57 = arith.constant 0 : index
    %get3A_58 = vector.load %arg9[%get3A_56, %get3A_57] : memref<1000x1xf32, #tpu.memory_space<vmem>>, vector<1000x1xf32>
    %squeeze3A_59 = vector.shape_cast %get3A_58 : vector<1000x1xf32> to vector<1000xf32>
    %add3A_60 = arith.addf %squeeze3A_59, %exp3A : vector<1000xf32>
    %add3A_61 = arith.constant 1.000000e-16 : f32
    %add3A_62 = vector.broadcast %add3A_61 : f32 to vector<1000xf32>
    %add3A_63 = arith.addf %add3A_60, %add3A_62 : vector<1000xf32>
    %div3A = arith.constant 1.000000e+00 : f32
    %div3A_64 = vector.broadcast %div3A : f32 to vector<1000xf32>
    %div3A_65 = arith.divf %div3A_64, %add3A_63 : vector<1000xf32>
    %broadcast_in_dim3A = vector.shape_cast %exp3A : vector<1000xf32> to vector<1000x1xf32>
    %get3A_66 = arith.constant 0 : index
    %get3A_67 = arith.constant 0 : index
    %get3A_68 = vector.load %arg2[%get3A_66, %get3A_67] : memref<1000x128xf32, #tpu.memory_space<vmem>>, vector<1000x128xf32>
    %mul3A_69 = vector.broadcast %broadcast_in_dim3A : vector<1000x1xf32> to vector<1000x128xf32>
    %mul3A_70 = arith.mulf %mul3A_69, %get3A_68 : vector<1000x128xf32>
    %add3A_71 = arith.addf %add3A, %mul3A_70 : vector<1000x128xf32>
    %broadcast_in_dim3A_72 = vector.shape_cast %div3A_65 : vector<1000xf32> to vector<1000x1xf32>
    %mul3A_73 = vector.broadcast %broadcast_in_dim3A_72 : vector<1000x1xf32> to vector<1000x128xf32>
    %mul3A_74 = arith.mulf %add3A_71, %mul3A_73 : vector<1000x128xf32>
    %get3A_75 = arith.constant 0 : index
    %get3A_76 = arith.constant 0 : index
    %get3A_77 = vector.load %arg10[%get3A_75, %get3A_76] : memref<1x128xf32, #tpu.memory_space<vmem>>, vector<1x128xf32>
    %add3A_78 = vector.broadcast %get3A_77 : vector<1x128xf32> to vector<1000x128xf32>
    %add3A_79 = arith.addf %mul3A_74, %add3A_78 : vector<1000x128xf32>
    %get3A_80 = arith.constant 0 : index
    %get3A_81 = arith.constant 0 : index
    %get3A_82 = vector.load %arg8[%get3A_80, %get3A_81] : memref<1000x1xf32, #tpu.memory_space<vmem>>, vector<1000x1xf32>
    %squeeze3A_83 = vector.shape_cast %get3A_82 : vector<1000x1xf32> to vector<1000xf32>
    %add3A_84 = arith.constant 1.000000e+00 : f32
    %add3A_85 = vector.broadcast %add3A_84 : f32 to vector<1000xf32>
    %add3A_86 = arith.addf %squeeze3A_83, %add3A_85 : vector<1000xf32>
    %rsqrt3A = math.rsqrt %add3A_86 : vector<1000xf32>
    %broadcast_in_dim3A_87 = vector.shape_cast %rsqrt3A : vector<1000xf32> to vector<1000x1xf32>
    %mul3A_88 = vector.broadcast %broadcast_in_dim3A_87 : vector<1000x1xf32> to vector<1000x128xf32>
    %mul3A_89 = arith.mulf %mul3A_88, %add3A_19 : vector<1000x128xf32>
    %mul3A_90 = arith.mulf %rsqrt3A, %rsqrt3A : vector<1000xf32>
    %broadcast_in_dim3A_91 = vector.shape_cast %mul3A_90 : vector<1000xf32> to vector<1000x1xf32>
    %get3A_92 = arith.constant 0 : index
    %get3A_93 = arith.constant 0 : index
    %get3A_94 = vector.load %arg3[%get3A_92, %get3A_93] : memref<1000x128xf32, #tpu.memory_space<vmem>>, vector<1000x128xf32>
    %mul3A_95 = vector.broadcast %broadcast_in_dim3A_91 : vector<1000x1xf32> to vector<1000x128xf32>
    %mul3A_96 = arith.mulf %mul3A_95, %get3A_94 : vector<1000x128xf32>
    %add3A_97 = arith.addf %mul3A_89, %mul3A_96 : vector<1000x128xf32>
    %get3A_98 = arith.constant 0 : index
    %get3A_99 = arith.constant 0 : index
    %get3A_100 = vector.load %arg11[%get3A_98, %get3A_99] : memref<1x128xf32, #tpu.memory_space<vmem>>, vector<1x128xf32>
    %add3A_101 = vector.broadcast %get3A_100 : vector<1x128xf32> to vector<1000x128xf32>
    %add3A_102 = arith.addf %add3A_97, %add3A_101 : vector<1000x128xf32>
    %max3A = arith.constant 1.000000e+00 : f32
    %max3A_103 = vector.broadcast %max3A : f32 to vector<1000xf32>
    %max3A_104 = arith.maximumf %squeeze3A_83, %max3A_103 : vector<1000xf32>
    %broadcast_in_dim3A_105 = vector.shape_cast %max3A_104 : vector<1000xf32> to vector<1000x1xf32>
    %div3A_106 = vector.broadcast %broadcast_in_dim3A_105 : vector<1000x1xf32> to vector<1000x128xf32>
    %div3A_107 = arith.divf %add3A_30, %div3A_106 : vector<1000x128xf32>
    %get3A_108 = arith.constant 0 : index
    %get3A_109 = arith.constant 0 : index
    %get3A_110 = vector.load %arg12[%get3A_108, %get3A_109] : memref<128x128xf32, #tpu.memory_space<vmem>>, vector<128x128xf32>
    %dot_general3A = arith.constant dense<0.000000e+00> : vector<1000x128xf32>
    %dot_general3A_111 = tpu.matmul %div3A_107, %get3A_110, %dot_general3A {dimension_numbers = #tpu.dot_dimension_numbers<[1], [0], [0], [1], [0, 0, 1, 1], [], []>, transpose_lhs_hint = false} : vector<1000x128xf32>, vector<128x128xf32>, vector<1000x128xf32> -> vector<1000x128xf32>
    %get3A_112 = arith.constant 0 : index
    %get3A_113 = arith.constant 0 : index
    %get3A_114 = vector.load %arg14[%get3A_112, %get3A_113] : memref<1x128xf32, #tpu.memory_space<vmem>>, vector<1x128xf32>
    %add3A_115 = vector.broadcast %get3A_114 : vector<1x128xf32> to vector<1000x128xf32>
    %add3A_116 = arith.addf %dot_general3A_111, %add3A_115 : vector<1000x128xf32>
    %get3A_117 = arith.constant 0 : index
    %get3A_118 = arith.constant 0 : index
    %get3A_119 = vector.load %arg4[%get3A_117, %get3A_118] : memref<1000x128xf32, #tpu.memory_space<vmem>>, vector<1000x128xf32>
    %get3A_120 = arith.constant 0 : index
    %get3A_121 = arith.constant 0 : index
    %get3A_122 = vector.load %arg13[%get3A_120, %get3A_121] : memref<128x128xf32, #tpu.memory_space<vmem>>, vector<128x128xf32>
    %dot_general3A_123 = arith.constant dense<0.000000e+00> : vector<1000x128xf32>
    %dot_general3A_124 = tpu.matmul %get3A_119, %get3A_122, %dot_general3A_123 {dimension_numbers = #tpu.dot_dimension_numbers<[1], [0], [0], [1], [0, 0, 1, 1], [], []>, transpose_lhs_hint = false} : vector<1000x128xf32>, vector<128x128xf32>, vector<1000x128xf32> -> vector<1000x128xf32>
    %add3A_125 = arith.addf %add3A_116, %dot_general3A_124 : vector<1000x128xf32>
    %concatenate3A = tpu.concatenate %add3A_79, %add3A_102, %add3A_125 in 1 : vector<1000x128xf32>, vector<1000x128xf32>, vector<1000x128xf32> -> vector<1000x384xf32>
    %get3A_126 = arith.constant 0 : index
    %get3A_127 = arith.constant 0 : index
    %get3A_128 = vector.load %arg15[%get3A_126, %get3A_127] : memref<1x384xf32, #tpu.memory_space<vmem>>, vector<1x384xf32>
    %mul3A_129 = vector.broadcast %get3A_128 : vector<1x384xf32> to vector<1000x384xf32>
    %mul3A_130 = arith.mulf %concatenate3A, %mul3A_129 : vector<1000x384xf32>
    %get3A_131 = arith.constant 0 : index
    %get3A_132 = arith.constant 0 : index
    %get3A_133 = vector.load %arg16[%get3A_131, %get3A_132] : memref<1x384xf32, #tpu.memory_space<vmem>>, vector<1x384xf32>
    %add3A_134 = vector.broadcast %get3A_133 : vector<1x384xf32> to vector<1000x384xf32>
    %add3A_135 = arith.addf %mul3A_130, %add3A_134 : vector<1000x384xf32>
    %max3A_136 = arith.constant 0.000000e+00 : f32
    %max3A_137 = vector.broadcast %max3A_136 : f32 to vector<1000x384xf32>
    %max3A_138 = arith.maximumf %add3A_135, %max3A_137 : vector<1000x384xf32>
    %get3A_139 = arith.constant 0 : index
    %get3A_140 = arith.constant 0 : index
    %get3A_141 = vector.load %arg17[%get3A_139, %get3A_140] : memref<384x256xf32, #tpu.memory_space<vmem>>, vector<384x256xf32>
    %dot_general3A_142 = arith.constant dense<0.000000e+00> : vector<1000x256xf32>
    %dot_general3A_143 = tpu.matmul %max3A_138, %get3A_141, %dot_general3A_142 {dimension_numbers = #tpu.dot_dimension_numbers<[1], [0], [0], [1], [0, 0, 1, 1], [], []>, transpose_lhs_hint = false} : vector<1000x384xf32>, vector<384x256xf32>, vector<1000x256xf32> -> vector<1000x256xf32>
    %get3A_144 = arith.constant 0 : index
    %get3A_145 = arith.constant 0 : index
    %get3A_146 = vector.load %arg18[%get3A_144, %get3A_145] : memref<1x256xf32, #tpu.memory_space<vmem>>, vector<1x256xf32>
    %add3A_147 = vector.broadcast %get3A_146 : vector<1x256xf32> to vector<1000x256xf32>
    %add3A_148 = arith.addf %dot_general3A_143, %add3A_147 : vector<1000x256xf32>
    %max3A_149 = arith.constant 0.000000e+00 : f32
    %max3A_150 = vector.broadcast %max3A_149 : f32 to vector<1000x256xf32>
    %max3A_151 = arith.maximumf %add3A_148, %max3A_150 : vector<1000x256xf32>
    %get3A_152 = arith.constant 0 : index
    %get3A_153 = arith.constant 0 : index
    %get3A_154 = vector.load %arg19[%get3A_152, %get3A_153] : memref<256x128xf32, #tpu.memory_space<vmem>>, vector<256x128xf32>
    %dot_general3A_155 = arith.constant dense<0.000000e+00> : vector<1000x128xf32>
    %dot_general3A_156 = tpu.matmul %max3A_151, %get3A_154, %dot_general3A_155 {dimension_numbers = #tpu.dot_dimension_numbers<[1], [0], [0], [1], [0, 0, 1, 1], [], []>, transpose_lhs_hint = false} : vector<1000x256xf32>, vector<256x128xf32>, vector<1000x128xf32> -> vector<1000x128xf32>
    %get3A_157 = arith.constant 0 : index
    %get3A_158 = arith.constant 0 : index
    %get3A_159 = vector.load %arg20[%get3A_157, %get3A_158] : memref<1x128xf32, #tpu.memory_space<vmem>>, vector<1x128xf32>
    %add3A_160 = vector.broadcast %get3A_159 : vector<1x128xf32> to vector<1000x128xf32>
    %add3A_161 = arith.addf %dot_general3A_156, %add3A_160 : vector<1000x128xf32>
    %max3A_162 = arith.constant 0.000000e+00 : f32
    %max3A_163 = vector.broadcast %max3A_162 : f32 to vector<1000x128xf32>
    %max3A_164 = arith.maximumf %add3A_161, %max3A_163 : vector<1000x128xf32>
    %get3A_165 = arith.constant 0 : index
    %get3A_166 = arith.constant 0 : index
    %get3A_167 = vector.load %arg21[%get3A_165, %get3A_166] : memref<128x128xf32, #tpu.memory_space<vmem>>, vector<128x128xf32>
    %dot_general3A_168 = arith.constant dense<0.000000e+00> : vector<1000x128xf32>
    %dot_general3A_169 = tpu.matmul %max3A_164, %get3A_167, %dot_general3A_168 {dimension_numbers = #tpu.dot_dimension_numbers<[1], [0], [0], [1], [0, 0, 1, 1], [], []>, transpose_lhs_hint = false} : vector<1000x128xf32>, vector<128x128xf32>, vector<1000x128xf32> -> vector<1000x128xf32>
    %get3A_170 = arith.constant 0 : index
    %get3A_171 = arith.constant 0 : index
    %get3A_172 = vector.load %arg22[%get3A_170, %get3A_171] : memref<1x128xf32, #tpu.memory_space<vmem>>, vector<1x128xf32>
    %add3A_173 = vector.broadcast %get3A_172 : vector<1x128xf32> to vector<1000x128xf32>
    %add3A_174 = arith.addf %dot_general3A_169, %add3A_173 : vector<1000x128xf32>
    %swap3A = arith.constant 0 : index
    %swap3A_175 = arith.constant 0 : index
    %swap3A_176 = vector.load %arg23[%swap3A, %swap3A_175] : memref<1000x128xf32, #tpu.memory_space<vmem>>, vector<1000x128xf32>
    tpu.vector_store %arg23[%swap3A, %swap3A_175], %add3A_174 {strides = array<i32>} : memref<1000x128xf32, #tpu.memory_space<vmem>>, vector<1000x128xf32>,
    return
  }
  func.func @transform_0(%arg0: i32) -> (i32, i32, i32) {
    %c0_i32 = arith.constant 0 : i32
    %c0_i32_0 = arith.constant 0 : i32
    %c0_i32_1 = arith.constant 0 : i32
    return %c0_i32, %arg0, %c0_i32_0 : i32, i32, i32
  }
  func.func @transform_1(%arg0: i32) -> (i32, i32) {
    %c0_i32 = arith.constant 0 : i32
    %c0_i32_0 = arith.constant 0 : i32
    return %arg0, %c0_i32 : i32, i32
  }
  func.func @transform_2(%arg0: i32) -> (i32, i32) {
    %c0_i32 = arith.constant 0 : i32
    %c0_i32_0 = arith.constant 0 : i32
    return %arg0, %c0_i32 : i32, i32
  }
  func.func @transform_3(%arg0: i32) -> (i32, i32) {
    %c0_i32 = arith.constant 0 : i32
    %c0_i32_0 = arith.constant 0 : i32
    return %arg0, %c0_i32 : i32, i32
  }
  func.func @transform_4(%arg0: i32) -> (i32, i32) {
    %c0_i32 = arith.constant 0 : i32
    %c0_i32_0 = arith.constant 0 : i32
    return %arg0, %c0_i32 : i32, i32
  }
  func.func @transform_5(%arg0: i32) -> (i32, i32) {
    %c0_i32 = arith.constant 0 : i32
    %c0_i32_0 = arith.constant 0 : i32
    return %arg0, %c0_i32 : i32, i32
  }
  func.func @transform_6(%arg0: i32) -> (i32, i32) {
    %c0_i32 = arith.constant 0 : i32
    %c0_i32_0 = arith.constant 0 : i32
    %c0_i32_1 = arith.constant 0 : i32
    return %c0_i32, %c0_i32_0 : i32, i32
  }
  func.func @transform_7(%arg0: i32) -> (i32, i32) {
    %c0_i32 = arith.constant 0 : i32
    %c0_i32_0 = arith.constant 0 : i32
    return %arg0, %c0_i32 : i32, i32
  }
  func.func @transform_8(%arg0: i32) -> (i32, i32) {
    %c0_i32 = arith.constant 0 : i32
    %c0_i32_0 = arith.constant 0 : i32
    return %arg0, %c0_i32 : i32, i32
  }
  func.func @transform_9(%arg0: i32) -> (i32, i32) {
    %c0_i32 = arith.constant 0 : i32
    %c0_i32_0 = arith.constant 0 : i32
    %c0_i32_1 = arith.constant 0 : i32
    return %c0_i32, %c0_i32_0 : i32, i32
  }
  func.func @transform_10(%arg0: i32) -> (i32, i32) {
    %c0_i32 = arith.constant 0 : i32
    %c0_i32_0 = arith.constant 0 : i32
    %c0_i32_1 = arith.constant 0 : i32
    return %c0_i32, %c0_i32_0 : i32, i32
  }
  func.func @transform_11(%arg0: i32) -> (i32, i32) {
    %c0_i32 = arith.constant 0 : i32
    %c0_i32_0 = arith.constant 0 : i32
    %c0_i32_1 = arith.constant 0 : i32
    return %c0_i32, %c0_i32_0 : i32, i32
  }
  func.func @transform_12(%arg0: i32) -> (i32, i32) {
    %c0_i32 = arith.constant 0 : i32
    %c0_i32_0 = arith.constant 0 : i32
    %c0_i32_1 = arith.constant 0 : i32
    return %c0_i32, %c0_i32_0 : i32, i32
  }
  func.func @transform_13(%arg0: i32) -> (i32, i32) {
    %c0_i32 = arith.constant 0 : i32
    %c0_i32_0 = arith.constant 0 : i32
    %c0_i32_1 = arith.constant 0 : i32
    return %c0_i32, %c0_i32_0 : i32, i32
  }
  func.func @transform_14(%arg0: i32) -> (i32, i32) {
    %c0_i32 = arith.constant 0 : i32
    %c0_i32_0 = arith.constant 0 : i32
    %c0_i32_1 = arith.constant 0 : i32
    return %c0_i32, %c0_i32_0 : i32, i32
  }
  func.func @transform_15(%arg0: i32) -> (i32, i32) {
    %c0_i32 = arith.constant 0 : i32
    %c0_i32_0 = arith.constant 0 : i32
    %c0_i32_1 = arith.constant 0 : i32
    return %c0_i32, %c0_i32_0 : i32, i32
  }
  func.func @transform_16(%arg0: i32) -> (i32, i32) {
    %c0_i32 = arith.constant 0 : i32
    %c0_i32_0 = arith.constant 0 : i32
    %c0_i32_1 = arith.constant 0 : i32
    return %c0_i32, %c0_i32_0 : i32, i32
  }
  func.func @transform_17(%arg0: i32) -> (i32, i32) {
    %c0_i32 = arith.constant 0 : i32
    %c0_i32_0 = arith.constant 0 : i32
    %c0_i32_1 = arith.constant 0 : i32
    return %c0_i32, %c0_i32_0 : i32, i32
  }
  func.func @transform_18(%arg0: i32) -> (i32, i32) {
    %c0_i32 = arith.constant 0 : i32
    %c0_i32_0 = arith.constant 0 : i32
    %c0_i32_1 = arith.constant 0 : i32
    return %c0_i32, %c0_i32_0 : i32, i32
  }
  func.func @transform_19(%arg0: i32) -> (i32, i32) {
    %c0_i32 = arith.constant 0 : i32
    %c0_i32_0 = arith.constant 0 : i32
    %c0_i32_1 = arith.constant 0 : i32
    return %c0_i32, %c0_i32_0 : i32, i32
  }
  func.func @transform_20(%arg0: i32) -> (i32, i32) {
    %c0_i32 = arith.constant 0 : i32
    %c0_i32_0 = arith.constant 0 : i32
    %c0_i32_1 = arith.constant 0 : i32
    return %c0_i32, %c0_i32_0 : i32, i32
  }
  func.func @transform_21(%arg0: i32) -> (i32, i32) {
    %c0_i32 = arith.constant 0 : i32
    %c0_i32_0 = arith.constant 0 : i32
    %c0_i32_1 = arith.constant 0 : i32
    return %c0_i32, %c0_i32_0 : i32, i32
  }
  func.func @transform_22(%arg0: i32) -> (i32, i32) {
    %c0_i32 = arith.constant 0 : i32
    %c0_i32_0 = arith.constant 0 : i32
    return %arg0, %c0_i32 : i32, i32
  }
}

</mosaic_0001>

<sc_bundles>
// kernel: kernel.10.cloned.1.call-start
scs
__scs_entry_jumppad:
0x0: {  	(pc) =	sbr.rel $0x88, $3  }
0x1: {  	(tag) =	ssettag $0x0;
	lr =	simm.s32 $0x1  }
0x2: {  	[smem:$0x3F8E] =	sst lr;
	_ =	strace $0xD0000000  }
0x3: {  	_ = 	snop  }
0x4: {  	_ = 	snop  }
0x5: {  	_ = 	snop  }
0x6: {  	_ = 	snop  }
0x7: {  	_ = 	snop  }
__scs_overlays_trampoline_lowered:
0x8: {  	[smem:$0x3F9D] =	sst s0  }
0x9: {  	[smem:$0x3F9E] =	sst s1  }
0xa: {  	[smem:$0x3F9F] =	sst s2  }
0xb: {  	[smem:$0x3FA0] =	sst s3  }
0xc: {  	[smem:$0x3FA1] =	sst s4  }
0xd: {  	[smem:$0x3FA2] =	sst s5  }
0xe: {  	[smem:$0x3FA3] =	sst s6  }
0xf: {  	[smem:$0x3FA4] =	sst s7  }
0x10: {  	[smem:$0x3FA5] =	sst s8  }
0x11: {  	[smem:$0x3FA6] =	sst s9;
	s0 =	simm.s32 @!p0 $0x0  }
0x12: {  	s1 =	sld [smem:$0x3F8C];
	s0 =	simm.s32 @p0 $0x1  }
0x13: {  	[smem:$0x3FA7] =	sst s0;
	s0 =	simm.s32 @!p1 $0x0  }
0x14: {  	s2 =	sld [smem:$0x3F8B];
	s0 =	simm.s32 @p1 $0x1  }
0x15: {  	[smem:$0x3FA8] =	sst s0;
	s0 =	simm.s32 @!p2 $0x0  }
0x16: {  	s3 =	sld [smem:$0x3FDB];
	s0 =	simm.s32 @p2 $0x1  }
0x17: {  	s4 =	simm.s32 $0x1BF5;
	[smem:$0x3FAA] =	sst s0  }
0x18: {  	s0 =	sld [smem:$0x3F8D];
	_ =	swait.ge [sflag:s4], $0x0  }
0x19: {  	s7 =	sld [smem:$0x3F8E]  }
0x1a: {  	s8 =	sadd.s32 $0xFFFFE003, lr  }
0x1b: {  	s9 =	sadd.s32 $0xFFFFFEF7, lr;
	s5 =	simm.s32 $0xFFFFFFFF;
	p2 =	slt.u32 s8, $0xFFFFF086  }
0x1c: {  	p1 =	slt.u32 s9, $0xF7A;
	s5 =	simm.s32 @!p2 $0x0  }
0x1d: {  	s5 =	simm.s32 @p1 $0x1;
	p0 =	seq.s32 s7, s2  }
0x1e: {  	s7 =	smul.u32 @!p0 $0xF7A, s2;
	p2 =	seq.s32 @!p0 s5, $0x0  }
0x1f: {  	s9 =	smul.u32 $0xF7A, s1;
	s8 =	simm.s32 @!p0 $0x1BF5;
	p2 =	por !p2, p0  }
0x20: {  	[sflag:s8] =	ssyncset.s32 @!p0 $0xFFFFF086;
	s6 =	sadd.s32 @!p0 s3, s7;
	s7 =	simm.s32 @!p0 $0x108  }
0x21: {  	s3 =	sadd.s32 s3, s9;
	s6 =	sadd.s32 @!p0 $0x88, s6;
	s7 =	simm.s32 @p2 $0x1082  }
0x22: {  	[simem:s7], [sflag:s8] =	dma.local @!p0 [hbm:s6], $0xF7A  }
0x23: {  	s9 =	sor.u32 $0xD0000000, s2;
	s6 =	simm.s32 $0x108;
	_ =	swait.ge @!p0 [sflag:s8], $0x0  }
0x24: {  	s3 =	sadd.s32 $0x88, s3;
	s6 =	simm.s32 @!p1 $0x1082;
	[sflag:s4] =	ssyncset.s32 $0xFFFFF086  }
0x25: {  	[simem:s6], [sflag:s4] =	dma.local [hbm:s3], $0xF7A  }
0x26: {  	[smem:$0x3F8E] =	sst s1;
	(tag) =	ssettag s2;
	_ =	strace s9  }
0x27: {  	s1 =	sld [smem:$0x3F9E]  }
0x28: {  	s2 =	sld [smem:$0x3F9F]  }
0x29: {  	s4 =	sld [smem:$0x3FA1]  }
0x2a: {  	p0 =	seq.s32 s5, $0x0;
	s5 =	sld [smem:$0x3FA2]  }
0x2b: {  	s6 =	sld [smem:$0x3FA3]  }
0x2c: {  	s7 =	sld [smem:$0x3FA4]  }
0x2d: {  	s3 =	simm.s32 $0x108;
	s8 =	sld [smem:$0x3FA5]  }
0x2e: {  	s3 =	simm.s32 @!p0 $0x1082;
	s9 =	sld [smem:$0x3FA6]  }
0x2f: {  	lr =	sadd.s32 s0, s3;
	s0 =	sld [smem:$0x3F9D]  }
0x30: {  	s3 =	sld [smem:$0x3FA0]  }
0x31: {  	[smem:$0x3FA9] =	sst s10  }
0x32: {  	s10 =	sld [smem:$0x3FA7];
	_ =	sdelay $0x3  }
0x33: {  	p0 =	seq.s32 s10, $0x1;
	s10 =	sld [smem:$0x3FA9];
	_ =	sdelay $0x3  }
0x34: {  	[smem:$0x3FA9] =	sst s10  }
0x35: {  	s10 =	sld [smem:$0x3FA8];
	_ =	sdelay $0x3  }
0x36: {  	p1 =	seq.s32 s10, $0x1;
	s10 =	sld [smem:$0x3FA9];
	_ =	sdelay $0x3  }
0x37: {  	[smem:$0x3FA9] =	sst s10  }
0x38: {  	s10 =	sld [smem:$0x3FAA]  }
0x39: {  	_ = 	snop;
	(pc) =	sbr.ind lr, $3  }
0x3a: {  	_ = 	snop  }
0x3b: {  	_ = 	snop  }
0x3c: {  	p2 =	seq.s32 s10, $0x1;
	s10 =	sld [smem:$0x3FA9]  }
0x3d: {  	_ =	shalt  }
0x3e: {  	_ =	shalt  }
0x3f: {  	_ =	shalt  }
0x40: {  	_ =	shalt  }
0x41: {  	_ =	shalt  }
0x42: {  	_ =	shalt  }
0x43: {  	_ =	shalt  }
0x44: {  	_ =	shalt  }
0x45: {  	_ =	shalt  }
0x46: {  	_ =	shalt  }
0x47: {  	_ =	shalt  }
0x48: {  	_ =	shalt  }
0x49: {  	_ =	shalt  }
0x4a: {  	_ =	shalt  }
0x4b: {  	_ =	shalt  }
0x4c: {  	_ =	shalt  }
0x4d: {  	_ =	shalt  }
0x4e: {  	_ =	shalt  }
0x4f: {  	_ =	shalt  }
0x50: {  	_ =	shalt  }
0x51: {  	_ =	shalt  }
0x52: {  	_ =	shalt  }
0x53: {  	_ =	shalt  }
0x54: {  	_ =	shalt  }
0x55: {  	_ =	shalt  }
0x56: {  	_ =	shalt  }
0x57: {  	_ =	shalt  }
0x58: {  	_ =	shalt  }
0x59: {  	_ =	shalt  }
0x5a: {  	_ =	shalt  }
0x5b: {  	_ =	shalt  }
0x5c: {  	_ =	shalt  }
0x5d: {  	_ =	shalt  }
0x5e: {  	_ =	shalt  }
0x5f: {  	_ =	shalt  }
0x60: {  	_ =	shalt  }
0x61: {  	_ =	shalt  }
0x62: {  	_ =	shalt  }
0x63: {  	_ =	shalt  }
0x64: {  	_ =	shalt  }
0x65: {  	_ =	shalt  }
0x66: {  	_ =	shalt  }
0x67: {  	_ =	shalt  }
0x68: {  	_ =	shalt  }
0x69: {  	_ =	shalt  }
0x6a: {  	_ =	shalt  }
0x6b: {  	_ =	shalt  }
0x6c: {  	_ =	shalt  }
0x6d: {  	_ =	shalt  }
0x6e: {  	_ =	shalt  }
0x6f: {  	_ =	shalt  }
0x70: {  	_ =	shalt  }
0x71: {  	_ =	shalt  }
0x72: {  	_ =	shalt  }
0x73: {  	_ =	shalt  }
0x74: {  	_ =	shalt  }
0x75: {  	_ =	shalt  }
0x76: {  	_ =	shalt  }
0x77: {  	_ =	shalt  }
0x78: {  	_ =	shalt  }
0x79: {  	_ =	shalt  }
0x7a: {  	_ =	shalt  }
0x7b: {  	_ =	shalt  }
0x7c: {  	_ =	shalt  }
0x7d: {  	_ =	shalt  }
0x7e: {  	_ =	shalt  }
0x7f: {  	_ =	shalt  }
0x80: {  	_ =	shalt  }
0x81: {  	_ =	shalt  }
0x82: {  	_ =	shalt  }
0x83: {  	_ =	shalt  }
0x84: {  	_ =	shalt  }
0x85: {  	_ =	shalt  }
0x86: {  	_ =	shalt  }
0x87: {  	_ =	shalt  }
.Lfunc_end0:
.L_simem_size_0:
called_computation.1_lowered:
.L_overlay_start_0:
0x88: {  	s2 =	sld [smem:$0x3FD9]  }
0x89: {  	s3 =	sld [smem:$0x3FFE];
	_ =	sdelay $0x1  }
0x8a: {  	s1 =	srdreg.scid  }
0x8b: {  	s0 =	sand.u32 $0x1, s1  }
0x8c: {  	s17 =	sshll.u32 s0, $0xA;
	s2 =	sadd.s32 s3, s2  }
0x8d: {  	s2 =	sadd.s32 s2, s17  }
0x8e: {  	[smem:$0x3FB5] =	sst s2  }
0x8f: {  	_ = 	snop  }
0x90: {  	s2 =	sld [smem:$0x3FC9]  }
0x91: {  	s18 =	sld [smem:$0x3FD0];
	(tm) =	ssettm $0x1  }
0x92: {  	s4 =	sld [smem:$0x3FFB];
	_ =	sdelay $0x3  }
0x93: {  	_ =	strace s4  }
0x94: {  	s4 =	sld [smem:$0x3FFC];
	_ =	sdelay $0x3  }
0x95: {  	_ =	strace s4  }
0x96: {  	s4 =	sld [smem:$0x3FFD];
	_ =	sdelay $0x3  }
0x97: {  	_ =	strace s4  }
0x98: {  	_ =	strace $0x8FFFFFFF  }
0x99: {  	s19 =	sld [smem:$0x3FDB];
	_ =	sdelay $0x1  }
0x9a: {  	s5 =	simm.s32 $_scs_section_size  }
0x9b: {  	s6 =	simm.s32 $_size__tile_overlayer_lowered;
	s7 =	simm.s32 $_tile_overlayer_lowered  }
0x9c: {  	s22 =	simm.s32 $0x1BFF;
	s21 =	sshll.u32 s7, $0x1;
	s4 =	sadd.s32 s5, s19  }
0x9d: {  	s8 =	simm.s32 $0x0;
	s20 =	sshll.u32 s6, $0x1;
	s6 =	sadd.s32 s21, s4  }
0x9e: {  	[timem:s8], [sflag:s22] =	dma.local [hbm:s6], s20  }
0x9f: {  	_ =	swait.ge [sflag:s22], s20  }
0xa0: {  	s5 =	ssub.s32 $0x0, s20;
	[sflag:s22] =	ssyncset.done $0x0  }
0xa1: {  	[sflag:s22] =	ssyncadd.s32 s5;
	_ =	sdelay $0x1  }
0xa2: {  	s23 =	simm.s32 $0x1B8B  }
0xa3: {  	_ =	swait.ge [sflag:s23], $0x1  }
0xa4: {  	[sflag:s23] =	ssyncset.done $0x0  }
0xa5: {  	s25 =	simm.s32 $0x1B8E;
	s24 =	sld [smem:$0x3FFE];
	[sflag:s23] =	ssyncadd.s32 $0xFFFFFFFF  }
0xa6: {  	s26 =	simm.s32 $execute0_lowered;
	[smem:$0x3FD2] =	sst s25  }
0xa7: {  	s6 =	sshll.u32 s26, $0x1;
	_ =	strace $0x80000049;
	[dreg:$0x1] =	wrdreg $0xFFFFFFFF  }
0xa8: {  	s28 =	simm.s32 $_size_execute0_lowered;
	s4 =	sadd.s32 s4, s6;
	[dreg:$0x0] =	wrdreg $0x0  }
0xa9: {  	s6 =	sshll.u32 s28, $0x1;
	[dreg:$0x2] =	wrdreg s4  }
0xaa: {  	[dreg:$0x3] =	wrdreg s6  }
0xab: {  	[dreg:$0x4] =	wrdreg $0xC0  }
0xac: {  	_ =	task [dreg:s8], $0x5FFFF  }
0xad: {  	[dreg:$0x1] =	wrdreg $0xFFFFFFFF  }
0xae: {  	[dreg:$0x0] =	wrdreg $0x60  }
0xaf: {  	[dreg:$0x2] =	wrdreg s18  }
0xb0: {  	[dreg:$0x3] =	wrdreg s24  }
0xb1: {  	[dreg:$0x4] =	wrdreg s2  }
0xb2: {  	[dreg:$0x5] =	wrdreg $0x8C000  }
0xb3: {  	[dreg:$0x6] =	wrdreg $0x9  }
0xb4: {  	_ =	task.clear_ibuf [dreg:s8], $0x7FFFF;
	_ =	strace $0x90000049  }
0xb5: {  	s29 =	simm.s32 $0x9;
	_ =	strace $0x8000004B  }
0xb6: {  	_ =	swait.ge [sflag:s29], $0x1  }
0xb7: {  	[sflag:s29] =	ssyncadd.s32 $0xFFFFFFFF  }
0xb8: {  	_ =	strace $0x9000004B  }
0xb9: {  	_ =	sfence  }
0xba: {  	s30 =	sld [smem:$0x0];
	_ =	sdelay $0x2  }
0xbb: {  	s31 =	sshll.u32 s1, $0xD;
	s1 =	sshrl.u32 s1, $0x2  }
0xbc: {  	s3 =	sand.u32 $0x4000, s31;
	s1 =	sadd.s32 s1, s30  }
0xbd: {  	s0 =	sor.u32 s3, s0;
	s1 =	sshll.u32 s1, $0x11  }
0xbe: {  	s0 =	sor.u32 s1, s0  }
0xbf: {  	s0 =	sadd.s32 $0x8F2B, s0  }
0xc0: {  	[sflag:s0] =	ssyncadd.remote.s32 $0x1  }
0xc1: {  	_ =	sfence.sel $0xFFFF  }
0xc2: {  	[dreg:$0x0] =	wrdreg $0xFFFFFFFF;
	(pc) =	sbr.abs _section_cstart, $3  }
0xc3: {  	[dreg:$0x1] =	wrdreg $0xFFFFFFFF  }
0xc4: {  	_ =	task.clear_ibuf [dreg:s8], $0x2FFFF;
	_ =	strace $0x9FFFFFFF  }
0xc5: {  	(tm) =	ssettm $0x7FFFFFFF  }
tec
execute0_lowered:
.L_overlay_start_1:
0x0: {  	(tag) =	ssettag $0x1  }
0x1: {  	s0 =	rddreg [dreg:$0x1]  }
0x2: {  	s2 =	rddreg [dreg:$0x2]  }
0x3: {  	s3 =	rddreg [dreg:$0x3];
	s4 =	simm.s32 $0x0  }
0x4: {  	s1 =	srdreg.scid;
	s14 =	stileid.u32;
	s28 =	simm.s32 $0x8800  }
0x5: {  	s29 =	simm.s32 $0x80;
	s30 =	simm.s32 $0x1;
	s31 =	simm.s32 $0x4000  }
0x6: {  	[smem:$0x7FF] =	sst s4;
	s5 =	sadd.s32 $0x4A00, s0;
	s12 =	sadd.s32 $0x53A00, s0  }
0x7: {  	s13 =	sadd.s32 $0x5DA00, s0;
	s6 =	sadd.s32 $0x69000, s0;
	s23 =	sadd.s32 $0x52E00, s0  }
0x8: {  	s1 =	sand.u32 $0x1, s1;
	s0 =	sadd.s32 $0xC1400, s0;
	s9 =	smul.u32 $0x50000, s14  }
0x9: {  	s8 =	sshll.u32 s14, $0x1;
	s10 =	sshll.u32 s14, $0x6;
	s17 =	smul.u32 $0x2800, s14  }
0xa: {  	s20 =	smul.u32 $0xA00, s14;
	_ =	strace $0x8000004A;
	[dreg:$0x8] =	wrdreg s6  }
0xb: {  	s14 =	simm.s32 $0x4;
	[dreg:$0x9] =	wrdreg s23;
	s26 =	smul.u32 $0x140000, s1  }
0xc: {  	s24 =	ssub.s32 $0x2, s1;
	s25 =	sor.u32 s1, s8;
	s11 =	smul.u32 $0x28000, s1  }
0xd: {  	s16 =	sor.u32 $0x1C05, s10;
	s1 =	smul.u32 $0x500, s1;
	[dreg:$0x7] =	wrdreg s13  }
0xe: {  	[dreg:$0x6] =	wrdreg s12;
	s7 =	sshrl.u32 s24, $0x1;
	s9 =	sshrl.u32 s9, $0x2  }
0xf: {  	[dreg:$0xb] =	wrdreg s16;
	s6 =	ssub.s32 s24, s7;
	s15 =	sadd.s32 s9, s3  }
0x10: {  	s8 =	sshrl.u32 s26, $0x3;
	s7 =	smul.u32 $0xA, s25;
	s11 =	sadd.s32 s0, s11  }
0x11: {  	s24 =	sadd.s32 s20, s13;
	s13 =	simm.s32 $0x8400;
	[dreg:$0xa] =	wrdreg s15  }
0x12: {  	s0 =	sadd.s32 s0, s8;
	s6 =	smax.u32 s6, $0x1;
	[dreg:$0xc] =	wrdreg s7  }
0x13: {  	s19 =	sadd.s32 $0x4000, s15;
	s21 =	sadd.s32 $0x8000, s15;
	[dreg:$0xd] =	wrdreg s6  }
0x14: {  	s22 =	sadd.s32 $0xC000, s15;
	s23 =	sadd.s32 $0x10000, s15;
	[dreg:$0xe] =	wrdreg s19  }
0x15: {  	s25 =	sadd.s32 s17, s11;
	s8 =	simm.s32 $0x3;
	[dreg:$0xf] =	wrdreg s21  }
0x16: {  	s18 =	sadd.s32 $0x50000, s0;
	s0 =	sadd.s32 $0xA0000, s0;
	[dreg:$0x10] =	wrdreg s22  }
0x17: {  	[dreg:$0x11] =	wrdreg s23;
	s6 =	sadd.s32 s20, s12;
	s20 =	sadd.s32 s1, s24  }
0x18: {  	s21 =	simm.s32 $0x5;
	[dreg:$0x12] =	wrdreg s25;
	s1 =	sadd.s32 s1, s6  }
0x19: {  	s19 =	simm.s32 $0x8000;
	s26 =	sadd.s32 s17, s18;
	[dreg:$0x5] =	wrdreg s1  }
0x1a: {  	s25 =	simm.s32 $0x8400;
	s0 =	sadd.s32 s17, s0;
	[dreg:$0x13] =	wrdreg s26  }
0x1b: {  	s6 =	simm.s32 $0x0;
	[dreg:$0x14] =	wrdreg s0;
	s0 =	simm.s32 $0x2  }
.LBB2_1:
0x1c: {  	s1 =	rddreg [dreg:$0xa]  }
0x1d: {  	s7 =	rddreg [dreg:$0x9];
	s1 =	sshrl.u32 s1, $0x3  }
0x1e: {  	[dreg:$0x16] =	wrdreg s1  }
0x1f: {  	[spmem:s1], [sflag:s16] =	dma.local [hbm:s7], $0x800  }
0x20: {  	_ =	swait.ge [sflag:s21], $0x800  }
0x21: {  	[sflag:s21] =	ssyncset.done $0x0;
	s22 =	rddreg [dreg:$0xe]  }
0x22: {  	[sflag:s21] =	ssyncadd.s32 $0xFFFFF800;
	s9 =	sshrl.u32 s22, $0x3  }
0x23: {  	[spmem:s9], [sflag:s16] =	dma.local [hbm:s7], $0x800  }
0x24: {  	_ =	swait.ge [sflag:s21], $0x800  }
0x25: {  	[sflag:s21] =	ssyncset.done $0x0;
	s23 =	rddreg [dreg:$0xf]  }
0x26: {  	[sflag:s21] =	ssyncadd.s32 $0xFFFFF800;
	s10 =	sshrl.u32 s23, $0x3  }
0x27: {  	[spmem:s10], [sflag:s16] =	dma.local [hbm:s7], $0x800  }
0x28: {  	_ =	swait.ge [sflag:s21], $0x800  }
0x29: {  	[sflag:s21] =	ssyncset.done $0x0;
	s24 =	rddreg [dreg:$0x10]  }
0x2a: {  	[sflag:s21] =	ssyncadd.s32 $0xFFFFF800;
	s11 =	sshrl.u32 s24, $0x3  }
0x2b: {  	[spmem:s11], [sflag:s16] =	dma.local [hbm:s7], $0x800  }
0x2c: {  	_ =	swait.ge [sflag:s21], $0x800  }
0x2d: {  	[sflag:s21] =	ssyncset.done $0x0;
	s26 =	rddreg [dreg:$0x11]  }
0x2e: {  	[sflag:s21] =	ssyncadd.s32 $0xFFFFF800;
	s12 =	sshrl.u32 s26, $0x3  }
0x2f: {  	[spmem:s12], [sflag:s16] =	dma.local [hbm:s7], $0x800  }
0x30: {  	_ =	swait.ge [sflag:s21], $0x800  }
0x31: {  	[sflag:s21] =	ssyncset.done $0x0  }
0x32: {  	[sflag:s21] =	ssyncadd.s32 $0xFFFFF800  }
0x33: {  	s7 =	simm.s32 $0x0;
	[bflag:$0x0] =	sbarrier.arrive $0xFFFF  }
.LBB2_2:
0x34: {  	s1 =	rddreg [dreg:$0xc]  }
0x35: {  	s1 =	sadd.s32 s1, s7  }
0x36: {  	s22 =	rddreg [dreg:$0x6];
	s15 =	sshll.u32 s1, $0x7  }
0x37: {  	s1 =	simm.s32 $0x0;
	s16 =	sadd.s32 s22, s15  }
0x38: {  	[tilespmem:s19], [sflag:$0x5] =	stream.linear.gather [hbm4b:s16+s1], $0x400, $0x38;
	[tilespmem:$0x1CC00] =	vst v63  }
0x39: {  	_ =	swait.ge [sflag:s21], $0x400  }
0x3a: {  	[sflag:s21] =	ssyncset.done $0x0;
	s23 =	rddreg [dreg:$0x7]  }
0x3b: {  	[sflag:s21] =	ssyncadd.s32 $0xFFFFFC00;
	s16 =	sadd.s32 s23, s15  }
0x3c: {  	[tilespmem:s13], [sflag:$0x5] =	stream.linear.gather [hbm4b:s16+s1], $0x400, $0x38;
	[tilespmem:$0x1CC00] =	vst v63  }
0x3d: {  	_ =	swait.ge [sflag:s21], $0x400  }
0x3e: {  	[sflag:s21] =	ssyncset.done $0x0;
	s24 =	rddreg [dreg:$0x8]  }
0x3f: {  	[sflag:s21] =	ssyncadd.s32 $0xFFFFFC00;
	s15 =	sadd.s32 s24, s15  }
0x40: {  	[tilespmem:s28], [sflag:$0x5] =	stream.linear.gather [hbm4b:s15+s1], $0x400, $0x38;
	[tilespmem:$0x1CC00] =	vst v63  }
0x41: {  	_ =	swait.ge [sflag:s21], $0x400  }
0x42: {  	[sflag:s21] =	ssyncset.done $0x0  }
0x43: {  	[sflag:s21] =	ssyncadd.s32 $0xFFFFFC00  }
0x44: {  	s15 =	simm.s32 $0x0;
	s26 =	rddreg [dreg:$0x0]  }
0x45: {  	[tilespmem:s1], [sflag:$0x1] =	stream.indirect.gather [hbm4b:s26+s29], $0x80, s19, s29, $0xb8;
	[tilespmem:$0x1CC00] =	vst v63  }
.LBB2_3:
0x46: {  	_ =	swait.ge [sflag:s30], $0x4000  }
0x47: {  	s16 =	sshll.u32 s15, $0x1;
	p0 =	seq.s32 s15, $0x0;
	[sflag:s30] =	ssyncset.done $0x0  }
0x48: {  	v1 =	vmov s1;
	s17 =	simm.s32 @!p0 $0x4;
	s16 =	sshll.u32 s16, $0x7;
	[sflag:s30] =	ssyncadd.s32 $0xFFFFC000  }
0x49: {  	v1 =	vand.u32 $0x7F, v1;
	v0 =	vmov s16;
	_ =	swait.ge @!p0 [sflag:s17], $0x4000  }
0x4a: {  	s18 =	sshllo.u32 s15, $0x1;
	v1 =	vadd.s32 v0, v1;
	[sflag:s17] =	ssyncset.done @!p0 $0x0  }
0x4b: {  	s16 =	sshll.u32 s18, $0x7;
	v1 =	vbroadcast v1, $0x0;
	[sflag:s17] =	ssyncadd.s32 @!p0 $0xFFFFC000  }
0x4c: {  	s23 =	sadd.s32 $0x8000, s16;
	s17 =	simm.s32 $0x40;
	s24 =	rddreg [dreg:$0x0]  }
0x4d: {  	[tilespmem:s31], [sflag:$0x2] =	stream.indirect.gather [hbm4b:s24+s29], $0x80, s23, s29, $0xb8;
	[tilespmem:$0x1CC00] =	vst v63  }
0x4e: {  	v5 =	vld [tilespmem:s17+$0x30]  }
0x4f: {  	v8 =	vld [tilespmem:s17+$0x10]  }
0x50: {  	v6 =	vld [tilespmem:s17+$0xFFFFFFC0]  }
0x51: {  	v2 =	vld.idx.msk [tilespmem:v1+s28+$0x0], $0xffff  }
0x52: {  	v11 =	vld [tilespmem:s17+$0xFFFFFFE0]  }
0x53: {  	v3 =	vld [tilespmem:s17+$0x20]  }
0x54: {  	v4 =	vld [tilespmem:s17+$0xFFFFFFD0]  }
0x55: {  	v1 =	vld [tilespmem:s17+$0xFFFFFFF0]  }
0x56: {  	v9 =	vmul.f32 v5, v2;
	v5 =	vld [tilespmem:s17+$0x0]  }
0x57: {  	s26 =	simm.s32 $0x1;
	v7 =	vmul.f32 v6, v2  }
0x58: {  	s22 =	simm.s32 $0x2;
	v10 =	vmov s26;
	s18 =	simm.s32 $0x40;
	v6 =	vmul.f32 v11, v2;
	v8 =	vmul.f32 v8, v2  }
.LBB2_4:
0x59: {  	p0 =	sne.s32 s22, $0x7F  }
0x5a: {  	v10 =	vand.u32 $0x7F, v10;
	v4 =	vmul.f32 v4, v2;
	v3 =	vmul.f32 v3, v2;
	[tilespmem:s17+$0x30] =	vst v9;
	s18 =	sadd.s32 $0x80, s18;
	s23 =	smov.u32 s22;
	s22 =	sadd.s32 $0x1, s22  }
0x5b: {  	v9 =	vadd.s32 v0, v10;
	[tilespmem:s17+$0xFFFFFFC0] =	vst v7;
	v7 =	vmul.f32 v1, v2;
	v2 =	vmul.f32 v5, v2  }
0x5c: {  	v5 =	vbroadcast v9, $0x0;
	[tilespmem:s17+$0x10] =	vst v8  }
0x5d: {  	[tilespmem:s17+$0xFFFFFFE0] =	vst v6  }
0x5e: {  	v1 =	vld [tilespmem:s18+$0xFFFFFFF0];
	[tilespmem:s17+$0xFFFFFFF0] =	vst v7  }
0x5f: {  	v6 =	vld [tilespmem:s18+$0x30];
	[tilespmem:s17+$0x0] =	vst v2  }
0x60: {  	v8 =	vld [tilespmem:s18+$0x10];
	[tilespmem:s17+$0x20] =	vst v3  }
0x61: {  	v7 =	vld [tilespmem:s18+$0xFFFFFFC0];
	[tilespmem:s17+$0xFFFFFFD0] =	vst v4;
	s17 =	smov.u32 s18  }
0x62: {  	v2 =	vld.idx.msk [tilespmem:v5+s28+$0x0], $0xffff  }
0x63: {  	v11 =	vld [tilespmem:s18+$0xFFFFFFE0]  }
0x64: {  	v3 =	vld [tilespmem:s18+$0x20]  }
.Ltmp0:
0x65: {  	v4 =	vld [tilespmem:s18+$0xFFFFFFD0];
	(pc) =	sbr.rel @p0 .LBB2_4-.Ltmp0, $3  }
0x66: {  	v5 =	vld [tilespmem:s18+$0x0];
	_ =	sdelay $0x1  }
0x67: {  	v7 =	vmul.f32 v7, v2;
	v9 =	vmul.f32 v6, v2  }
0x68: {  	v10 =	vmov s23;
	v8 =	vmul.f32 v8, v2;
	v6 =	vmul.f32 v11, v2  }
0x69: {  	[tilespmem:s17+$0xFFFFFFC0] =	vst v7;
	v7 =	vand.u32 $0x7F, v10  }
0x6a: {  	[tilespmem:s17+$0x30] =	vst v9;
	v0 =	vadd.s32 v0, v7  }
0x6b: {  	v1 =	vmul.f32 v1, v2;
	[tilespmem:s17+$0x10] =	vst v8;
	v0 =	vbroadcast v0, $0x0  }
0x6c: {  	s18 =	sadd.s32 $0x80, s18;
	[tilespmem:s17+$0xFFFFFFE0] =	vst v6;
	v5 =	vmul.f32 v5, v2  }
0x6d: {  	v3 =	vmul.f32 v3, v2;
	v6 =	vld [tilespmem:s18+$0xFFFFFFF0];
	[tilespmem:s17+$0xFFFFFFF0] =	vst v1  }
0x6e: {  	v2 =	vmul.f32 v4, v2;
	v1 =	vld [tilespmem:s18+$0x30];
	[tilespmem:s17+$0x0] =	vst v5  }
0x6f: {  	v4 =	vld [tilespmem:s18+$0x10];
	[tilespmem:s17+$0x20] =	vst v3  }
0x70: {  	v3 =	vld [tilespmem:s18+$0xFFFFFFC0];
	[tilespmem:s17+$0xFFFFFFD0] =	vst v2  }
0x71: {  	v0 =	vld.idx.msk [tilespmem:v0+s28+$0x0], $0xffff;
	_ =	sdelay $0x2  }
0x72: {  	v2 =	vld [tilespmem:s18+$0xFFFFFFE0];
	_ =	sdelay $0x1  }
0x73: {  	v5 =	vld [tilespmem:s18+$0x0];
	v1 =	vmul.f32 v1, v0  }
0x74: {  	v7 =	vld [tilespmem:s18+$0x20];
	v3 =	vmul.f32 v3, v0  }
0x75: {  	v8 =	vld [tilespmem:s18+$0xFFFFFFD0];
	v4 =	vmul.f32 v4, v0;
	[tilespmem:s18+$0x30] =	vst v1  }
0x76: {  	v1 =	vmul.f32 v2, v0;
	[tilespmem:s18+$0xFFFFFFC0] =	vst v3  }
0x77: {  	v2 =	vmul.f32 v6, v0;
	[tilespmem:s18+$0x10] =	vst v4  }
0x78: {  	v3 =	vmul.f32 v5, v0;
	[tilespmem:s18+$0xFFFFFFE0] =	vst v1  }
0x79: {  	v1 =	vmul.f32 v7, v0;
	[tilespmem:s18+$0xFFFFFFF0] =	vst v2  }
0x7a: {  	s17 =	sshll.u32 s15, $0xA;
	v0 =	vmul.f32 v8, v0;
	[tilespmem:s18+$0x0] =	vst v3  }
0x7b: {  	s22 =	sshrl.u32 s17, $0x2;
	[tilespmem:s18+$0x20] =	vst v1  }
0x7c: {  	s23 =	sadd.s32 $0x8400, s22;
	[tilespmem:s18+$0xFFFFFFD0] =	vst v0  }
0x7d: {  	[spmem:s3] =	stream.indirect.scatter.add.f32 [tilespmem:s4], [sflag:$0x3], $0x80, s23, s29, $0xb8;
	[tilespmem:$0x1CC00] =	vst v63  }
0x7e: {  	_ =	swait.ge [sflag:s0], $0x4000  }
0x7f: {  	[sflag:s0] =	ssyncset.done $0x0  }
0x80: {  	s24 =	simm.s32 $0x0;
	[sflag:s0] =	ssyncadd.s32 $0xFFFFC000  }
0x81: {  	p0 =	seq.s32 s15, $0x3;
	v1 =	vmov s24;
	_ =	swait.ge [sflag:s8], $0x4000  }
0x82: {  	s17 =	sshrl.u32 @!p0 s17, $0x2;
	v0 =	vmov s16;
	v1 =	vand.u32 $0x7F, v1;
	[sflag:s8] =	ssyncset.done $0x0  }
0x83: {  	s17 =	sadd.s32 @!p0 $0x8100, s17;
	v1 =	vadd.s32 v0, v1;
	[sflag:s8] =	ssyncadd.s32 $0xFFFFC000  }
0x84: {  	s22 =	simm.s32 @!p0 $0x0;
	s18 =	simm.s32 @!p0 $0x80;
	v1 =	vbroadcast v1, $0x0;
	s23 =	rddreg [dreg:$0x0]  }
0x85: {  	[tilespmem:s22], [sflag:$0x1] =	stream.indirect.gather @!p0 [hbm4b:s23+s18], $0x80, s17, s18, $0xb8;
	[tilespmem:$0x1CC00] =	vst v63  }
0x86: {  	s17 =	simm.s32 $0x4040  }
0x87: {  	v5 =	vld [tilespmem:s17+$0x30]  }
0x88: {  	v8 =	vld [tilespmem:s17+$0x10]  }
0x89: {  	v6 =	vld [tilespmem:s17+$0xFFFFFFC0]  }
0x8a: {  	v2 =	vld.idx.msk [tilespmem:v1+s28+$0x0], $0xffff  }
0x8b: {  	v11 =	vld [tilespmem:s17+$0xFFFFFFE0]  }
0x8c: {  	v1 =	vld [tilespmem:s17+$0xFFFFFFF0]  }
0x8d: {  	v3 =	vld [tilespmem:s17+$0x20]  }
0x8e: {  	v4 =	vld [tilespmem:s17+$0xFFFFFFD0]  }
0x8f: {  	v9 =	vmul.f32 v5, v2;
	v5 =	vld [tilespmem:s17+$0x0]  }
0x90: {  	s26 =	simm.s32 $0x1;
	v7 =	vmul.f32 v6, v2  }
0x91: {  	v10 =	vmov s26;
	s22 =	simm.s32 $0x2;
	s18 =	simm.s32 $0x4040;
	v6 =	vmul.f32 v11, v2;
	v8 =	vmul.f32 v8, v2  }
.LBB2_6:
0x92: {  	p0 =	sne.s32 s22, $0x7F  }
0x93: {  	v10 =	vand.u32 $0x7F, v10;
	v4 =	vmul.f32 v4, v2;
	v3 =	vmul.f32 v3, v2;
	[tilespmem:s17+$0x30] =	vst v9;
	s18 =	sadd.s32 $0x80, s18;
	s23 =	smov.u32 s22;
	s22 =	sadd.s32 $0x1, s22  }
0x94: {  	v9 =	vadd.s32 v0, v10;
	[tilespmem:s17+$0xFFFFFFC0] =	vst v7;
	v7 =	vmul.f32 v1, v2;
	v2 =	vmul.f32 v5, v2  }
0x95: {  	v5 =	vbroadcast v9, $0x0;
	[tilespmem:s17+$0x10] =	vst v8  }
0x96: {  	[tilespmem:s17+$0xFFFFFFE0] =	vst v6  }
0x97: {  	v1 =	vld [tilespmem:s18+$0xFFFFFFF0];
	[tilespmem:s17+$0xFFFFFFF0] =	vst v7  }
0x98: {  	v6 =	vld [tilespmem:s18+$0x30];
	[tilespmem:s17+$0x0] =	vst v2  }
0x99: {  	v8 =	vld [tilespmem:s18+$0x10];
	[tilespmem:s17+$0x20] =	vst v3  }
0x9a: {  	v7 =	vld [tilespmem:s18+$0xFFFFFFC0];
	[tilespmem:s17+$0xFFFFFFD0] =	vst v4;
	s17 =	smov.u32 s18  }
0x9b: {  	v2 =	vld.idx.msk [tilespmem:v5+s28+$0x0], $0xffff  }
0x9c: {  	v11 =	vld [tilespmem:s18+$0xFFFFFFE0]  }
0x9d: {  	v3 =	vld [tilespmem:s18+$0x20]  }
.Ltmp1:
0x9e: {  	v4 =	vld [tilespmem:s18+$0xFFFFFFD0];
	(pc) =	sbr.rel @p0 .LBB2_6-.Ltmp1, $3  }
0x9f: {  	v5 =	vld [tilespmem:s18+$0x0];
	_ =	sdelay $0x1  }
0xa0: {  	v7 =	vmul.f32 v7, v2;
	v9 =	vmul.f32 v6, v2  }
0xa1: {  	v10 =	vmov s23;
	v8 =	vmul.f32 v8, v2;
	v6 =	vmul.f32 v11, v2  }
0xa2: {  	[tilespmem:s17+$0x30] =	vst v9;
	v53 =	vand.u32 $0x7F, v10  }
0xa3: {  	[tilespmem:s17+$0xFFFFFFC0] =	vst v7;
	v0 =	vadd.s32 v0, v53  }
0xa4: {  	v1 =	vmul.f32 v1, v2;
	[tilespmem:s17+$0x10] =	vst v8;
	v0 =	vbroadcast v0, $0x0  }
0xa5: {  	s18 =	sadd.s32 $0x80, s18;
	[tilespmem:s17+$0xFFFFFFE0] =	vst v6;
	v5 =	vmul.f32 v5, v2  }
0xa6: {  	v55 =	vmul.f32 v4, v2;
	v6 =	vld [tilespmem:s18+$0xFFFFFFF0];
	[tilespmem:s17+$0xFFFFFFF0] =	vst v1  }
0xa7: {  	v3 =	vmul.f32 v3, v2;
	v54 =	vld [tilespmem:s18+$0x30];
	[tilespmem:s17+$0x0] =	vst v5  }
0xa8: {  	v57 =	vld [tilespmem:s18+$0xFFFFFFC0];
	[tilespmem:s17+$0xFFFFFFD0] =	vst v55  }
0xa9: {  	v56 =	vld [tilespmem:s18+$0x10];
	[tilespmem:s17+$0x20] =	vst v3  }
0xaa: {  	v0 =	vld.idx.msk [tilespmem:v0+s28+$0x0], $0xffff;
	_ =	sdelay $0x2  }
0xab: {  	v2 =	vld [tilespmem:s18+$0xFFFFFFE0];
	_ =	sdelay $0x1  }
0xac: {  	v5 =	vld [tilespmem:s18+$0x0];
	v1 =	vmul.f32 v54, v0  }
0xad: {  	v58 =	vld [tilespmem:s18+$0x20];
	v3 =	vmul.f32 v57, v0  }
0xae: {  	v59 =	vld [tilespmem:s18+$0xFFFFFFD0];
	v4 =	vmul.f32 v56, v0;
	[tilespmem:s18+$0x30] =	vst v1  }
0xaf: {  	v60 =	vmul.f32 v2, v0;
	[tilespmem:s18+$0xFFFFFFC0] =	vst v3  }
0xb0: {  	s15 =	sadd.s32 $0x1, s15;
	v61 =	vmul.f32 v6, v0;
	[tilespmem:s18+$0x10] =	vst v4  }
0xb1: {  	p0 =	sne.s32 s15, $0x4;
	v62 =	vmul.f32 v5, v0;
	[tilespmem:s18+$0xFFFFFFE0] =	vst v60  }
.Ltmp2:
0xb2: {  	v63 =	vmul.f32 v58, v0;
	[tilespmem:s18+$0xFFFFFFF0] =	vst v61;
	(pc) =	sbr.rel @p0 .LBB2_3-.Ltmp2, $4  }
0xb3: {  	v0 =	vmul.f32 v59, v0;
	[tilespmem:s18+$0x0] =	vst v62  }
0xb4: {  	[tilespmem:s18+$0x20] =	vst v63  }
0xb5: {  	s16 =	sadd.s32 $0x8400, s16;
	[tilespmem:s18+$0xFFFFFFD0] =	vst v0  }
0xb6: {  	[spmem:s3] =	stream.indirect.scatter.add.f32 [tilespmem:s31], [sflag:$0x4], $0x80, s16, s29, $0xb8;
	[tilespmem:$0x1CC00] =	vst v63  }
0xb7: {  	s7 =	sadd.s32 $0x1, s7  }
0xb8: {  	p0 =	sne.s32 s7, $0xA  }
.Ltmp3:
0xb9: {  	_ = 	snop;
	(pc) =	sbr.rel @p0 .LBB2_2-.Ltmp3, $4  }
0xba: {  	_ = 	snop  }
0xbb: {  	_ =	swait.ge [sflag:s14], $0x4000  }
0xbc: {  	[sflag:s14] =	ssyncset.done $0x0  }
0xbd: {  	[sflag:s14] =	ssyncadd.s32 $0xFFFFC000  }
0xbe: {  	[dreg:$0x15] =	wrdreg s6  }
0xbf: {  	[bflag:$0x0] =	sbarrier.arrive $0xFFFF  }
0xc0: {  	s7 =	rddreg [dreg:$0xb]  }
0xc1: {  	s1 =	rddreg [dreg:$0x12]  }
0xc2: {  	s24 =	rddreg [dreg:$0x16]  }
0xc3: {  	[hbm:s1], [sflag:s7] =	dma.local [spmem:s24], $0x2800  }
0xc4: {  	_ =	swait.ge [sflag:s21], $0x2800  }
0xc5: {  	[sflag:s21] =	ssyncset.done $0x0  }
0xc6: {  	[sflag:s21] =	ssyncadd.s32 $0xFFFFD800  }
0xc7: {  	[bflag:$0x0] =	sbarrier.arrive $0xFFFF  }
0xc8: {  	s26 =	rddreg [dreg:$0x9]  }
0xc9: {  	[spmem:s24], [sflag:s7] =	dma.local [hbm:s26], $0x800  }
0xca: {  	_ =	swait.ge [sflag:s21], $0x800  }
0xcb: {  	[sflag:s21] =	ssyncset.done $0x0  }
0xcc: {  	[dreg:$0x17] =	wrdreg s9;
	[sflag:s21] =	ssyncadd.s32 $0xFFFFF800  }
0xcd: {  	[spmem:s9], [sflag:s7] =	dma.local [hbm:s26], $0x800  }
0xce: {  	_ =	swait.ge [sflag:s21], $0x800  }
0xcf: {  	[sflag:s21] =	ssyncset.done $0x0  }
0xd0: {  	[dreg:$0x18] =	wrdreg s10;
	[sflag:s21] =	ssyncadd.s32 $0xFFFFF800  }
0xd1: {  	[spmem:s10], [sflag:s7] =	dma.local [hbm:s26], $0x800  }
0xd2: {  	_ =	swait.ge [sflag:s21], $0x800  }
0xd3: {  	[sflag:s21] =	ssyncset.done $0x0  }
0xd4: {  	[dreg:$0x19] =	wrdreg s11;
	[sflag:s21] =	ssyncadd.s32 $0xFFFFF800  }
0xd5: {  	[spmem:s11], [sflag:s7] =	dma.local [hbm:s26], $0x800  }
0xd6: {  	_ =	swait.ge [sflag:s21], $0x800  }
0xd7: {  	[sflag:s21] =	ssyncset.done $0x0  }
0xd8: {  	[dreg:$0x1a] =	wrdreg s12;
	[sflag:s21] =	ssyncadd.s32 $0xFFFFF800  }
0xd9: {  	[spmem:s12], [sflag:s7] =	dma.local [hbm:s26], $0x800  }
0xda: {  	_ =	swait.ge [sflag:s21], $0x800  }
0xdb: {  	[sflag:s21] =	ssyncset.done $0x0  }
0xdc: {  	[sflag:s21] =	ssyncadd.s32 $0xFFFFF800  }
0xdd: {  	[bflag:$0x0] =	sbarrier.arrive $0xFFFF  }
0xde: {  	s15 =	rddreg [dreg:$0x5]  }
0xdf: {  	s6 =	sadd.s32 $0x0, s15  }
0xe0: {  	[tilespmem:s19], [sflag:$0x5] =	stream.linear.gather [hbm4b:s6+s4], $0x400, $0x38;
	[tilespmem:$0x1CC00] =	vst v63  }
0xe1: {  	_ =	swait.ge [sflag:s21], $0x400  }
0xe2: {  	[sflag:s21] =	ssyncset.done $0x0  }
0xe3: {  	s7 =	sadd.s32 $0x0, s20;
	[sflag:s21] =	ssyncadd.s32 $0xFFFFFC00  }
0xe4: {  	[tilespmem:s13], [sflag:$0x5] =	stream.linear.gather [hbm4b:s7+s4], $0x400, $0x38;
	[tilespmem:$0x1CC00] =	vst v63  }
0xe5: {  	_ =	swait.ge [sflag:s21], $0x400  }
0xe6: {  	[sflag:s21] =	ssyncset.done $0x0  }
0xe7: {  	[sflag:s21] =	ssyncadd.s32 $0xFFFFFC00  }
0xe8: {  	[tilespmem:s4], [sflag:$0x1] =	stream.indirect.gather [hbm4b:s5+s29], $0x80, s19, s29, $0xb8;
	[tilespmem:$0x1CC00] =	vst v63  }
0xe9: {  	_ =	swait.ge [sflag:s30], $0x4000  }
0xea: {  	[sflag:s30] =	ssyncset.done $0x0  }
0xeb: {  	s9 =	simm.s32 $0x8080;
	[sflag:s30] =	ssyncadd.s32 $0xFFFFC000  }
0xec: {  	[tilespmem:s31], [sflag:$0x2] =	stream.indirect.gather [hbm4b:s5+s29], $0x80, s9, s29, $0xb8;
	[tilespmem:$0x1CC00] =	vst v63  }
0xed: {  	_ = 	snop  }
0xee: {  	[spmem:s3] =	stream.indirect.scatter.add.f32 [tilespmem:s4], [sflag:$0x3], $0x80, s13, s29, $0xb8;
	[tilespmem:$0x1CC00] =	vst v63  }
0xef: {  	_ =	swait.ge [sflag:s0], $0x4000  }
0xf0: {  	[sflag:s0] =	ssyncset.done $0x0  }
0xf1: {  	[sflag:s0] =	ssyncadd.s32 $0xFFFFC000  }
0xf2: {  	_ =	swait.ge [sflag:s8], $0x4000  }
0xf3: {  	[sflag:s8] =	ssyncset.done $0x0  }
0xf4: {  	s10 =	simm.s32 $0x8100;
	[sflag:s8] =	ssyncadd.s32 $0xFFFFC000  }
0xf5: {  	[tilespmem:s4], [sflag:$0x1] =	stream.indirect.gather [hbm4b:s5+s29], $0x80, s10, s29, $0xb8;
	[tilespmem:$0x1CC00] =	vst v63  }
0xf6: {  	s11 =	simm.s32 $0x8480  }
0xf7: {  	[spmem:s3] =	stream.indirect.scatter.add.f32 [tilespmem:s31], [sflag:$0x4], $0x80, s11, s29, $0xb8;
	[tilespmem:$0x1CC00] =	vst v63  }
0xf8: {  	_ =	swait.ge [sflag:s30], $0x4000  }
0xf9: {  	[sflag:s30] =	ssyncset.done $0x0  }
0xfa: {  	[sflag:s30] =	ssyncadd.s32 $0xFFFFC000  }
0xfb: {  	_ =	swait.ge [sflag:s14], $0x4000  }
0xfc: {  	[sflag:s14] =	ssyncset.done $0x0  }
0xfd: {  	s12 =	simm.s32 $0x8180;
	[sflag:s14] =	ssyncadd.s32 $0xFFFFC000  }
0xfe: {  	[tilespmem:s31], [sflag:$0x2] =	stream.indirect.gather [hbm4b:s5+s29], $0x80, s12, s29, $0xb8;
	[tilespmem:$0x1CC00] =	vst v63  }
0xff: {  	s13 =	simm.s32 $0x8500  }
0x100: {  	[spmem:s3] =	stream.indirect.scatter.add.f32 [tilespmem:s4], [sflag:$0x3], $0x80, s13, s29, $0xb8;
	[tilespmem:$0x1CC00] =	vst v63  }
0x101: {  	_ =	swait.ge [sflag:s0], $0x4000  }
0x102: {  	[sflag:s0] =	ssyncset.done $0x0  }
0x103: {  	[sflag:s0] =	ssyncadd.s32 $0xFFFFC000  }
0x104: {  	_ =	swait.ge [sflag:s8], $0x4000  }
0x105: {  	[sflag:s8] =	ssyncset.done $0x0  }
0x106: {  	s16 =	simm.s32 $0x8200;
	[sflag:s8] =	ssyncadd.s32 $0xFFFFC000  }
0x107: {  	[tilespmem:s4], [sflag:$0x1] =	stream.indirect.gather [hbm4b:s5+s29], $0x80, s16, s29, $0xb8;
	[tilespmem:$0x1CC00] =	vst v63  }
0x108: {  	s17 =	simm.s32 $0x8580  }
0x109: {  	[spmem:s3] =	stream.indirect.scatter.add.f32 [tilespmem:s31], [sflag:$0x4], $0x80, s17, s29, $0xb8;
	[tilespmem:$0x1CC00] =	vst v63  }
0x10a: {  	_ =	swait.ge [sflag:s30], $0x4000  }
0x10b: {  	[sflag:s30] =	ssyncset.done $0x0  }
0x10c: {  	[sflag:s30] =	ssyncadd.s32 $0xFFFFC000  }
0x10d: {  	_ =	swait.ge [sflag:s14], $0x4000  }
0x10e: {  	[sflag:s14] =	ssyncset.done $0x0  }
0x10f: {  	s18 =	simm.s32 $0x8280;
	[sflag:s14] =	ssyncadd.s32 $0xFFFFC000  }
0x110: {  	[tilespmem:s31], [sflag:$0x2] =	stream.indirect.gather [hbm4b:s5+s29], $0x80, s18, s29, $0xb8;
	[tilespmem:$0x1CC00] =	vst v63  }
0x111: {  	s22 =	simm.s32 $0x8600  }
0x112: {  	[spmem:s3] =	stream.indirect.scatter.add.f32 [tilespmem:s4], [sflag:$0x3], $0x80, s22, s29, $0xb8;
	[tilespmem:$0x1CC00] =	vst v63  }
0x113: {  	_ =	swait.ge [sflag:s0], $0x4000  }
0x114: {  	[sflag:s0] =	ssyncset.done $0x0  }
0x115: {  	[sflag:s0] =	ssyncadd.s32 $0xFFFFC000  }
0x116: {  	_ =	swait.ge [sflag:s8], $0x4000  }
0x117: {  	[sflag:s8] =	ssyncset.done $0x0  }
0x118: {  	s26 =	simm.s32 $0x8300;
	[sflag:s8] =	ssyncadd.s32 $0xFFFFC000  }
0x119: {  	[tilespmem:s4], [sflag:$0x1] =	stream.indirect.gather [hbm4b:s5+s29], $0x80, s26, s29, $0xb8;
	[tilespmem:$0x1CC00] =	vst v63  }
0x11a: {  	s6 =	simm.s32 $0x8680  }
0x11b: {  	[spmem:s3] =	stream.indirect.scatter.add.f32 [tilespmem:s31], [sflag:$0x4], $0x80, s6, s29, $0xb8;
	[tilespmem:$0x1CC00] =	vst v63  }
0x11c: {  	_ =	swait.ge [sflag:s30], $0x4000  }
0x11d: {  	[sflag:s30] =	ssyncset.done $0x0  }
0x11e: {  	[sflag:s30] =	ssyncadd.s32 $0xFFFFC000  }
0x11f: {  	_ =	swait.ge [sflag:s14], $0x4000  }
0x120: {  	[sflag:s14] =	ssyncset.done $0x0  }
0x121: {  	s16 =	simm.s32 $0x8380;
	[sflag:s14] =	ssyncadd.s32 $0xFFFFC000  }
0x122: {  	[tilespmem:s31], [sflag:$0x2] =	stream.indirect.gather [hbm4b:s5+s29], $0x80, s16, s29, $0xb8;
	[tilespmem:$0x1CC00] =	vst v63  }
0x123: {  	s17 =	simm.s32 $0x8700  }
0x124: {  	[spmem:s3] =	stream.indirect.scatter.add.f32 [tilespmem:s4], [sflag:$0x3], $0x80, s17, s29, $0xb8;
	[tilespmem:$0x1CC00] =	vst v63  }
0x125: {  	s23 =	simm.s32 $0x8000;
	_ =	swait.ge [sflag:s0], $0x4000  }
0x126: {  	s1 =	simm.s32 $0x80;
	s24 =	simm.s32 $0x8180;
	[sflag:s0] =	ssyncset.done $0x0  }
0x127: {  	s7 =	simm.s32 $0x8600;
	s19 =	simm.s32 $0x8500;
	[sflag:s0] =	ssyncadd.s32 $0xFFFFC000  }
0x128: {  	s9 =	simm.s32 $0x8300;
	s10 =	simm.s32 $0x8680;
	_ =	swait.ge [sflag:s8], $0x4000  }
0x129: {  	s11 =	simm.s32 $0x8580;
	s12 =	simm.s32 $0x8200;
	[sflag:s8] =	ssyncset.done $0x0  }
0x12a: {  	s13 =	simm.s32 $0x8280;
	s18 =	simm.s32 $0x8780;
	[sflag:s8] =	ssyncadd.s32 $0xFFFFC000  }
0x12b: {  	[spmem:s3] =	stream.indirect.scatter.add.f32 [tilespmem:s31], [sflag:$0x4], $0x80, s18, s29, $0xb8;
	[tilespmem:$0x1CC00] =	vst v63  }
0x12c: {  	s22 =	simm.s32 $0x8380;
	s26 =	simm.s32 $0x8780;
	_ =	swait.ge [sflag:s14], $0x4000  }
0x12d: {  	s6 =	simm.s32 $0x8700;
	s16 =	simm.s32 $0x100;
	[sflag:s14] =	ssyncset.done $0x0  }
.LBB2_10:
0x12e: {  	s17 =	sadd.s32 s1, s15;
	[sflag:s14] =	ssyncadd.s32 $0xFFFFC000  }
0x12f: {  	[tilespmem:s23], [sflag:$0x5] =	stream.linear.gather [hbm4b:s17+s4], $0x400, $0x38;
	[tilespmem:$0x1CC00] =	vst v63  }
0x130: {  	_ =	swait.ge [sflag:s21], $0x400  }
0x131: {  	s18 =	smov.u32 s16;
	s15 =	sadd.s32 $0x80, s16;
	[sflag:s21] =	ssyncset.done $0x0  }
0x132: {  	p0 =	sne.s32 s16, $0x480;
	s16 =	sadd.s32 s1, s20;
	[sflag:s21] =	ssyncadd.s32 $0xFFFFFC00  }
0x133: {  	[tilespmem:s25], [sflag:$0x5] =	stream.linear.gather [hbm4b:s16+s4], $0x400, $0x38;
	[tilespmem:$0x1CC00] =	vst v63  }
0x134: {  	_ =	swait.ge [sflag:s21], $0x400  }
0x135: {  	[sflag:s21] =	ssyncset.done $0x0  }
0x136: {  	[sflag:s21] =	ssyncadd.s32 $0xFFFFFC00  }
0x137: {  	[tilespmem:s4], [sflag:$0x1] =	stream.indirect.gather [hbm4b:s5+s29], $0x80, s23, s29, $0xb8;
	[tilespmem:$0x1CC00] =	vst v63  }
0x138: {  	_ =	swait.ge [sflag:s30], $0x4000  }
0x139: {  	[sflag:s30] =	ssyncset.done $0x0  }
0x13a: {  	s17 =	simm.s32 $0x8080;
	[sflag:s30] =	ssyncadd.s32 $0xFFFFC000  }
0x13b: {  	[tilespmem:s31], [sflag:$0x2] =	stream.indirect.gather [hbm4b:s5+s29], $0x80, s17, s29, $0xb8;
	[tilespmem:$0x1CC00] =	vst v63  }
0x13c: {  	_ = 	snop  }
0x13d: {  	[spmem:s3] =	stream.indirect.scatter.add.f32 [tilespmem:s4], [sflag:$0x3], $0x80, s25, s29, $0xb8;
	[tilespmem:$0x1CC00] =	vst v63  }
0x13e: {  	_ =	swait.ge [sflag:s0], $0x4000  }
0x13f: {  	[sflag:s0] =	ssyncset.done $0x0  }
0x140: {  	[sflag:s0] =	ssyncadd.s32 $0xFFFFC000  }
0x141: {  	_ =	swait.ge [sflag:s8], $0x4000  }
0x142: {  	[sflag:s8] =	ssyncset.done $0x0  }
0x143: {  	s1 =	smov.u32 s18;
	s18 =	simm.s32 $0x8100;
	[sflag:s8] =	ssyncadd.s32 $0xFFFFC000  }
0x144: {  	[tilespmem:s4], [sflag:$0x1] =	stream.indirect.gather [hbm4b:s5+s29], $0x80, s18, s29, $0xb8;
	[tilespmem:$0x1CC00] =	vst v63  }
0x145: {  	s16 =	simm.s32 $0x8480  }
0x146: {  	[spmem:s3] =	stream.indirect.scatter.add.f32 [tilespmem:s31], [sflag:$0x4], $0x80, s16, s29, $0xb8;
	[tilespmem:$0x1CC00] =	vst v63  }
0x147: {  	_ =	swait.ge [sflag:s30], $0x4000  }
0x148: {  	[sflag:s30] =	ssyncset.done $0x0  }
0x149: {  	[sflag:s30] =	ssyncadd.s32 $0xFFFFC000  }
0x14a: {  	_ =	swait.ge [sflag:s14], $0x4000  }
0x14b: {  	[sflag:s14] =	ssyncset.done $0x0  }
0x14c: {  	[sflag:s14] =	ssyncadd.s32 $0xFFFFC000  }
0x14d: {  	[tilespmem:s31], [sflag:$0x2] =	stream.indirect.gather [hbm4b:s5+s29], $0x80, s24, s29, $0xb8;
	[tilespmem:$0x1CC00] =	vst v63  }
0x14e: {  	_ = 	snop  }
0x14f: {  	[spmem:s3] =	stream.indirect.scatter.add.f32 [tilespmem:s4], [sflag:$0x3], $0x80, s19, s29, $0xb8;
	[tilespmem:$0x1CC00] =	vst v63  }
0x150: {  	_ =	swait.ge [sflag:s0], $0x4000  }
0x151: {  	[sflag:s0] =	ssyncset.done $0x0  }
0x152: {  	[sflag:s0] =	ssyncadd.s32 $0xFFFFC000  }
0x153: {  	_ =	swait.ge [sflag:s8], $0x4000  }
0x154: {  	[sflag:s8] =	ssyncset.done $0x0  }
0x155: {  	[sflag:s8] =	ssyncadd.s32 $0xFFFFC000  }
0x156: {  	[tilespmem:s4], [sflag:$0x1] =	stream.indirect.gather [hbm4b:s5+s29], $0x80, s12, s29, $0xb8;
	[tilespmem:$0x1CC00] =	vst v63  }
0x157: {  	_ = 	snop  }
0x158: {  	[spmem:s3] =	stream.indirect.scatter.add.f32 [tilespmem:s31], [sflag:$0x4], $0x80, s11, s29, $0xb8;
	[tilespmem:$0x1CC00] =	vst v63  }
0x159: {  	_ =	swait.ge [sflag:s30], $0x4000  }
0x15a: {  	[sflag:s30] =	ssyncset.done $0x0  }
0x15b: {  	[sflag:s30] =	ssyncadd.s32 $0xFFFFC000  }
0x15c: {  	_ =	swait.ge [sflag:s14], $0x4000  }
0x15d: {  	[sflag:s14] =	ssyncset.done $0x0  }
0x15e: {  	[sflag:s14] =	ssyncadd.s32 $0xFFFFC000  }
0x15f: {  	[tilespmem:s31], [sflag:$0x2] =	stream.indirect.gather [hbm4b:s5+s29], $0x80, s13, s29, $0xb8;
	[tilespmem:$0x1CC00] =	vst v63  }
0x160: {  	_ = 	snop  }
0x161: {  	[spmem:s3] =	stream.indirect.scatter.add.f32 [tilespmem:s4], [sflag:$0x3], $0x80, s7, s29, $0xb8;
	[tilespmem:$0x1CC00] =	vst v63  }
0x162: {  	_ =	swait.ge [sflag:s0], $0x4000  }
0x163: {  	[sflag:s0] =	ssyncset.done $0x0  }
0x164: {  	[sflag:s0] =	ssyncadd.s32 $0xFFFFC000  }
0x165: {  	_ =	swait.ge [sflag:s8], $0x4000  }
0x166: {  	[sflag:s8] =	ssyncset.done $0x0  }
0x167: {  	[sflag:s8] =	ssyncadd.s32 $0xFFFFC000  }
0x168: {  	[tilespmem:s4], [sflag:$0x1] =	stream.indirect.gather [hbm4b:s5+s29], $0x80, s9, s29, $0xb8;
	[tilespmem:$0x1CC00] =	vst v63  }
0x169: {  	_ = 	snop  }
0x16a: {  	[spmem:s3] =	stream.indirect.scatter.add.f32 [tilespmem:s31], [sflag:$0x4], $0x80, s10, s29, $0xb8;
	[tilespmem:$0x1CC00] =	vst v63  }
0x16b: {  	_ =	swait.ge [sflag:s30], $0x4000  }
0x16c: {  	[sflag:s30] =	ssyncset.done $0x0  }
0x16d: {  	[sflag:s30] =	ssyncadd.s32 $0xFFFFC000  }
0x16e: {  	_ =	swait.ge [sflag:s14], $0x4000  }
0x16f: {  	[sflag:s14] =	ssyncset.done $0x0  }
0x170: {  	[sflag:s14] =	ssyncadd.s32 $0xFFFFC000  }
0x171: {  	[tilespmem:s31], [sflag:$0x2] =	stream.indirect.gather [hbm4b:s5+s29], $0x80, s22, s29, $0xb8;
	[tilespmem:$0x1CC00] =	vst v63  }
0x172: {  	_ = 	snop  }
0x173: {  	[spmem:s3] =	stream.indirect.scatter.add.f32 [tilespmem:s4], [sflag:$0x3], $0x80, s6, s29, $0xb8;
	[tilespmem:$0x1CC00] =	vst v63  }
0x174: {  	_ =	swait.ge [sflag:s0], $0x4000  }
0x175: {  	[sflag:s0] =	ssyncset.done $0x0  }
0x176: {  	[sflag:s0] =	ssyncadd.s32 $0xFFFFC000  }
0x177: {  	_ =	swait.ge [sflag:s8], $0x4000  }
.Ltmp4:
0x178: {  	[sflag:s8] =	ssyncset.done $0x0;
	(pc) =	sbr.rel @p0 .LBB2_10-.Ltmp4, $4  }
0x179: {  	[sflag:s8] =	ssyncadd.s32 $0xFFFFC000  }
0x17a: {  	[spmem:s3] =	stream.indirect.scatter.add.f32 [tilespmem:s31], [sflag:$0x4], $0x80, s26, s29, $0xb8;
	[tilespmem:$0x1CC00] =	vst v63  }
0x17b: {  	_ =	swait.ge [sflag:s14], $0x4000  }
0x17c: {  	s16 =	smov.u32 s15;
	[sflag:s14] =	ssyncset.done $0x0;
	s15 =	rddreg [dreg:$0x5]  }
0x17d: {  	s6 =	rddreg [dreg:$0x5]  }
0x17e: {  	[sflag:s14] =	ssyncadd.s32 $0xFFFFC000;
	s15 =	sadd.s32 s1, s6  }
0x17f: {  	[tilespmem:s23], [sflag:$0x5] =	stream.linear.gather [hbm4b:s15+s4], $0x400, $0x38;
	[tilespmem:$0x1CC00] =	vst v63  }
0x180: {  	_ =	swait.ge [sflag:s21], $0x400  }
0x181: {  	[sflag:s21] =	ssyncset.done $0x0  }
0x182: {  	s24 =	sadd.s32 s1, s20;
	[sflag:s21] =	ssyncadd.s32 $0xFFFFFC00  }
0x183: {  	[tilespmem:s25], [sflag:$0x5] =	stream.linear.gather [hbm4b:s24+s4], $0x400, $0x38;
	[tilespmem:$0x1CC00] =	vst v63  }
0x184: {  	_ =	swait.ge [sflag:s21], $0x400  }
0x185: {  	[sflag:s21] =	ssyncset.done $0x0  }
0x186: {  	[sflag:s21] =	ssyncadd.s32 $0xFFFFFC00  }
0x187: {  	[tilespmem:s4], [sflag:$0x1] =	stream.indirect.gather [hbm4b:s5+s29], $0x80, s23, s29, $0xb8;
	[tilespmem:$0x1CC00] =	vst v63  }
0x188: {  	_ =	swait.ge [sflag:s30], $0x4000  }
0x189: {  	[sflag:s30] =	ssyncset.done $0x0  }
0x18a: {  	[sflag:s30] =	ssyncadd.s32 $0xFFFFC000  }
0x18b: {  	[tilespmem:s31], [sflag:$0x2] =	stream.indirect.gather [hbm4b:s5+s29], $0x80, s17, s29, $0xb8;
	[tilespmem:$0x1CC00] =	vst v63  }
0x18c: {  	_ = 	snop  }
0x18d: {  	[spmem:s3] =	stream.indirect.scatter.add.f32 [tilespmem:s4], [sflag:$0x3], $0x80, s25, s29, $0xb8;
	[tilespmem:$0x1CC00] =	vst v63  }
0x18e: {  	_ =	swait.ge [sflag:s0], $0x4000  }
0x18f: {  	[sflag:s0] =	ssyncset.done $0x0  }
0x190: {  	[sflag:s0] =	ssyncadd.s32 $0xFFFFC000  }
0x191: {  	_ =	swait.ge [sflag:s8], $0x4000  }
0x192: {  	[sflag:s8] =	ssyncset.done $0x0  }
0x193: {  	[sflag:s8] =	ssyncadd.s32 $0xFFFFC000  }
0x194: {  	[tilespmem:s4], [sflag:$0x1] =	stream.indirect.gather [hbm4b:s5+s29], $0x80, s18, s29, $0xb8;
	[tilespmem:$0x1CC00] =	vst v63  }
0x195: {  	s11 =	simm.s32 $0x8480  }
0x196: {  	[spmem:s3] =	stream.indirect.scatter.add.f32 [tilespmem:s31], [sflag:$0x4], $0x80, s11, s29, $0xb8;
	[tilespmem:$0x1CC00] =	vst v63  }
0x197: {  	_ =	swait.ge [sflag:s30], $0x4000  }
0x198: {  	[sflag:s30] =	ssyncset.done $0x0  }
0x199: {  	[sflag:s30] =	ssyncadd.s32 $0xFFFFC000  }
0x19a: {  	_ =	swait.ge [sflag:s14], $0x4000  }
0x19b: {  	[sflag:s14] =	ssyncset.done $0x0  }
0x19c: {  	s12 =	simm.s32 $0x8180;
	[sflag:s14] =	ssyncadd.s32 $0xFFFFC000  }
0x19d: {  	[tilespmem:s31], [sflag:$0x2] =	stream.indirect.gather [hbm4b:s5+s29], $0x80, s12, s29, $0xb8;
	[tilespmem:$0x1CC00] =	vst v63  }
0x19e: {  	s13 =	simm.s32 $0x8500  }
0x19f: {  	[spmem:s3] =	stream.indirect.scatter.add.f32 [tilespmem:s4], [sflag:$0x3], $0x80, s13, s29, $0xb8;
	[tilespmem:$0x1CC00] =	vst v63  }
0x1a0: {  	_ =	swait.ge [sflag:s0], $0x4000  }
0x1a1: {  	[sflag:s0] =	ssyncset.done $0x0  }
0x1a2: {  	[sflag:s0] =	ssyncadd.s32 $0xFFFFC000  }
0x1a3: {  	_ =	swait.ge [sflag:s8], $0x4000  }
0x1a4: {  	[sflag:s8] =	ssyncset.done $0x0  }
0x1a5: {  	s9 =	simm.s32 $0x8200;
	[sflag:s8] =	ssyncadd.s32 $0xFFFFC000  }
0x1a6: {  	[tilespmem:s4], [sflag:$0x1] =	stream.indirect.gather [hbm4b:s5+s29], $0x80, s9, s29, $0xb8;
	[tilespmem:$0x1CC00] =	vst v63  }
0x1a7: {  	s7 =	simm.s32 $0x8580  }
0x1a8: {  	[spmem:s3] =	stream.indirect.scatter.add.f32 [tilespmem:s31], [sflag:$0x4], $0x80, s7, s29, $0xb8;
	[tilespmem:$0x1CC00] =	vst v63  }
0x1a9: {  	_ =	swait.ge [sflag:s30], $0x4000  }
0x1aa: {  	[sflag:s30] =	ssyncset.done $0x0  }
0x1ab: {  	[sflag:s30] =	ssyncadd.s32 $0xFFFFC000  }
0x1ac: {  	_ =	swait.ge [sflag:s14], $0x4000  }
0x1ad: {  	[sflag:s14] =	ssyncset.done $0x0  }
0x1ae: {  	s10 =	simm.s32 $0x8280;
	[sflag:s14] =	ssyncadd.s32 $0xFFFFC000  }
0x1af: {  	[tilespmem:s31], [sflag:$0x2] =	stream.indirect.gather [hbm4b:s5+s29], $0x80, s10, s29, $0xb8;
	[tilespmem:$0x1CC00] =	vst v63  }
0x1b0: {  	s6 =	simm.s32 $0x8600  }
0x1b1: {  	[spmem:s3] =	stream.indirect.scatter.add.f32 [tilespmem:s4], [sflag:$0x3], $0x80, s6, s29, $0xb8;
	[tilespmem:$0x1CC00] =	vst v63  }
0x1b2: {  	_ =	swait.ge [sflag:s0], $0x4000  }
0x1b3: {  	[sflag:s0] =	ssyncset.done $0x0  }
0x1b4: {  	[sflag:s0] =	ssyncadd.s32 $0xFFFFC000  }
0x1b5: {  	_ =	swait.ge [sflag:s8], $0x4000  }
0x1b6: {  	[sflag:s8] =	ssyncset.done $0x0  }
0x1b7: {  	s22 =	simm.s32 $0x8300;
	[sflag:s8] =	ssyncadd.s32 $0xFFFFC000  }
0x1b8: {  	[tilespmem:s4], [sflag:$0x1] =	stream.indirect.gather [hbm4b:s5+s29], $0x80, s22, s29, $0xb8;
	[tilespmem:$0x1CC00] =	vst v63  }
0x1b9: {  	s26 =	simm.s32 $0x8680  }
0x1ba: {  	[spmem:s3] =	stream.indirect.scatter.add.f32 [tilespmem:s31], [sflag:$0x4], $0x80, s26, s29, $0xb8;
	[tilespmem:$0x1CC00] =	vst v63  }
0x1bb: {  	_ =	swait.ge [sflag:s30], $0x4000  }
0x1bc: {  	[sflag:s30] =	ssyncset.done $0x0  }
0x1bd: {  	[sflag:s30] =	ssyncadd.s32 $0xFFFFC000  }
0x1be: {  	_ =	swait.ge [sflag:s14], $0x4000  }
0x1bf: {  	[sflag:s14] =	ssyncset.done $0x0  }
0x1c0: {  	s15 =	simm.s32 $0x8380;
	[sflag:s14] =	ssyncadd.s32 $0xFFFFC000  }
0x1c1: {  	[tilespmem:s31], [sflag:$0x2] =	stream.indirect.gather [hbm4b:s5+s29], $0x80, s15, s29, $0xb8;
	[tilespmem:$0x1CC00] =	vst v63  }
0x1c2: {  	s26 =	simm.s32 $0x8700  }
0x1c3: {  	[spmem:s3] =	stream.indirect.scatter.add.f32 [tilespmem:s4], [sflag:$0x3], $0x80, s26, s29, $0xb8;
	[tilespmem:$0x1CC00] =	vst v63  }
0x1c4: {  	_ =	swait.ge [sflag:s0], $0x4000  }
0x1c5: {  	[sflag:s0] =	ssyncset.done $0x0  }
0x1c6: {  	[sflag:s0] =	ssyncadd.s32 $0xFFFFC000  }
0x1c7: {  	_ =	swait.ge [sflag:s8], $0x4000  }
0x1c8: {  	[sflag:s8] =	ssyncset.done $0x0  }
0x1c9: {  	s16 =	simm.s32 $0x8780;
	[sflag:s8] =	ssyncadd.s32 $0xFFFFC000  }
0x1ca: {  	[spmem:s3] =	stream.indirect.scatter.add.f32 [tilespmem:s31], [sflag:$0x4], $0x80, s16, s29, $0xb8;
	[tilespmem:$0x1CC00] =	vst v63  }
0x1cb: {  	_ =	swait.ge [sflag:s14], $0x4000  }
0x1cc: {  	[sflag:s14] =	ssyncset.done $0x0  }
0x1cd: {  	[sflag:s14] =	ssyncadd.s32 $0xFFFFC000  }
0x1ce: {  	[bflag:$0x0] =	sbarrier.arrive $0xFFFF  }
0x1cf: {  	s19 =	rddreg [dreg:$0x13]  }
0x1d0: {  	s24 =	rddreg [dreg:$0x16]  }
0x1d1: {  	s16 =	rddreg [dreg:$0xb]  }
0x1d2: {  	[hbm:s19], [sflag:s16] =	dma.local [spmem:s24], $0x2800  }
0x1d3: {  	_ =	swait.ge [sflag:s21], $0x2800  }
0x1d4: {  	[sflag:s21] =	ssyncset.done $0x0  }
0x1d5: {  	[sflag:s21] =	ssyncadd.s32 $0xFFFFD800  }
0x1d6: {  	[bflag:$0x0] =	sbarrier.arrive $0xFFFF  }
0x1d7: {  	s1 =	rddreg [dreg:$0x9]  }
0x1d8: {  	[spmem:s24], [sflag:s16] =	dma.local [hbm:s1], $0x800  }
0x1d9: {  	_ =	swait.ge [sflag:s21], $0x800  }
0x1da: {  	[sflag:s21] =	ssyncset.done $0x0  }
0x1db: {  	s19 =	rddreg [dreg:$0x17];
	[sflag:s21] =	ssyncadd.s32 $0xFFFFF800  }
0x1dc: {  	[spmem:s19], [sflag:s16] =	dma.local [hbm:s1], $0x800  }
0x1dd: {  	_ =	swait.ge [sflag:s21], $0x800  }
0x1de: {  	[sflag:s21] =	ssyncset.done $0x0  }
0x1df: {  	s24 =	rddreg [dreg:$0x18];
	[sflag:s21] =	ssyncadd.s32 $0xFFFFF800  }
0x1e0: {  	[spmem:s24], [sflag:s16] =	dma.local [hbm:s1], $0x800  }
0x1e1: {  	_ =	swait.ge [sflag:s21], $0x800  }
0x1e2: {  	[sflag:s21] =	ssyncset.done $0x0  }
0x1e3: {  	s19 =	rddreg [dreg:$0x19];
	[sflag:s21] =	ssyncadd.s32 $0xFFFFF800  }
0x1e4: {  	[spmem:s19], [sflag:s16] =	dma.local [hbm:s1], $0x800  }
0x1e5: {  	_ =	swait.ge [sflag:s21], $0x800  }
0x1e6: {  	[sflag:s21] =	ssyncset.done $0x0  }
0x1e7: {  	s24 =	rddreg [dreg:$0x1a];
	[sflag:s21] =	ssyncadd.s32 $0xFFFFF800  }
0x1e8: {  	[spmem:s24], [sflag:s16] =	dma.local [hbm:s1], $0x800  }
0x1e9: {  	s15 =	rddreg [dreg:$0x5];
	_ =	swait.ge [sflag:s21], $0x800  }
0x1ea: {  	[sflag:s21] =	ssyncset.done $0x0  }
0x1eb: {  	[sflag:s21] =	ssyncadd.s32 $0xFFFFF800  }
0x1ec: {  	s19 =	sadd.s32 $0x0, s15;
	[bflag:$0x0] =	sbarrier.arrive $0xFFFF  }
0x1ed: {  	[tilespmem:s23], [sflag:$0x5] =	stream.linear.gather [hbm4b:s19+s4], $0x400, $0x38;
	[tilespmem:$0x1CC00] =	vst v63  }
0x1ee: {  	_ =	swait.ge [sflag:s21], $0x400  }
0x1ef: {  	[sflag:s21] =	ssyncset.done $0x0  }
0x1f0: {  	s24 =	sadd.s32 $0x0, s20;
	[sflag:s21] =	ssyncadd.s32 $0xFFFFFC00  }
0x1f1: {  	[tilespmem:s25], [sflag:$0x5] =	stream.linear.gather [hbm4b:s24+s4], $0x400, $0x38;
	[tilespmem:$0x1CC00] =	vst v63  }
0x1f2: {  	_ =	swait.ge [sflag:s21], $0x400  }
0x1f3: {  	[sflag:s21] =	ssyncset.done $0x0  }
0x1f4: {  	[sflag:s21] =	ssyncadd.s32 $0xFFFFFC00  }
0x1f5: {  	[tilespmem:s4], [sflag:$0x1] =	stream.indirect.gather [hbm4b:s2+s29], $0x80, s23, s29, $0xb8;
	[tilespmem:$0x1CC00] =	vst v63  }
0x1f6: {  	_ =	swait.ge [sflag:s30], $0x4000  }
0x1f7: {  	[sflag:s30] =	ssyncset.done $0x0  }
0x1f8: {  	[sflag:s30] =	ssyncadd.s32 $0xFFFFC000  }
0x1f9: {  	[tilespmem:s31], [sflag:$0x2] =	stream.indirect.gather [hbm4b:s2+s29], $0x80, s17, s29, $0xb8;
	[tilespmem:$0x1CC00] =	vst v63  }
0x1fa: {  	_ = 	snop  }
0x1fb: {  	[spmem:s3] =	stream.indirect.scatter.add.f32 [tilespmem:s4], [sflag:$0x3], $0x80, s25, s29, $0xb8;
	[tilespmem:$0x1CC00] =	vst v63  }
0x1fc: {  	_ =	swait.ge [sflag:s0], $0x4000  }
0x1fd: {  	[sflag:s0] =	ssyncset.done $0x0  }
0x1fe: {  	[sflag:s0] =	ssyncadd.s32 $0xFFFFC000  }
0x1ff: {  	_ =	swait.ge [sflag:s8], $0x4000  }
0x200: {  	[sflag:s8] =	ssyncset.done $0x0  }
0x201: {  	[sflag:s8] =	ssyncadd.s32 $0xFFFFC000  }
0x202: {  	[tilespmem:s4], [sflag:$0x1] =	stream.indirect.gather [hbm4b:s2+s29], $0x80, s18, s29, $0xb8;
	[tilespmem:$0x1CC00] =	vst v63  }
0x203: {  	_ = 	snop  }
0x204: {  	[spmem:s3] =	stream.indirect.scatter.add.f32 [tilespmem:s31], [sflag:$0x4], $0x80, s11, s29, $0xb8;
	[tilespmem:$0x1CC00] =	vst v63  }
0x205: {  	_ =	swait.ge [sflag:s30], $0x4000  }
0x206: {  	[sflag:s30] =	ssyncset.done $0x0  }
0x207: {  	[sflag:s30] =	ssyncadd.s32 $0xFFFFC000  }
0x208: {  	_ =	swait.ge [sflag:s14], $0x4000  }
0x209: {  	[sflag:s14] =	ssyncset.done $0x0  }
0x20a: {  	[sflag:s14] =	ssyncadd.s32 $0xFFFFC000  }
0x20b: {  	[tilespmem:s31], [sflag:$0x2] =	stream.indirect.gather [hbm4b:s2+s29], $0x80, s12, s29, $0xb8;
	[tilespmem:$0x1CC00] =	vst v63  }
0x20c: {  	_ = 	snop  }
0x20d: {  	[spmem:s3] =	stream.indirect.scatter.add.f32 [tilespmem:s4], [sflag:$0x3], $0x80, s13, s29, $0xb8;
	[tilespmem:$0x1CC00] =	vst v63  }
0x20e: {  	_ =	swait.ge [sflag:s0], $0x4000  }
0x20f: {  	[sflag:s0] =	ssyncset.done $0x0  }
0x210: {  	[sflag:s0] =	ssyncadd.s32 $0xFFFFC000  }
0x211: {  	_ =	swait.ge [sflag:s8], $0x4000  }
0x212: {  	[sflag:s8] =	ssyncset.done $0x0  }
0x213: {  	[sflag:s8] =	ssyncadd.s32 $0xFFFFC000  }
0x214: {  	[tilespmem:s4], [sflag:$0x1] =	stream.indirect.gather [hbm4b:s2+s29], $0x80, s9, s29, $0xb8;
	[tilespmem:$0x1CC00] =	vst v63  }
0x215: {  	_ = 	snop  }
0x216: {  	[spmem:s3] =	stream.indirect.scatter.add.f32 [tilespmem:s31], [sflag:$0x4], $0x80, s7, s29, $0xb8;
	[tilespmem:$0x1CC00] =	vst v63  }
0x217: {  	_ =	swait.ge [sflag:s30], $0x4000  }
0x218: {  	[sflag:s30] =	ssyncset.done $0x0  }
0x219: {  	[sflag:s30] =	ssyncadd.s32 $0xFFFFC000  }
0x21a: {  	_ =	swait.ge [sflag:s14], $0x4000  }
0x21b: {  	[sflag:s14] =	ssyncset.done $0x0  }
0x21c: {  	[sflag:s14] =	ssyncadd.s32 $0xFFFFC000  }
0x21d: {  	[tilespmem:s31], [sflag:$0x2] =	stream.indirect.gather [hbm4b:s2+s29], $0x80, s10, s29, $0xb8;
	[tilespmem:$0x1CC00] =	vst v63  }
0x21e: {  	_ = 	snop  }
0x21f: {  	[spmem:s3] =	stream.indirect.scatter.add.f32 [tilespmem:s4], [sflag:$0x3], $0x80, s6, s29, $0xb8;
	[tilespmem:$0x1CC00] =	vst v63  }
0x220: {  	_ =	swait.ge [sflag:s0], $0x4000  }
0x221: {  	[sflag:s0] =	ssyncset.done $0x0  }
0x222: {  	[sflag:s0] =	ssyncadd.s32 $0xFFFFC000  }
0x223: {  	_ =	swait.ge [sflag:s8], $0x4000  }
0x224: {  	[sflag:s8] =	ssyncset.done $0x0  }
0x225: {  	[sflag:s8] =	ssyncadd.s32 $0xFFFFC000  }
0x226: {  	[tilespmem:s4], [sflag:$0x1] =	stream.indirect.gather [hbm4b:s2+s29], $0x80, s22, s29, $0xb8;
	[tilespmem:$0x1CC00] =	vst v63  }
0x227: {  	s16 =	simm.s32 $0x8680  }
0x228: {  	[spmem:s3] =	stream.indirect.scatter.add.f32 [tilespmem:s31], [sflag:$0x4], $0x80, s16, s29, $0xb8;
	[tilespmem:$0x1CC00] =	vst v63  }
0x229: {  	_ =	swait.ge [sflag:s30], $0x4000  }
0x22a: {  	[sflag:s30] =	ssyncset.done $0x0  }
0x22b: {  	[sflag:s30] =	ssyncadd.s32 $0xFFFFC000  }
0x22c: {  	_ =	swait.ge [sflag:s14], $0x4000  }
0x22d: {  	[sflag:s14] =	ssyncset.done $0x0  }
0x22e: {  	s17 =	simm.s32 $0x8380;
	[sflag:s14] =	ssyncadd.s32 $0xFFFFC000  }
0x22f: {  	[tilespmem:s31], [sflag:$0x2] =	stream.indirect.gather [hbm4b:s2+s29], $0x80, s17, s29, $0xb8;
	[tilespmem:$0x1CC00] =	vst v63  }
0x230: {  	_ = 	snop  }
0x231: {  	[spmem:s3] =	stream.indirect.scatter.add.f32 [tilespmem:s4], [sflag:$0x3], $0x80, s26, s29, $0xb8;
	[tilespmem:$0x1CC00] =	vst v63  }
0x232: {  	_ =	swait.ge [sflag:s0], $0x4000  }
0x233: {  	s1 =	simm.s32 $0x80;
	s19 =	simm.s32 $0x8500;
	[sflag:s0] =	ssyncset.done $0x0  }
0x234: {  	s24 =	simm.s32 $0x8180;
	s18 =	simm.s32 $0x8780;
	[sflag:s0] =	ssyncadd.s32 $0xFFFFC000  }
0x235: {  	s11 =	simm.s32 $0x8580;
	s12 =	simm.s32 $0x8200;
	_ =	swait.ge [sflag:s8], $0x4000  }
0x236: {  	s13 =	simm.s32 $0x8280;
	s9 =	simm.s32 $0x8300;
	[sflag:s8] =	ssyncset.done $0x0  }
0x237: {  	s7 =	simm.s32 $0x8600;
	s10 =	simm.s32 $0x8680;
	[sflag:s8] =	ssyncadd.s32 $0xFFFFC000  }
0x238: {  	[spmem:s3] =	stream.indirect.scatter.add.f32 [tilespmem:s31], [sflag:$0x4], $0x80, s18, s29, $0xb8;
	[tilespmem:$0x1CC00] =	vst v63  }
0x239: {  	s6 =	simm.s32 $0x8700;
	s22 =	simm.s32 $0x8380;
	_ =	swait.ge [sflag:s14], $0x4000  }
0x23a: {  	s16 =	simm.s32 $0x100;
	s26 =	simm.s32 $0x8780;
	[sflag:s14] =	ssyncset.done $0x0  }
.LBB2_12:
0x23b: {  	s17 =	sadd.s32 s1, s15;
	[sflag:s14] =	ssyncadd.s32 $0xFFFFC000  }
0x23c: {  	[tilespmem:s23], [sflag:$0x5] =	stream.linear.gather [hbm4b:s17+s4], $0x400, $0x38;
	[tilespmem:$0x1CC00] =	vst v63  }
0x23d: {  	_ =	swait.ge [sflag:s21], $0x400  }
0x23e: {  	s18 =	smov.u32 s16;
	s15 =	sadd.s32 $0x80, s16;
	[sflag:s21] =	ssyncset.done $0x0  }
0x23f: {  	p0 =	sne.s32 s16, $0x480;
	s16 =	sadd.s32 s1, s20;
	[sflag:s21] =	ssyncadd.s32 $0xFFFFFC00  }
0x240: {  	[tilespmem:s25], [sflag:$0x5] =	stream.linear.gather [hbm4b:s16+s4], $0x400, $0x38;
	[tilespmem:$0x1CC00] =	vst v63  }
0x241: {  	_ =	swait.ge [sflag:s21], $0x400  }
0x242: {  	[sflag:s21] =	ssyncset.done $0x0  }
0x243: {  	[sflag:s21] =	ssyncadd.s32 $0xFFFFFC00  }
0x244: {  	[tilespmem:s4], [sflag:$0x1] =	stream.indirect.gather [hbm4b:s2+s29], $0x80, s23, s29, $0xb8;
	[tilespmem:$0x1CC00] =	vst v63  }
0x245: {  	_ =	swait.ge [sflag:s30], $0x4000  }
0x246: {  	[sflag:s30] =	ssyncset.done $0x0  }
0x247: {  	s17 =	simm.s32 $0x8080;
	[sflag:s30] =	ssyncadd.s32 $0xFFFFC000  }
0x248: {  	[tilespmem:s31], [sflag:$0x2] =	stream.indirect.gather [hbm4b:s2+s29], $0x80, s17, s29, $0xb8;
	[tilespmem:$0x1CC00] =	vst v63  }
0x249: {  	_ = 	snop  }
0x24a: {  	[spmem:s3] =	stream.indirect.scatter.add.f32 [tilespmem:s4], [sflag:$0x3], $0x80, s25, s29, $0xb8;
	[tilespmem:$0x1CC00] =	vst v63  }
0x24b: {  	_ =	swait.ge [sflag:s0], $0x4000  }
0x24c: {  	[sflag:s0] =	ssyncset.done $0x0  }
0x24d: {  	[sflag:s0] =	ssyncadd.s32 $0xFFFFC000  }
0x24e: {  	_ =	swait.ge [sflag:s8], $0x4000  }
0x24f: {  	[sflag:s8] =	ssyncset.done $0x0  }
0x250: {  	s1 =	smov.u32 s18;
	s18 =	simm.s32 $0x8100;
	[sflag:s8] =	ssyncadd.s32 $0xFFFFC000  }
0x251: {  	[tilespmem:s4], [sflag:$0x1] =	stream.indirect.gather [hbm4b:s2+s29], $0x80, s18, s29, $0xb8;
	[tilespmem:$0x1CC00] =	vst v63  }
0x252: {  	s16 =	simm.s32 $0x8480  }
0x253: {  	[spmem:s3] =	stream.indirect.scatter.add.f32 [tilespmem:s31], [sflag:$0x4], $0x80, s16, s29, $0xb8;
	[tilespmem:$0x1CC00] =	vst v63  }
0x254: {  	_ =	swait.ge [sflag:s30], $0x4000  }
0x255: {  	[sflag:s30] =	ssyncset.done $0x0  }
0x256: {  	[sflag:s30] =	ssyncadd.s32 $0xFFFFC000  }
0x257: {  	_ =	swait.ge [sflag:s14], $0x4000  }
0x258: {  	[sflag:s14] =	ssyncset.done $0x0  }
0x259: {  	[sflag:s14] =	ssyncadd.s32 $0xFFFFC000  }
0x25a: {  	[tilespmem:s31], [sflag:$0x2] =	stream.indirect.gather [hbm4b:s2+s29], $0x80, s24, s29, $0xb8;
	[tilespmem:$0x1CC00] =	vst v63  }
0x25b: {  	_ = 	snop  }
0x25c: {  	[spmem:s3] =	stream.indirect.scatter.add.f32 [tilespmem:s4], [sflag:$0x3], $0x80, s19, s29, $0xb8;
	[tilespmem:$0x1CC00] =	vst v63  }
0x25d: {  	_ =	swait.ge [sflag:s0], $0x4000  }
0x25e: {  	[sflag:s0] =	ssyncset.done $0x0  }
0x25f: {  	[sflag:s0] =	ssyncadd.s32 $0xFFFFC000  }
0x260: {  	_ =	swait.ge [sflag:s8], $0x4000  }
0x261: {  	[sflag:s8] =	ssyncset.done $0x0  }
0x262: {  	[sflag:s8] =	ssyncadd.s32 $0xFFFFC000  }
0x263: {  	[tilespmem:s4], [sflag:$0x1] =	stream.indirect.gather [hbm4b:s2+s29], $0x80, s12, s29, $0xb8;
	[tilespmem:$0x1CC00] =	vst v63  }
0x264: {  	_ = 	snop  }
0x265: {  	[spmem:s3] =	stream.indirect.scatter.add.f32 [tilespmem:s31], [sflag:$0x4], $0x80, s11, s29, $0xb8;
	[tilespmem:$0x1CC00] =	vst v63  }
0x266: {  	_ =	swait.ge [sflag:s30], $0x4000  }
0x267: {  	[sflag:s30] =	ssyncset.done $0x0  }
0x268: {  	[sflag:s30] =	ssyncadd.s32 $0xFFFFC000  }
0x269: {  	_ =	swait.ge [sflag:s14], $0x4000  }
0x26a: {  	[sflag:s14] =	ssyncset.done $0x0  }
0x26b: {  	[sflag:s14] =	ssyncadd.s32 $0xFFFFC000  }
0x26c: {  	[tilespmem:s31], [sflag:$0x2] =	stream.indirect.gather [hbm4b:s2+s29], $0x80, s13, s29, $0xb8;
	[tilespmem:$0x1CC00] =	vst v63  }
0x26d: {  	_ = 	snop  }
0x26e: {  	[spmem:s3] =	stream.indirect.scatter.add.f32 [tilespmem:s4], [sflag:$0x3], $0x80, s7, s29, $0xb8;
	[tilespmem:$0x1CC00] =	vst v63  }
0x26f: {  	_ =	swait.ge [sflag:s0], $0x4000  }
0x270: {  	[sflag:s0] =	ssyncset.done $0x0  }
0x271: {  	[sflag:s0] =	ssyncadd.s32 $0xFFFFC000  }
0x272: {  	_ =	swait.ge [sflag:s8], $0x4000  }
0x273: {  	[sflag:s8] =	ssyncset.done $0x0  }
0x274: {  	[sflag:s8] =	ssyncadd.s32 $0xFFFFC000  }
0x275: {  	[tilespmem:s4], [sflag:$0x1] =	stream.indirect.gather [hbm4b:s2+s29], $0x80, s9, s29, $0xb8;
	[tilespmem:$0x1CC00] =	vst v63  }
0x276: {  	_ = 	snop  }
0x277: {  	[spmem:s3] =	stream.indirect.scatter.add.f32 [tilespmem:s31], [sflag:$0x4], $0x80, s10, s29, $0xb8;
	[tilespmem:$0x1CC00] =	vst v63  }
0x278: {  	_ =	swait.ge [sflag:s30], $0x4000  }
0x279: {  	[sflag:s30] =	ssyncset.done $0x0  }
0x27a: {  	[sflag:s30] =	ssyncadd.s32 $0xFFFFC000  }
0x27b: {  	_ =	swait.ge [sflag:s14], $0x4000  }
0x27c: {  	[sflag:s14] =	ssyncset.done $0x0  }
0x27d: {  	[sflag:s14] =	ssyncadd.s32 $0xFFFFC000  }
0x27e: {  	[tilespmem:s31], [sflag:$0x2] =	stream.indirect.gather [hbm4b:s2+s29], $0x80, s22, s29, $0xb8;
	[tilespmem:$0x1CC00] =	vst v63  }
0x27f: {  	_ = 	snop  }
0x280: {  	[spmem:s3] =	stream.indirect.scatter.add.f32 [tilespmem:s4], [sflag:$0x3], $0x80, s6, s29, $0xb8;
	[tilespmem:$0x1CC00] =	vst v63  }
0x281: {  	_ =	swait.ge [sflag:s0], $0x4000  }
0x282: {  	[sflag:s0] =	ssyncset.done $0x0  }
0x283: {  	[sflag:s0] =	ssyncadd.s32 $0xFFFFC000  }
0x284: {  	_ =	swait.ge [sflag:s8], $0x4000  }
.Ltmp5:
0x285: {  	[sflag:s8] =	ssyncset.done $0x0;
	(pc) =	sbr.rel @p0 .LBB2_12-.Ltmp5, $4  }
0x286: {  	[sflag:s8] =	ssyncadd.s32 $0xFFFFC000  }
0x287: {  	[spmem:s3] =	stream.indirect.scatter.add.f32 [tilespmem:s31], [sflag:$0x4], $0x80, s26, s29, $0xb8;
	[tilespmem:$0x1CC00] =	vst v63  }
0x288: {  	_ =	swait.ge [sflag:s14], $0x4000  }
0x289: {  	s16 =	smov.u32 s15;
	[sflag:s14] =	ssyncset.done $0x0;
	s15 =	rddreg [dreg:$0x5]  }
0x28a: {  	s15 =	sadd.s32 s1, s15;
	[sflag:s14] =	ssyncadd.s32 $0xFFFFC000  }
0x28b: {  	[tilespmem:s23], [sflag:$0x5] =	stream.linear.gather [hbm4b:s15+s4], $0x400, $0x38;
	[tilespmem:$0x1CC00] =	vst v63  }
0x28c: {  	_ =	swait.ge [sflag:s21], $0x400  }
0x28d: {  	[sflag:s21] =	ssyncset.done $0x0  }
0x28e: {  	s16 =	sadd.s32 s1, s20;
	[sflag:s21] =	ssyncadd.s32 $0xFFFFFC00  }
0x28f: {  	[tilespmem:s25], [sflag:$0x5] =	stream.linear.gather [hbm4b:s16+s4], $0x400, $0x38;
	[tilespmem:$0x1CC00] =	vst v63  }
0x290: {  	_ =	swait.ge [sflag:s21], $0x400  }
0x291: {  	[sflag:s21] =	ssyncset.done $0x0  }
0x292: {  	[sflag:s21] =	ssyncadd.s32 $0xFFFFFC00  }
0x293: {  	[tilespmem:s4], [sflag:$0x1] =	stream.indirect.gather [hbm4b:s2+s29], $0x80, s23, s29, $0xb8;
	[tilespmem:$0x1CC00] =	vst v63  }
0x294: {  	_ =	swait.ge [sflag:s30], $0x4000  }
0x295: {  	[sflag:s30] =	ssyncset.done $0x0  }
0x296: {  	[sflag:s30] =	ssyncadd.s32 $0xFFFFC000  }
0x297: {  	[tilespmem:s31], [sflag:$0x2] =	stream.indirect.gather [hbm4b:s2+s29], $0x80, s17, s29, $0xb8;
	[tilespmem:$0x1CC00] =	vst v63  }
0x298: {  	_ = 	snop  }
0x299: {  	[spmem:s3] =	stream.indirect.scatter.add.f32 [tilespmem:s4], [sflag:$0x3], $0x80, s25, s29, $0xb8;
	[tilespmem:$0x1CC00] =	vst v63  }
0x29a: {  	_ =	swait.ge [sflag:s0], $0x4000  }
0x29b: {  	[sflag:s0] =	ssyncset.done $0x0  }
0x29c: {  	[sflag:s0] =	ssyncadd.s32 $0xFFFFC000  }
0x29d: {  	_ =	swait.ge [sflag:s8], $0x4000  }
0x29e: {  	[sflag:s8] =	ssyncset.done $0x0  }
0x29f: {  	[sflag:s8] =	ssyncadd.s32 $0xFFFFC000  }
0x2a0: {  	[tilespmem:s4], [sflag:$0x1] =	stream.indirect.gather [hbm4b:s2+s29], $0x80, s18, s29, $0xb8;
	[tilespmem:$0x1CC00] =	vst v63  }
0x2a1: {  	s18 =	simm.s32 $0x8480  }
0x2a2: {  	[spmem:s3] =	stream.indirect.scatter.add.f32 [tilespmem:s31], [sflag:$0x4], $0x80, s18, s29, $0xb8;
	[tilespmem:$0x1CC00] =	vst v63  }
0x2a3: {  	_ =	swait.ge [sflag:s30], $0x4000  }
0x2a4: {  	[sflag:s30] =	ssyncset.done $0x0  }
0x2a5: {  	[sflag:s30] =	ssyncadd.s32 $0xFFFFC000  }
0x2a6: {  	_ =	swait.ge [sflag:s14], $0x4000  }
0x2a7: {  	[sflag:s14] =	ssyncset.done $0x0  }
0x2a8: {  	[sflag:s14] =	ssyncadd.s32 $0xFFFFC000  }
0x2a9: {  	[tilespmem:s31], [sflag:$0x2] =	stream.indirect.gather [hbm4b:s2+s29], $0x80, s24, s29, $0xb8;
	[tilespmem:$0x1CC00] =	vst v63  }
0x2aa: {  	_ = 	snop  }
0x2ab: {  	[spmem:s3] =	stream.indirect.scatter.add.f32 [tilespmem:s4], [sflag:$0x3], $0x80, s19, s29, $0xb8;
	[tilespmem:$0x1CC00] =	vst v63  }
0x2ac: {  	_ =	swait.ge [sflag:s0], $0x4000  }
0x2ad: {  	[sflag:s0] =	ssyncset.done $0x0  }
0x2ae: {  	[sflag:s0] =	ssyncadd.s32 $0xFFFFC000  }
0x2af: {  	_ =	swait.ge [sflag:s8], $0x4000  }
0x2b0: {  	[sflag:s8] =	ssyncset.done $0x0  }
0x2b1: {  	[sflag:s8] =	ssyncadd.s32 $0xFFFFC000  }
0x2b2: {  	[tilespmem:s4], [sflag:$0x1] =	stream.indirect.gather [hbm4b:s2+s29], $0x80, s12, s29, $0xb8;
	[tilespmem:$0x1CC00] =	vst v63  }
0x2b3: {  	_ = 	snop  }
0x2b4: {  	[spmem:s3] =	stream.indirect.scatter.add.f32 [tilespmem:s31], [sflag:$0x4], $0x80, s11, s29, $0xb8;
	[tilespmem:$0x1CC00] =	vst v63  }
0x2b5: {  	_ =	swait.ge [sflag:s30], $0x4000  }
0x2b6: {  	[sflag:s30] =	ssyncset.done $0x0  }
0x2b7: {  	[sflag:s30] =	ssyncadd.s32 $0xFFFFC000  }
0x2b8: {  	_ =	swait.ge [sflag:s14], $0x4000  }
0x2b9: {  	[sflag:s14] =	ssyncset.done $0x0  }
0x2ba: {  	[sflag:s14] =	ssyncadd.s32 $0xFFFFC000  }
0x2bb: {  	[tilespmem:s31], [sflag:$0x2] =	stream.indirect.gather [hbm4b:s2+s29], $0x80, s13, s29, $0xb8;
	[tilespmem:$0x1CC00] =	vst v63  }
0x2bc: {  	_ = 	snop  }
0x2bd: {  	[spmem:s3] =	stream.indirect.scatter.add.f32 [tilespmem:s4], [sflag:$0x3], $0x80, s7, s29, $0xb8;
	[tilespmem:$0x1CC00] =	vst v63  }
0x2be: {  	_ =	swait.ge [sflag:s0], $0x4000  }
0x2bf: {  	[sflag:s0] =	ssyncset.done $0x0  }
0x2c0: {  	[sflag:s0] =	ssyncadd.s32 $0xFFFFC000  }
0x2c1: {  	_ =	swait.ge [sflag:s8], $0x4000  }
0x2c2: {  	[sflag:s8] =	ssyncset.done $0x0  }
0x2c3: {  	[sflag:s8] =	ssyncadd.s32 $0xFFFFC000  }
0x2c4: {  	[tilespmem:s4], [sflag:$0x1] =	stream.indirect.gather [hbm4b:s2+s29], $0x80, s9, s29, $0xb8;
	[tilespmem:$0x1CC00] =	vst v63  }
0x2c5: {  	_ = 	snop  }
0x2c6: {  	[spmem:s3] =	stream.indirect.scatter.add.f32 [tilespmem:s31], [sflag:$0x4], $0x80, s10, s29, $0xb8;
	[tilespmem:$0x1CC00] =	vst v63  }
0x2c7: {  	_ =	swait.ge [sflag:s30], $0x4000  }
0x2c8: {  	[sflag:s30] =	ssyncset.done $0x0  }
0x2c9: {  	[sflag:s30] =	ssyncadd.s32 $0xFFFFC000  }
0x2ca: {  	_ =	swait.ge [sflag:s14], $0x4000  }
0x2cb: {  	[sflag:s14] =	ssyncset.done $0x0  }
0x2cc: {  	[sflag:s14] =	ssyncadd.s32 $0xFFFFC000  }
0x2cd: {  	[tilespmem:s31], [sflag:$0x2] =	stream.indirect.gather [hbm4b:s2+s29], $0x80, s22, s29, $0xb8;
	[tilespmem:$0x1CC00] =	vst v63  }
0x2ce: {  	_ = 	snop  }
0x2cf: {  	[spmem:s3] =	stream.indirect.scatter.add.f32 [tilespmem:s4], [sflag:$0x3], $0x80, s6, s29, $0xb8;
	[tilespmem:$0x1CC00] =	vst v63  }
0x2d0: {  	_ =	swait.ge [sflag:s0], $0x4000  }
0x2d1: {  	[sflag:s0] =	ssyncset.done $0x0  }
0x2d2: {  	[sflag:s0] =	ssyncadd.s32 $0xFFFFC000  }
0x2d3: {  	_ =	swait.ge [sflag:s8], $0x4000  }
0x2d4: {  	[sflag:s8] =	ssyncset.done $0x0  }
0x2d5: {  	[sflag:s8] =	ssyncadd.s32 $0xFFFFC000  }
0x2d6: {  	[spmem:s3] =	stream.indirect.scatter.add.f32 [tilespmem:s31], [sflag:$0x4], $0x80, s26, s29, $0xb8;
	[tilespmem:$0x1CC00] =	vst v63  }
0x2d7: {  	_ =	swait.ge [sflag:s14], $0x4000  }
0x2d8: {  	[sflag:s14] =	ssyncset.done $0x0  }
0x2d9: {  	[sflag:s14] =	ssyncadd.s32 $0xFFFFC000  }
0x2da: {  	[bflag:$0x0] =	sbarrier.arrive $0xFFFF  }
0x2db: {  	s22 =	rddreg [dreg:$0x14]  }
0x2dc: {  	s23 =	rddreg [dreg:$0x16]  }
0x2dd: {  	s16 =	rddreg [dreg:$0xb]  }
0x2de: {  	[hbm:s22], [sflag:s16] =	dma.local [spmem:s23], $0x2800  }
0x2df: {  	_ =	swait.ge [sflag:s21], $0x2800  }
0x2e0: {  	s24 =	rddreg [dreg:$0x15]  }
0x2e1: {  	s26 =	rddreg [dreg:$0xd];
	s6 =	sadd.s32 $0x1, s24  }
0x2e2: {  	p0 =	sne.s32 s6, s26  }
.Ltmp6:
0x2e3: {  	_ = 	snop;
	(pc) =	sbr.rel @p0 .LBB2_1-.Ltmp6, $4  }
0x2e4: {  	[sflag:s21] =	ssyncset.done $0x0  }
0x2e5: {  	[sflag:s21] =	ssyncadd.s32 $0xFFFFD800  }
0x2e6: {  	[bflag:$0x0] =	sbarrier.arrive $0xFFFF  }
0x2e7: {  	s19 =	simm.s32 $0x8000;
	s13 =	simm.s32 $0x8400  }
0x2e8: {  	_ =	sfence.sel $0x180000  }
0x2e9: {  	[bflag:$0x0] =	sbarrier.arrive $0xFFFF  }
0x2ea: {  	_ =	strace $0x9000004A  }
0x2eb: {  	s0 =	stileid.u32;
	[bflag:$0x2] =	sbarrier.arrive $0xFFFF  }
0x2ec: {  	p0 =	sne.s32 s0, $0x0;
	s0 =	rddreg [dreg:$0x4]  }
0x2ed: {  	s0 =	sadd.s32 @!p0 $0x100000, s0  }
0x2ee: {  	[sflag:s0] =	ssyncadd.tile.s32 @!p0 $0x1;
	_ =	shalt  }
.Lfunc_end2:
_tile_overlayer_lowered:
.L_overlay_start_2:
0x2ef: {  	(tag) =	ssettag $0x2  }
0x2f0: {  	s0 =	rddreg [dreg:$0x0];
	s2 =	stileid.u32  }
0x2f1: {  	s1 =	rddreg [dreg:$0x1];
	p0 =	sne.s32 s2, $0x0  }
0x2f2: {  	s3 =	rddreg [dreg:$0x2];
	[bflag:$0x3] =	sbarrier.arrive $0xFFFF;
	s2 =	simm.s32 @!p0 $0x1C05  }
0x2f3: {  	[timem:s3], [sflag:s2] =	dma.local @!p0 [hbm:s0], s1  }
0x2f4: {  	s0 =	simm.s32 @!p0 $0x5  }
0x2f5: {  	_ =	swait.ge @!p0 [sflag:s0], s1  }
0x2f6: {  	s1 =	ssub.s32 @!p0 $0x0, s1;
	[sflag:s0] =	ssyncset.done @!p0 $0x0  }
0x2f7: {  	[sflag:s0] =	ssyncadd.s32 @!p0 s1  }
0x2f8: {  	[bflag:$0x3] =	sbarrier.arrive $0xFFFF  }
0x2f9: {  	_ =	shalt  }

// kernel: kernel.7.cloned.1.call-start
scs
__scs_entry_jumppad:
0x0: {  	(pc) =	sbr.rel $0x88, $3  }
0x1: {  	(tag) =	ssettag $0x0;
	lr =	simm.s32 $0x1  }
0x2: {  	[smem:$0x3F8E] =	sst lr;
	_ =	strace $0xD0000000  }
0x3: {  	_ = 	snop  }
0x4: {  	_ = 	snop  }
0x5: {  	_ = 	snop  }
0x6: {  	_ = 	snop  }
0x7: {  	_ = 	snop  }
__scs_overlays_trampoline_lowered:
0x8: {  	[smem:$0x3F9D] =	sst s0  }
0x9: {  	[smem:$0x3F9E] =	sst s1  }
0xa: {  	[smem:$0x3F9F] =	sst s2  }
0xb: {  	[smem:$0x3FA0] =	sst s3  }
0xc: {  	[smem:$0x3FA1] =	sst s4  }
0xd: {  	[smem:$0x3FA2] =	sst s5  }
0xe: {  	[smem:$0x3FA3] =	sst s6  }
0xf: {  	[smem:$0x3FA4] =	sst s7  }
0x10: {  	[smem:$0x3FA5] =	sst s8  }
0x11: {  	[smem:$0x3FA6] =	sst s9;
	s0 =	simm.s32 @!p0 $0x0  }
0x12: {  	s1 =	sld [smem:$0x3F8C];
	s0 =	simm.s32 @p0 $0x1  }
0x13: {  	[smem:$0x3FA7] =	sst s0;
	s0 =	simm.s32 @!p1 $0x0  }
0x14: {  	s2 =	sld [smem:$0x3F8B];
	s0 =	simm.s32 @p1 $0x1  }
0x15: {  	[smem:$0x3FA8] =	sst s0;
	s0 =	simm.s32 @!p2 $0x0  }
0x16: {  	s3 =	sld [smem:$0x3FDB];
	s0 =	simm.s32 @p2 $0x1  }
0x17: {  	s4 =	simm.s32 $0x1BF5;
	[smem:$0x3FAA] =	sst s0  }
0x18: {  	s0 =	sld [smem:$0x3F8D];
	_ =	swait.ge [sflag:s4], $0x0  }
0x19: {  	s7 =	sld [smem:$0x3F8E]  }
0x1a: {  	s8 =	sadd.s32 $0xFFFFE003, lr  }
0x1b: {  	s9 =	sadd.s32 $0xFFFFFEF7, lr;
	s5 =	simm.s32 $0xFFFFFFFF;
	p2 =	slt.u32 s8, $0xFFFFF086  }
0x1c: {  	p1 =	slt.u32 s9, $0xF7A;
	s5 =	simm.s32 @!p2 $0x0  }
0x1d: {  	s5 =	simm.s32 @p1 $0x1;
	p0 =	seq.s32 s7, s2  }
0x1e: {  	s7 =	smul.u32 @!p0 $0xF7A, s2;
	p2 =	seq.s32 @!p0 s5, $0x0  }
0x1f: {  	s9 =	smul.u32 $0xF7A, s1;
	s8 =	simm.s32 @!p0 $0x1BF5;
	p2 =	por !p2, p0  }
0x20: {  	[sflag:s8] =	ssyncset.s32 @!p0 $0xFFFFF086;
	s6 =	sadd.s32 @!p0 s3, s7;
	s7 =	simm.s32 @!p0 $0x108  }
0x21: {  	s3 =	sadd.s32 s3, s9;
	s6 =	sadd.s32 @!p0 $0x88, s6;
	s7 =	simm.s32 @p2 $0x1082  }
0x22: {  	[simem:s7], [sflag:s8] =	dma.local @!p0 [hbm:s6], $0xF7A  }
0x23: {  	s9 =	sor.u32 $0xD0000000, s2;
	s6 =	simm.s32 $0x108;
	_ =	swait.ge @!p0 [sflag:s8], $0x0  }
0x24: {  	s3 =	sadd.s32 $0x88, s3;
	s6 =	simm.s32 @!p1 $0x1082;
	[sflag:s4] =	ssyncset.s32 $0xFFFFF086  }
0x25: {  	[simem:s6], [sflag:s4] =	dma.local [hbm:s3], $0xF7A  }
0x26: {  	[smem:$0x3F8E] =	sst s1;
	(tag) =	ssettag s2;
	_ =	strace s9  }
0x27: {  	s1 =	sld [smem:$0x3F9E]  }
0x28: {  	s2 =	sld [smem:$0x3F9F]  }
0x29: {  	s4 =	sld [smem:$0x3FA1]  }
0x2a: {  	p0 =	seq.s32 s5, $0x0;
	s5 =	sld [smem:$0x3FA2]  }
0x2b: {  	s6 =	sld [smem:$0x3FA3]  }
0x2c: {  	s7 =	sld [smem:$0x3FA4]  }
0x2d: {  	s3 =	simm.s32 $0x108;
	s8 =	sld [smem:$0x3FA5]  }
0x2e: {  	s3 =	simm.s32 @!p0 $0x1082;
	s9 =	sld [smem:$0x3FA6]  }
0x2f: {  	lr =	sadd.s32 s0, s3;
	s0 =	sld [smem:$0x3F9D]  }
0x30: {  	s3 =	sld [smem:$0x3FA0]  }
0x31: {  	[smem:$0x3FA9] =	sst s10  }
0x32: {  	s10 =	sld [smem:$0x3FA7];
	_ =	sdelay $0x3  }
0x33: {  	p0 =	seq.s32 s10, $0x1;
	s10 =	sld [smem:$0x3FA9];
	_ =	sdelay $0x3  }
0x34: {  	[smem:$0x3FA9] =	sst s10  }
0x35: {  	s10 =	sld [smem:$0x3FA8];
	_ =	sdelay $0x3  }
0x36: {  	p1 =	seq.s32 s10, $0x1;
	s10 =	sld [smem:$0x3FA9];
	_ =	sdelay $0x3  }
0x37: {  	[smem:$0x3FA9] =	sst s10  }
0x38: {  	s10 =	sld [smem:$0x3FAA]  }
0x39: {  	_ = 	snop;
	(pc) =	sbr.ind lr, $3  }
0x3a: {  	_ = 	snop  }
0x3b: {  	_ = 	snop  }
0x3c: {  	p2 =	seq.s32 s10, $0x1;
	s10 =	sld [smem:$0x3FA9]  }
0x3d: {  	_ =	shalt  }
0x3e: {  	_ =	shalt  }
0x3f: {  	_ =	shalt  }
0x40: {  	_ =	shalt  }
0x41: {  	_ =	shalt  }
0x42: {  	_ =	shalt  }
0x43: {  	_ =	shalt  }
0x44: {  	_ =	shalt  }
0x45: {  	_ =	shalt  }
0x46: {  	_ =	shalt  }
0x47: {  	_ =	shalt  }
0x48: {  	_ =	shalt  }
0x49: {  	_ =	shalt  }
0x4a: {  	_ =	shalt  }
0x4b: {  	_ =	shalt  }
0x4c: {  	_ =	shalt  }
0x4d: {  	_ =	shalt  }
0x4e: {  	_ =	shalt  }
0x4f: {  	_ =	shalt  }
0x50: {  	_ =	shalt  }
0x51: {  	_ =	shalt  }
0x52: {  	_ =	shalt  }
0x53: {  	_ =	shalt  }
0x54: {  	_ =	shalt  }
0x55: {  	_ =	shalt  }
0x56: {  	_ =	shalt  }
0x57: {  	_ =	shalt  }
0x58: {  	_ =	shalt  }
0x59: {  	_ =	shalt  }
0x5a: {  	_ =	shalt  }
0x5b: {  	_ =	shalt  }
0x5c: {  	_ =	shalt  }
0x5d: {  	_ =	shalt  }
0x5e: {  	_ =	shalt  }
0x5f: {  	_ =	shalt  }
0x60: {  	_ =	shalt  }
0x61: {  	_ =	shalt  }
0x62: {  	_ =	shalt  }
0x63: {  	_ =	shalt  }
0x64: {  	_ =	shalt  }
0x65: {  	_ =	shalt  }
0x66: {  	_ =	shalt  }
0x67: {  	_ =	shalt  }
0x68: {  	_ =	shalt  }
0x69: {  	_ =	shalt  }
0x6a: {  	_ =	shalt  }
0x6b: {  	_ =	shalt  }
0x6c: {  	_ =	shalt  }
0x6d: {  	_ =	shalt  }
0x6e: {  	_ =	shalt  }
0x6f: {  	_ =	shalt  }
0x70: {  	_ =	shalt  }
0x71: {  	_ =	shalt  }
0x72: {  	_ =	shalt  }
0x73: {  	_ =	shalt  }
0x74: {  	_ =	shalt  }
0x75: {  	_ =	shalt  }
0x76: {  	_ =	shalt  }
0x77: {  	_ =	shalt  }
0x78: {  	_ =	shalt  }
0x79: {  	_ =	shalt  }
0x7a: {  	_ =	shalt  }
0x7b: {  	_ =	shalt  }
0x7c: {  	_ =	shalt  }
0x7d: {  	_ =	shalt  }
0x7e: {  	_ =	shalt  }
0x7f: {  	_ =	shalt  }
0x80: {  	_ =	shalt  }
0x81: {  	_ =	shalt  }
0x82: {  	_ =	shalt  }
0x83: {  	_ =	shalt  }
0x84: {  	_ =	shalt  }
0x85: {  	_ =	shalt  }
0x86: {  	_ =	shalt  }
0x87: {  	_ =	shalt  }
.Lfunc_end0:
.L_simem_size_0:
called_computation_lowered:
.L_overlay_start_0:
0x88: {  	s2 =	sld [smem:$0x3FD9]  }
0x89: {  	s3 =	sld [smem:$0x3FFE];
	_ =	sdelay $0x1  }
0x8a: {  	s1 =	srdreg.scid  }
0x8b: {  	s0 =	sand.u32 $0x1, s1  }
0x8c: {  	s16 =	sshll.u32 s0, $0xA;
	s2 =	sadd.s32 s3, s2  }
0x8d: {  	s2 =	sadd.s32 s2, s16  }
0x8e: {  	[smem:$0x3FB5] =	sst s2  }
0x8f: {  	_ = 	snop  }
0x90: {  	(tm) =	ssettm $0x1  }
0x91: {  	s17 =	sld [smem:$0x3FFB];
	_ =	sdelay $0x3  }
0x92: {  	_ =	strace s17  }
0x93: {  	s2 =	sld [smem:$0x3FFC];
	_ =	sdelay $0x3  }
0x94: {  	_ =	strace s2  }
0x95: {  	s2 =	sld [smem:$0x3FFD];
	_ =	sdelay $0x3  }
0x96: {  	_ =	strace s2  }
0x97: {  	_ =	strace $0x8FFFFFFF  }
0x98: {  	s18 =	sld [smem:$0x3FDB];
	_ =	sdelay $0x1  }
0x99: {  	s19 =	simm.s32 $_scs_section_size  }
0x9a: {  	s4 =	simm.s32 $_size__tile_overlayer_lowered;
	s5 =	simm.s32 $_tile_overlayer_lowered  }
0x9b: {  	s22 =	simm.s32 $0x1BFF;
	s21 =	sshll.u32 s5, $0x1;
	s2 =	sadd.s32 s19, s18  }
0x9c: {  	s6 =	simm.s32 $0x0;
	s20 =	sshll.u32 s4, $0x1;
	s4 =	sadd.s32 s21, s2  }
0x9d: {  	[timem:s6], [sflag:s22] =	dma.local [hbm:s4], s20  }
0x9e: {  	_ =	swait.ge [sflag:s22], s20  }
0x9f: {  	s3 =	ssub.s32 $0x0, s20;
	[sflag:s22] =	ssyncset.done $0x0  }
0xa0: {  	[sflag:s22] =	ssyncadd.s32 s3;
	_ =	sdelay $0x1  }
0xa1: {  	s23 =	simm.s32 $0x1B8B  }
0xa2: {  	_ =	swait.ge [sflag:s23], $0x1  }
0xa3: {  	[sflag:s23] =	ssyncset.done $0x0  }
0xa4: {  	s25 =	simm.s32 $0x1B8E;
	s24 =	sld [smem:$0x3FFE];
	[sflag:s23] =	ssyncadd.s32 $0xFFFFFFFF  }
0xa5: {  	s26 =	simm.s32 $execute0_lowered;
	[smem:$0x3FD2] =	sst s25  }
0xa6: {  	s4 =	sshll.u32 s26, $0x1;
	_ =	strace $0x80000046;
	[dreg:$0x1] =	wrdreg $0xFFFFFFFF  }
0xa7: {  	s28 =	simm.s32 $_size_execute0_lowered;
	s2 =	sadd.s32 s2, s4;
	[dreg:$0x0] =	wrdreg $0x0  }
0xa8: {  	s4 =	sshll.u32 s28, $0x1;
	[dreg:$0x2] =	wrdreg s2  }
0xa9: {  	[dreg:$0x3] =	wrdreg s4  }
0xaa: {  	[dreg:$0x4] =	wrdreg $0xC0  }
0xab: {  	_ =	task [dreg:s6], $0x5FFFF  }
0xac: {  	[dreg:$0x1] =	wrdreg $0xFFFFFFFF  }
0xad: {  	[dreg:$0x0] =	wrdreg $0x60  }
0xae: {  	[dreg:$0x2] =	wrdreg s24  }
0xaf: {  	[dreg:$0x3] =	wrdreg $0x65000  }
0xb0: {  	[dreg:$0x4] =	wrdreg $0x67800  }
0xb1: {  	[dreg:$0x5] =	wrdreg $0x9  }
0xb2: {  	_ =	task.clear_ibuf [dreg:s6], $0x6FFFF;
	_ =	strace $0x90000046  }
0xb3: {  	s29 =	simm.s32 $0x9;
	_ =	strace $0x80000048  }
0xb4: {  	_ =	swait.ge [sflag:s29], $0x1  }
0xb5: {  	[sflag:s29] =	ssyncadd.s32 $0xFFFFFFFF  }
0xb6: {  	_ =	strace $0x90000048  }
0xb7: {  	_ =	sfence  }
0xb8: {  	s30 =	sld [smem:$0x0];
	_ =	sdelay $0x2  }
0xb9: {  	s31 =	sshll.u32 s1, $0xD;
	s1 =	sshrl.u32 s1, $0x2  }
0xba: {  	s3 =	sand.u32 $0x4000, s31;
	s1 =	sadd.s32 s1, s30  }
0xbb: {  	s0 =	sor.u32 s3, s0;
	s1 =	sshll.u32 s1, $0x11  }
0xbc: {  	s0 =	sor.u32 s1, s0  }
0xbd: {  	s0 =	sadd.s32 $0x8F2B, s0  }
0xbe: {  	[sflag:s0] =	ssyncadd.remote.s32 $0x1  }
0xbf: {  	_ =	sfence.sel $0xFFFF  }
0xc0: {  	[dreg:$0x0] =	wrdreg $0xFFFFFFFF;
	(pc) =	sbr.abs _section_cstart, $3  }
0xc1: {  	[dreg:$0x1] =	wrdreg $0xFFFFFFFF  }
0xc2: {  	_ =	task.clear_ibuf [dreg:s6], $0x2FFFF;
	_ =	strace $0x9FFFFFFF  }
0xc3: {  	(tm) =	ssettm $0x7FFFFFFF  }
tec
execute0_lowered:
.L_overlay_start_1:
0x0: {  	(tag) =	ssettag $0x1  }
0x1: {  	s0 =	rddreg [dreg:$0x0]  }
0x2: {  	s1 =	rddreg [dreg:$0x1]  }
0x3: {  	s2 =	rddreg [dreg:$0x2];
	s3 =	simm.s32 $0x0  }
0x4: {  	s14 =	srdreg.scid;
	s16 =	stileid.u32;
	s28 =	simm.s32 $0x5880  }
0x5: {  	s29 =	simm.s32 $0x80;
	[smem:$0x7FF] =	sst s3;
	s6 =	sadd.s32 $0x52E00, s0  }
0x6: {  	s7 =	sadd.s32 $0x53400, s0;
	_ =	strace $0x80000047;
	[dreg:$0x4] =	wrdreg s6  }
0x7: {  	s30 =	simm.s32 $0x5C80;
	s15 =	sadd.s32 $0x67A00, s0;
	[dreg:$0x5] =	wrdreg s7  }
0x8: {  	s31 =	simm.s32 $0x5500;
	s19 =	sadd.s32 $0x800, s1;
	[dreg:$0x6] =	wrdreg s15  }
0x9: {  	s13 =	simm.s32 $0x5700;
	s20 =	sadd.s32 $0x800, s2;
	[dreg:$0xa] =	wrdreg s19  }
0xa: {  	s4 =	sadd.s32 $0x53A00, s0;
	s21 =	sadd.s32 $0x1000, s1;
	[dreg:$0xb] =	wrdreg s20  }
0xb: {  	s5 =	sadd.s32 $0x5DA00, s0;
	s22 =	sadd.s32 $0x1000, s2;
	[dreg:$0xc] =	wrdreg s21  }
0xc: {  	s9 =	sadd.s32 $0x69000, s0;
	s23 =	sadd.s32 $0x1800, s1;
	[dreg:$0xd] =	wrdreg s22  }
0xd: {  	s12 =	sshll.u32 s16, $0x1;
	s24 =	sadd.s32 $0x1800, s2;
	[dreg:$0xe] =	wrdreg s23  }
0xe: {  	s25 =	sadd.s32 $0x2000, s1;
	s26 =	sadd.s32 $0x2000, s2;
	[dreg:$0xf] =	wrdreg s24  }
0xf: {  	p0 =	sne.s32 s16, $0x0;
	s16 =	simm.s32 $0x5B80;
	[dreg:$0x10] =	wrdreg s25  }
0x10: {  	s6 =	sand.u32 $0x1, s14;
	[dreg:$0x11] =	wrdreg s26;
	s22 =	simm.s32 $0x1  }
0x11: {  	s23 =	simm.s32 $0x2800;
	s26 =	simm.s32 $0x5480;
	s24 =	simm.s32 $0x5580  }
0x12: {  	s7 =	simm.s32 $0x5600;
	s14 =	simm.s32 $0x5B00;
	s15 =	simm.s32 $0x5780  }
0x13: {  	s8 =	ssub.s32 $0x2, s6;
	s10 =	sshll.u32 s6, $0x4;
	s6 =	sor.u32 s6, s12  }
0x14: {  	s12 =	simm.s32 $0x5A80;
	s11 =	sshrl.u32 s8, $0x1;
	s0 =	sadd.s32 s10, s0  }
0x15: {  	s10 =	smul.u32 $0xA, s6;
	s8 =	ssub.s32 s8, s11;
	s17 =	sadd.s32 $0x68600, s0  }
0x16: {  	s0 =	sadd.s32 $0x67C00, s0;
	s11 =	simm.s32 $0x5680;
	[dreg:$0x7] =	wrdreg s17  }
0x17: {  	[dreg:$0x8] =	wrdreg s0;
	s18 =	smax.u32 s8, $0x1;
	s17 =	simm.s32 $0x5800  }
0x18: {  	v0 =	vimm.f32 $0.0e+00;
	v1 =	vimm.f32 $1.000000000e+00;
	s8 =	simm.s32 $0x0;
	[dreg:$0x9] =	wrdreg s18;
	s18 =	simm.s32 $0x5C00  }
.LBB2_1:
0x19: {  	[dreg:$0x12] =	wrdreg s8;
	s0 =	simm.s32 $0x40;
	s6 =	simm.s32 $0x0  }
.LBB2_2:
0x1a: {  	p1 =	sne.s32 s0, $0x1FC0;
	[tilespmem:s6+$0x5D00] =	vst v0;
	s6 =	smov.u32 s0;
	s0 =	sadd.s32 $0x40, s0  }
.Ltmp0:
0x1b: {  	(pc) =	sbr.rel @p1 .LBB2_2-.Ltmp0, $2  }
0x1c: {  	_ =	sdelay $0x2  }
0x1d: {  	s6 =	sshra.s32 s6, $0x2  }
0x1e: {  	[tilespmem:s6+$0x5D00] =	vst v0;
	s0 =	simm.s32 @!p0 $0x5D00;
	s6 =	simm.s32 @!p0 $0x1  }
0x1f: {  	[spmem:s1] =	stream.linear.scatter @!p0 [tilespmem:s0], [sflag:$0x1], $0x800, $0x38;
	[tilespmem:$0x6A00] =	vst v63  }
0x20: {  	_ =	swait.ge @!p0 [sflag:s6], $0x800  }
0x21: {  	[sflag:s6] =	ssyncset.done @!p0 $0x0  }
0x22: {  	[sflag:s6] =	ssyncadd.s32 @!p0 $0xFFFFF800  }
0x23: {  	[spmem:s2] =	stream.linear.scatter @!p0 [tilespmem:s0], [sflag:$0x1], $0x800, $0x38;
	[tilespmem:$0x6A00] =	vst v63  }
0x24: {  	_ =	swait.ge @!p0 [sflag:s6], $0x800  }
0x25: {  	[sflag:s6] =	ssyncset.done @!p0 $0x0  }
0x26: {  	s8 =	rddreg [dreg:$0xa];
	[sflag:s6] =	ssyncadd.s32 @!p0 $0xFFFFF800  }
0x27: {  	[spmem:s8] =	stream.linear.scatter @!p0 [tilespmem:s0], [sflag:$0x1], $0x800, $0x38;
	[tilespmem:$0x6A00] =	vst v63  }
0x28: {  	_ =	swait.ge @!p0 [sflag:s6], $0x800  }
0x29: {  	[sflag:s6] =	ssyncset.done @!p0 $0x0  }
0x2a: {  	s8 =	rddreg [dreg:$0xb];
	[sflag:s6] =	ssyncadd.s32 @!p0 $0xFFFFF800  }
0x2b: {  	[spmem:s8] =	stream.linear.scatter @!p0 [tilespmem:s0], [sflag:$0x1], $0x800, $0x38;
	[tilespmem:$0x6A00] =	vst v63  }
0x2c: {  	_ =	swait.ge @!p0 [sflag:s6], $0x800  }
0x2d: {  	[sflag:s6] =	ssyncset.done @!p0 $0x0  }
0x2e: {  	s8 =	rddreg [dreg:$0xc];
	[sflag:s6] =	ssyncadd.s32 @!p0 $0xFFFFF800  }
0x2f: {  	[spmem:s8] =	stream.linear.scatter @!p0 [tilespmem:s0], [sflag:$0x1], $0x800, $0x38;
	[tilespmem:$0x6A00] =	vst v63  }
0x30: {  	_ =	swait.ge @!p0 [sflag:s6], $0x800  }
0x31: {  	[sflag:s6] =	ssyncset.done @!p0 $0x0  }
0x32: {  	s8 =	rddreg [dreg:$0xd];
	[sflag:s6] =	ssyncadd.s32 @!p0 $0xFFFFF800  }
0x33: {  	[spmem:s8] =	stream.linear.scatter @!p0 [tilespmem:s0], [sflag:$0x1], $0x800, $0x38;
	[tilespmem:$0x6A00] =	vst v63  }
0x34: {  	_ =	swait.ge @!p0 [sflag:s6], $0x800  }
0x35: {  	[sflag:s6] =	ssyncset.done @!p0 $0x0  }
0x36: {  	s8 =	rddreg [dreg:$0xe];
	[sflag:s6] =	ssyncadd.s32 @!p0 $0xFFFFF800  }
0x37: {  	[spmem:s8] =	stream.linear.scatter @!p0 [tilespmem:s0], [sflag:$0x1], $0x800, $0x38;
	[tilespmem:$0x6A00] =	vst v63  }
0x38: {  	_ =	swait.ge @!p0 [sflag:s6], $0x800  }
0x39: {  	[sflag:s6] =	ssyncset.done @!p0 $0x0  }
0x3a: {  	s8 =	rddreg [dreg:$0xf];
	[sflag:s6] =	ssyncadd.s32 @!p0 $0xFFFFF800  }
0x3b: {  	[spmem:s8] =	stream.linear.scatter @!p0 [tilespmem:s0], [sflag:$0x1], $0x800, $0x38;
	[tilespmem:$0x6A00] =	vst v63  }
0x3c: {  	_ =	swait.ge @!p0 [sflag:s6], $0x800  }
0x3d: {  	[sflag:s6] =	ssyncset.done @!p0 $0x0  }
0x3e: {  	s8 =	rddreg [dreg:$0x10];
	[sflag:s6] =	ssyncadd.s32 @!p0 $0xFFFFF800  }
0x3f: {  	[spmem:s8] =	stream.linear.scatter @!p0 [tilespmem:s0], [sflag:$0x1], $0x800, $0x38;
	[tilespmem:$0x6A00] =	vst v63  }
0x40: {  	_ =	swait.ge @!p0 [sflag:s6], $0x800  }
0x41: {  	[sflag:s6] =	ssyncset.done @!p0 $0x0  }
0x42: {  	s8 =	rddreg [dreg:$0x11];
	[sflag:s6] =	ssyncadd.s32 @!p0 $0xFFFFF800  }
0x43: {  	[spmem:s8] =	stream.linear.scatter @!p0 [tilespmem:s0], [sflag:$0x1], $0x800, $0x38;
	[tilespmem:$0x6A00] =	vst v63  }
0x44: {  	_ =	swait.ge @!p0 [sflag:s6], $0x800  }
0x45: {  	[sflag:s6] =	ssyncset.done @!p0 $0x0  }
0x46: {  	[sflag:s6] =	ssyncadd.s32 @!p0 $0xFFFFF800  }
0x47: {  	[tilespmem:$0x5C80] =	vst v1  }
0x48: {  	[tilespmem:$0x5C90] =	vst v1  }
0x49: {  	[tilespmem:$0x5CA0] =	vst v1  }
0x4a: {  	[tilespmem:$0x5CB0] =	vst v1  }
0x4b: {  	[tilespmem:$0x5CC0] =	vst v1  }
0x4c: {  	[tilespmem:$0x5CD0] =	vst v1  }
0x4d: {  	[tilespmem:$0x5CE0] =	vst v1  }
0x4e: {  	s20 =	simm.s32 $0x0;
	s8 =	rddreg [dreg:$0x4];
	[tilespmem:$0x5CF0] =	vst v1  }
0x4f: {  	[tilespmem:s20], [sflag:$0x1] =	stream.linear.gather [hbm4b:s8+s20], $0x2800, $0x38;
	[tilespmem:$0x6A00] =	vst v63  }
0x50: {  	_ =	swait.ge [sflag:s22], $0x2800  }
0x51: {  	[sflag:s22] =	ssyncset.done $0x0  }
0x52: {  	s19 =	rddreg [dreg:$0x5];
	[sflag:s22] =	ssyncadd.s32 $0xFFFFD800  }
0x53: {  	[tilespmem:s23], [sflag:$0x1] =	stream.linear.gather [hbm4b:s19+s20], $0x2800, $0x38;
	[tilespmem:$0x6A00] =	vst v63  }
0x54: {  	_ =	swait.ge [sflag:s22], $0x2800  }
0x55: {  	[sflag:s22] =	ssyncset.done $0x0  }
0x56: {  	s25 =	simm.s32 $0x5000;
	s21 =	rddreg [dreg:$0x6];
	[sflag:s22] =	ssyncadd.s32 $0xFFFFD800  }
0x57: {  	[tilespmem:s25], [sflag:$0x1] =	stream.linear.gather [hbm4b:s21+s20], $0x80, $0x38;
	[tilespmem:$0x6A00] =	vst v63  }
0x58: {  	_ =	swait.ge [sflag:s22], $0x80  }
0x59: {  	[sflag:s22] =	ssyncset.done $0x0  }
0x5a: {  	[sflag:s22] =	ssyncadd.s32 $0xFFFFFF80  }
0x5b: {  	[bflag:$0x0] =	sbarrier.arrive $0xFFFF  }
0x5c: {  	s21 =	simm.s32 $0x0;
	v2 =	vld [tilespmem:$0x5000]  }
.LBB2_4:
0x5d: {  	s0 =	sadd.s32 s10, s21  }
0x5e: {  	s19 =	sshll.u32 s0, $0x7  }
0x5f: {  	s6 =	simm.s32 $0x5080;
	s0 =	sadd.s32 s4, s19  }
0x60: {  	[tilespmem:s6], [sflag:$0x1] =	stream.linear.gather [hbm4b:s0+s20], $0x400, $0x38;
	[tilespmem:$0x6A00] =	vst v63  }
0x61: {  	_ =	swait.ge [sflag:s22], $0x400  }
0x62: {  	[sflag:s22] =	ssyncset.done $0x0  }
0x63: {  	s25 =	sadd.s32 s5, s19;
	[sflag:s22] =	ssyncadd.s32 $0xFFFFFC00  }
0x64: {  	[tilespmem:s26], [sflag:$0x1] =	stream.linear.gather [hbm4b:s25+s20], $0x400, $0x38;
	[tilespmem:$0x6A00] =	vst v63  }
0x65: {  	_ =	swait.ge [sflag:s22], $0x400  }
0x66: {  	[sflag:s22] =	ssyncset.done $0x0  }
0x67: {  	s25 =	simm.s32 $0x0;
	[sflag:s22] =	ssyncadd.s32 $0xFFFFFC00  }
0x68: {  	v3 =	vld [tilespmem:s25+$0x5080]  }
0x69: {  	v4 =	vld [tilespmem:s25+$0x5480];
	_ =	sdelay $0x6  }
0x6a: {  	v3 =	vld.idx.msk [tilespmem:v3+s3+$0x0], $0xffff  }
0x6b: {  	v4 =	vld.idx.msk [tilespmem:v4+s23+$0x0], $0xffff;
	_ =	sdelay $0x4  }
0x6c: {  	v3 =	vadd.f32 v4, v3;
	v4 =	vadd.f32 v4, v2;
	_ =	sdelay $0x1  }
0x6d: {  	v5 =	vmul.f32 $2.000000030e-01, v3;
	v6 =	vmul.f32 $2.000000030e-01, v4  }
0x6e: {  	vm0 =	vgt.f32 v3, $0.0e+00;
	vm1 =	vgt.f32 v4, $0.0e+00  }
0x6f: {  	v3 =	vsel vm0, v3, v5;
	v4 =	vsel vm1, v4, v6  }
0x70: {  	v3 =	vsub.f32 v3, v4;
	_ =	sdelay $0x1  }
0x71: {  	v3 =	vmul.f32 $1.442695020e+00, v3;
	_ =	sdelay $0x1  }
0x72: {  	(erf) = vpow2.f32 v3;
	_ =	sdelay $0x2  }
0x73: {  	v3 =	vld [tilespmem:s25+$0x5090]  }
0x74: {  	v36 =	vld [tilespmem:s25+$0x5490];
	_ =	sdelay $0x4  }
0x75: {  	v37 =	vpop (erf)  }
0x76: {  	[tilespmem:s25+$0x5880] =	vst v37  }
0x77: {  	v3 =	vld.idx.msk [tilespmem:v3+s3+$0x0], $0xffff  }
0x78: {  	v4 =	vld.idx.msk [tilespmem:v36+s23+$0x0], $0xffff;
	_ =	sdelay $0x4  }
0x79: {  	v3 =	vadd.f32 v4, v3;
	v4 =	vadd.f32 v4, v2;
	_ =	sdelay $0x1  }
0x7a: {  	v38 =	vmul.f32 $2.000000030e-01, v3;
	v39 =	vmul.f32 $2.000000030e-01, v4  }
0x7b: {  	vm14 =	vgt.f32 v3, $0.0e+00;
	vm15 =	vgt.f32 v4, $0.0e+00  }
0x7c: {  	v3 =	vsel vm14, v3, v38;
	v4 =	vsel vm15, v4, v39  }
0x7d: {  	v3 =	vsub.f32 v3, v4;
	_ =	sdelay $0x1  }
0x7e: {  	v3 =	vmul.f32 $1.442695020e+00, v3;
	_ =	sdelay $0x1  }
0x7f: {  	(erf) = vpow2.f32 v3;
	_ =	sdelay $0x2  }
0x80: {  	v3 =	vld [tilespmem:s25+$0x50A0]  }
0x81: {  	v40 =	vld [tilespmem:s25+$0x54A0];
	_ =	sdelay $0x4  }
0x82: {  	v41 =	vpop (erf)  }
0x83: {  	[tilespmem:s25+$0x5890] =	vst v41  }
0x84: {  	v3 =	vld.idx.msk [tilespmem:v3+s3+$0x0], $0xffff  }
0x85: {  	v4 =	vld.idx.msk [tilespmem:v40+s23+$0x0], $0xffff;
	_ =	sdelay $0x4  }
0x86: {  	v3 =	vadd.f32 v4, v3;
	v4 =	vadd.f32 v4, v2;
	_ =	sdelay $0x1  }
0x87: {  	v42 =	vmul.f32 $2.000000030e-01, v3;
	v43 =	vmul.f32 $2.000000030e-01, v4  }
0x88: {  	vm4 =	vgt.f32 v3, $0.0e+00;
	vm5 =	vgt.f32 v4, $0.0e+00  }
0x89: {  	v3 =	vsel vm4, v3, v42;
	v4 =	vsel vm5, v4, v43  }
0x8a: {  	v3 =	vsub.f32 v3, v4;
	_ =	sdelay $0x1  }
0x8b: {  	v3 =	vmul.f32 $1.442695020e+00, v3;
	_ =	sdelay $0x1  }
0x8c: {  	(erf) = vpow2.f32 v3;
	_ =	sdelay $0x2  }
0x8d: {  	v3 =	vld [tilespmem:s25+$0x50B0]  }
0x8e: {  	v44 =	vld [tilespmem:s25+$0x54B0];
	_ =	sdelay $0x4  }
0x8f: {  	v45 =	vpop (erf)  }
0x90: {  	[tilespmem:s25+$0x58A0] =	vst v45  }
0x91: {  	v3 =	vld.idx.msk [tilespmem:v3+s3+$0x0], $0xffff  }
0x92: {  	v4 =	vld.idx.msk [tilespmem:v44+s23+$0x0], $0xffff;
	_ =	sdelay $0x4  }
0x93: {  	v3 =	vadd.f32 v4, v3;
	v4 =	vadd.f32 v4, v2;
	_ =	sdelay $0x1  }
0x94: {  	v46 =	vmul.f32 $2.000000030e-01, v3;
	v47 =	vmul.f32 $2.000000030e-01, v4  }
0x95: {  	vm6 =	vgt.f32 v3, $0.0e+00;
	vm7 =	vgt.f32 v4, $0.0e+00  }
0x96: {  	v3 =	vsel vm6, v3, v46;
	v4 =	vsel vm7, v4, v47  }
0x97: {  	v3 =	vsub.f32 v3, v4;
	_ =	sdelay $0x1  }
0x98: {  	v3 =	vmul.f32 $1.442695020e+00, v3;
	_ =	sdelay $0x1  }
0x99: {  	(erf) = vpow2.f32 v3;
	_ =	sdelay $0x2  }
0x9a: {  	v3 =	vld [tilespmem:s25+$0x50C0]  }
0x9b: {  	v48 =	vld [tilespmem:s25+$0x54C0];
	_ =	sdelay $0x4  }
0x9c: {  	v49 =	vpop (erf)  }
0x9d: {  	[tilespmem:s25+$0x58B0] =	vst v49  }
0x9e: {  	v3 =	vld.idx.msk [tilespmem:v3+s3+$0x0], $0xffff  }
0x9f: {  	v4 =	vld.idx.msk [tilespmem:v48+s23+$0x0], $0xffff;
	_ =	sdelay $0x4  }
0xa0: {  	v3 =	vadd.f32 v4, v3;
	v4 =	vadd.f32 v4, v2;
	_ =	sdelay $0x1  }
0xa1: {  	v50 =	vmul.f32 $2.000000030e-01, v3;
	v51 =	vmul.f32 $2.000000030e-01, v4  }
0xa2: {  	vm8 =	vgt.f32 v3, $0.0e+00;
	vm9 =	vgt.f32 v4, $0.0e+00  }
0xa3: {  	v3 =	vsel vm8, v3, v50;
	v4 =	vsel vm9, v4, v51  }
0xa4: {  	v3 =	vsub.f32 v3, v4;
	_ =	sdelay $0x1  }
0xa5: {  	v3 =	vmul.f32 $1.442695020e+00, v3;
	_ =	sdelay $0x1  }
0xa6: {  	(erf) = vpow2.f32 v3;
	_ =	sdelay $0x2  }
0xa7: {  	v3 =	vld [tilespmem:s25+$0x50D0]  }
0xa8: {  	v52 =	vld [tilespmem:s25+$0x54D0];
	_ =	sdelay $0x4  }
0xa9: {  	v53 =	vpop (erf)  }
0xaa: {  	[tilespmem:s25+$0x58C0] =	vst v53  }
0xab: {  	v3 =	vld.idx.msk [tilespmem:v3+s3+$0x0], $0xffff  }
0xac: {  	v4 =	vld.idx.msk [tilespmem:v52+s23+$0x0], $0xffff;
	_ =	sdelay $0x4  }
0xad: {  	v3 =	vadd.f32 v4, v3;
	v4 =	vadd.f32 v4, v2;
	_ =	sdelay $0x1  }
0xae: {  	v54 =	vmul.f32 $2.000000030e-01, v3;
	v55 =	vmul.f32 $2.000000030e-01, v4  }
0xaf: {  	vm10 =	vgt.f32 v3, $0.0e+00;
	vm11 =	vgt.f32 v4, $0.0e+00  }
0xb0: {  	v3 =	vsel vm10, v3, v54;
	v4 =	vsel vm11, v4, v55  }
0xb1: {  	v3 =	vsub.f32 v3, v4;
	_ =	sdelay $0x1  }
0xb2: {  	v3 =	vmul.f32 $1.442695020e+00, v3;
	_ =	sdelay $0x1  }
0xb3: {  	(erf) = vpow2.f32 v3;
	_ =	sdelay $0x2  }
0xb4: {  	v3 =	vld [tilespmem:s25+$0x50E0]  }
0xb5: {  	v56 =	vld [tilespmem:s25+$0x54E0];
	_ =	sdelay $0x4  }
0xb6: {  	v57 =	vpop (erf)  }
0xb7: {  	[tilespmem:s25+$0x58D0] =	vst v57  }
0xb8: {  	v3 =	vld.idx.msk [tilespmem:v3+s3+$0x0], $0xffff  }
0xb9: {  	v4 =	vld.idx.msk [tilespmem:v56+s23+$0x0], $0xffff;
	_ =	sdelay $0x4  }
0xba: {  	v3 =	vadd.f32 v4, v3;
	v4 =	vadd.f32 v4, v2;
	_ =	sdelay $0x1  }
0xbb: {  	v58 =	vmul.f32 $2.000000030e-01, v3;
	v59 =	vmul.f32 $2.000000030e-01, v4  }
0xbc: {  	vm12 =	vgt.f32 v3, $0.0e+00;
	vm13 =	vgt.f32 v4, $0.0e+00  }
0xbd: {  	v3 =	vsel vm12, v3, v58;
	v4 =	vsel vm13, v4, v59  }
0xbe: {  	v3 =	vsub.f32 v3, v4;
	_ =	sdelay $0x1  }
0xbf: {  	v3 =	vmul.f32 $1.442695020e+00, v3;
	_ =	sdelay $0x1  }
0xc0: {  	(erf) = vpow2.f32 v3;
	_ =	sdelay $0x2  }
0xc1: {  	v3 =	vld [tilespmem:s25+$0x50F0]  }
0xc2: {  	v60 =	vld [tilespmem:s25+$0x54F0];
	_ =	sdelay $0x4  }
0xc3: {  	v61 =	vpop (erf)  }
0xc4: {  	[tilespmem:s25+$0x58E0] =	vst v61  }
0xc5: {  	v3 =	vld.idx.msk [tilespmem:v3+s3+$0x0], $0xffff  }
0xc6: {  	v4 =	vld.idx.msk [tilespmem:v60+s23+$0x0], $0xffff;
	_ =	sdelay $0x4  }
0xc7: {  	v3 =	vadd.f32 v4, v3;
	v4 =	vadd.f32 v4, v2;
	_ =	sdelay $0x1  }
0xc8: {  	v62 =	vmul.f32 $2.000000030e-01, v3;
	v63 =	vmul.f32 $2.000000030e-01, v4  }
0xc9: {  	vm14 =	vgt.f32 v3, $0.0e+00;
	vm15 =	vgt.f32 v4, $0.0e+00  }
0xca: {  	v3 =	vsel vm14, v3, v62;
	v4 =	vsel vm15, v4, v63  }
0xcb: {  	v3 =	vsub.f32 v3, v4;
	_ =	sdelay $0x1  }
0xcc: {  	v3 =	vmul.f32 $1.442695020e+00, v3;
	_ =	sdelay $0x1  }
0xcd: {  	s0 =	simm.s32 $0x200;
	s6 =	simm.s32 $0x400;
	(erf) = vpow2.f32 v3  }
.LBB2_5:
0xce: {  	p1 =	sne.s32 s6, $0xE00  }
0xcf: {  	s8 =	sshra.s32 s0, $0x2;
	s0 =	smov.u32 s6;
	s6 =	sadd.s32 $0x200, s6  }
0xd0: {  	v3 =	vld [tilespmem:s8+$0x5080]  }
0xd1: {  	v4 =	vld [tilespmem:s8+$0x5480];
	_ =	sdelay $0x4  }
0xd2: {  	v5 =	vpop (erf)  }
0xd3: {  	[tilespmem:s25+$0x58F0] =	vst v5;
	s25 =	smov.u32 s8  }
0xd4: {  	v3 =	vld.idx.msk [tilespmem:v3+s3+$0x0], $0xffff  }
0xd5: {  	v4 =	vld.idx.msk [tilespmem:v4+s23+$0x0], $0xffff;
	_ =	sdelay $0x5  }
0xd6: {  	v3 =	vadd.f32 v4, v3;
	v4 =	vadd.f32 v4, v2;
	_ =	sdelay $0x1  }
0xd7: {  	vm0 =	vgt.f32 v3, $0.0e+00;
	v5 =	vmul.f32 $2.000000030e-01, v3;
	v6 =	vmul.f32 $2.000000030e-01, v4  }
0xd8: {  	vm1 =	vgt.f32 v4, $0.0e+00  }
0xd9: {  	v3 =	vsel vm0, v3, v5;
	v4 =	vsel vm1, v4, v6  }
0xda: {  	v3 =	vsub.f32 v3, v4;
	_ =	sdelay $0x1  }
0xdb: {  	v3 =	vmul.f32 $1.442695020e+00, v3;
	_ =	sdelay $0x1  }
0xdc: {  	(erf) = vpow2.f32 v3;
	_ =	sdelay $0x1  }
0xdd: {  	v3 =	vld [tilespmem:s25+$0x5490]  }
0xde: {  	v4 =	vld [tilespmem:s25+$0x5090];
	_ =	sdelay $0x5  }
0xdf: {  	v5 =	vpop (erf)  }
0xe0: {  	[tilespmem:s25+$0x5880] =	vst v5  }
0xe1: {  	v4 =	vld.idx.msk [tilespmem:v4+s3+$0x0], $0xffff  }
0xe2: {  	v3 =	vld.idx.msk [tilespmem:v3+s23+$0x0], $0xffff;
	_ =	sdelay $0x5  }
0xe3: {  	v4 =	vadd.f32 v3, v4;
	v3 =	vadd.f32 v3, v2;
	_ =	sdelay $0x1  }
0xe4: {  	vm0 =	vgt.f32 v4, $0.0e+00;
	v5 =	vmul.f32 $2.000000030e-01, v4;
	v6 =	vmul.f32 $2.000000030e-01, v3  }
0xe5: {  	vm1 =	vgt.f32 v3, $0.0e+00  }
0xe6: {  	v4 =	vsel vm0, v4, v5;
	v3 =	vsel vm1, v3, v6  }
0xe7: {  	v3 =	vsub.f32 v4, v3;
	_ =	sdelay $0x1  }
0xe8: {  	v3 =	vmul.f32 $1.442695020e+00, v3;
	_ =	sdelay $0x1  }
0xe9: {  	(erf) = vpow2.f32 v3;
	_ =	sdelay $0x1  }
0xea: {  	v3 =	vld [tilespmem:s25+$0x54A0]  }
0xeb: {  	v4 =	vld [tilespmem:s25+$0x50A0];
	_ =	sdelay $0x5  }
0xec: {  	v5 =	vpop (erf)  }
0xed: {  	[tilespmem:s25+$0x5890] =	vst v5  }
0xee: {  	v4 =	vld.idx.msk [tilespmem:v4+s3+$0x0], $0xffff  }
0xef: {  	v3 =	vld.idx.msk [tilespmem:v3+s23+$0x0], $0xffff;
	_ =	sdelay $0x5  }
0xf0: {  	v4 =	vadd.f32 v3, v4;
	v3 =	vadd.f32 v3, v2;
	_ =	sdelay $0x1  }
0xf1: {  	vm0 =	vgt.f32 v4, $0.0e+00;
	v5 =	vmul.f32 $2.000000030e-01, v4;
	v6 =	vmul.f32 $2.000000030e-01, v3  }
0xf2: {  	vm1 =	vgt.f32 v3, $0.0e+00  }
0xf3: {  	v4 =	vsel vm0, v4, v5;
	v3 =	vsel vm1, v3, v6  }
0xf4: {  	v3 =	vsub.f32 v4, v3;
	_ =	sdelay $0x1  }
0xf5: {  	v3 =	vmul.f32 $1.442695020e+00, v3;
	_ =	sdelay $0x1  }
0xf6: {  	(erf) = vpow2.f32 v3;
	_ =	sdelay $0x1  }
0xf7: {  	v3 =	vld [tilespmem:s25+$0x54B0]  }
0xf8: {  	v4 =	vld [tilespmem:s25+$0x50B0];
	_ =	sdelay $0x5  }
0xf9: {  	v5 =	vpop (erf)  }
0xfa: {  	[tilespmem:s25+$0x58A0] =	vst v5  }
0xfb: {  	v4 =	vld.idx.msk [tilespmem:v4+s3+$0x0], $0xffff  }
0xfc: {  	v3 =	vld.idx.msk [tilespmem:v3+s23+$0x0], $0xffff;
	_ =	sdelay $0x5  }
0xfd: {  	v4 =	vadd.f32 v3, v4;
	v3 =	vadd.f32 v3, v2;
	_ =	sdelay $0x1  }
0xfe: {  	vm0 =	vgt.f32 v4, $0.0e+00;
	v5 =	vmul.f32 $2.000000030e-01, v4;
	v6 =	vmul.f32 $2.000000030e-01, v3  }
0xff: {  	vm1 =	vgt.f32 v3, $0.0e+00  }
0x100: {  	v4 =	vsel vm0, v4, v5;
	v3 =	vsel vm1, v3, v6  }
0x101: {  	v3 =	vsub.f32 v4, v3;
	_ =	sdelay $0x1  }
0x102: {  	v3 =	vmul.f32 $1.442695020e+00, v3;
	_ =	sdelay $0x1  }
0x103: {  	(erf) = vpow2.f32 v3;
	_ =	sdelay $0x1  }
0x104: {  	v3 =	vld [tilespmem:s25+$0x54C0]  }
0x105: {  	v4 =	vld [tilespmem:s25+$0x50C0];
	_ =	sdelay $0x5  }
0x106: {  	v5 =	vpop (erf)  }
0x107: {  	[tilespmem:s25+$0x58B0] =	vst v5  }
0x108: {  	v4 =	vld.idx.msk [tilespmem:v4+s3+$0x0], $0xffff  }
0x109: {  	v3 =	vld.idx.msk [tilespmem:v3+s23+$0x0], $0xffff;
	_ =	sdelay $0x5  }
0x10a: {  	v4 =	vadd.f32 v3, v4;
	v3 =	vadd.f32 v3, v2;
	_ =	sdelay $0x1  }
0x10b: {  	vm0 =	vgt.f32 v4, $0.0e+00;
	v5 =	vmul.f32 $2.000000030e-01, v4;
	v6 =	vmul.f32 $2.000000030e-01, v3  }
0x10c: {  	vm1 =	vgt.f32 v3, $0.0e+00  }
0x10d: {  	v4 =	vsel vm0, v4, v5;
	v3 =	vsel vm1, v3, v6  }
0x10e: {  	v3 =	vsub.f32 v4, v3;
	_ =	sdelay $0x1  }
0x10f: {  	v3 =	vmul.f32 $1.442695020e+00, v3;
	_ =	sdelay $0x1  }
0x110: {  	(erf) = vpow2.f32 v3;
	_ =	sdelay $0x1  }
0x111: {  	v3 =	vld [tilespmem:s25+$0x54D0]  }
0x112: {  	v4 =	vld [tilespmem:s25+$0x50D0];
	_ =	sdelay $0x5  }
0x113: {  	v5 =	vpop (erf)  }
0x114: {  	[tilespmem:s25+$0x58C0] =	vst v5  }
0x115: {  	v4 =	vld.idx.msk [tilespmem:v4+s3+$0x0], $0xffff  }
0x116: {  	v3 =	vld.idx.msk [tilespmem:v3+s23+$0x0], $0xffff;
	_ =	sdelay $0x5  }
0x117: {  	v4 =	vadd.f32 v3, v4;
	v3 =	vadd.f32 v3, v2;
	_ =	sdelay $0x1  }
0x118: {  	vm0 =	vgt.f32 v4, $0.0e+00;
	v5 =	vmul.f32 $2.000000030e-01, v4;
	v6 =	vmul.f32 $2.000000030e-01, v3  }
0x119: {  	vm1 =	vgt.f32 v3, $0.0e+00  }
0x11a: {  	v4 =	vsel vm0, v4, v5;
	v3 =	vsel vm1, v3, v6  }
0x11b: {  	v3 =	vsub.f32 v4, v3;
	_ =	sdelay $0x1  }
0x11c: {  	v3 =	vmul.f32 $1.442695020e+00, v3;
	_ =	sdelay $0x1  }
0x11d: {  	(erf) = vpow2.f32 v3;
	_ =	sdelay $0x1  }
0x11e: {  	v3 =	vld [tilespmem:s25+$0x54E0]  }
0x11f: {  	v4 =	vld [tilespmem:s25+$0x50E0];
	_ =	sdelay $0x5  }
0x120: {  	v5 =	vpop (erf)  }
0x121: {  	[tilespmem:s25+$0x58D0] =	vst v5  }
0x122: {  	v4 =	vld.idx.msk [tilespmem:v4+s3+$0x0], $0xffff  }
0x123: {  	v3 =	vld.idx.msk [tilespmem:v3+s23+$0x0], $0xffff;
	_ =	sdelay $0x5  }
0x124: {  	v4 =	vadd.f32 v3, v4;
	v3 =	vadd.f32 v3, v2;
	_ =	sdelay $0x1  }
0x125: {  	vm0 =	vgt.f32 v4, $0.0e+00;
	v5 =	vmul.f32 $2.000000030e-01, v4;
	v6 =	vmul.f32 $2.000000030e-01, v3  }
0x126: {  	vm1 =	vgt.f32 v3, $0.0e+00  }
0x127: {  	v4 =	vsel vm0, v4, v5;
	v3 =	vsel vm1, v3, v6  }
0x128: {  	v3 =	vsub.f32 v4, v3;
	_ =	sdelay $0x1  }
0x129: {  	v3 =	vmul.f32 $1.442695020e+00, v3;
	_ =	sdelay $0x1  }
0x12a: {  	(erf) = vpow2.f32 v3;
	_ =	sdelay $0x1  }
0x12b: {  	v3 =	vld [tilespmem:s25+$0x54F0]  }
0x12c: {  	v4 =	vld [tilespmem:s25+$0x50F0];
	_ =	sdelay $0x5  }
0x12d: {  	v5 =	vpop (erf)  }
0x12e: {  	[tilespmem:s25+$0x58E0] =	vst v5  }
0x12f: {  	v4 =	vld.idx.msk [tilespmem:v4+s3+$0x0], $0xffff  }
0x130: {  	v3 =	vld.idx.msk [tilespmem:v3+s23+$0x0], $0xffff;
	_ =	sdelay $0x5  }
0x131: {  	v4 =	vadd.f32 v3, v4;
	v3 =	vadd.f32 v3, v2;
	_ =	sdelay $0x1  }
0x132: {  	vm0 =	vgt.f32 v4, $0.0e+00;
	v5 =	vmul.f32 $2.000000030e-01, v4;
	v6 =	vmul.f32 $2.000000030e-01, v3  }
0x133: {  	vm1 =	vgt.f32 v3, $0.0e+00  }
0x134: {  	v4 =	vsel vm0, v4, v5;
	v3 =	vsel vm1, v3, v6  }
.Ltmp1:
0x135: {  	v3 =	vsub.f32 v4, v3;
	(pc) =	sbr.rel @p1 .LBB2_5-.Ltmp1, $3  }
0x136: {  	_ = 	snop  }
0x137: {  	v3 =	vmul.f32 $1.442695020e+00, v3;
	_ =	sdelay $0x1  }
0x138: {  	(erf) = vpow2.f32 v3  }
0x139: {  	_ = 	snop  }
0x13a: {  	s0 =	sshra.s32 s0, $0x2  }
0x13b: {  	v3 =	vld [tilespmem:s0+$0x5080]  }
0x13c: {  	v4 =	vld [tilespmem:s0+$0x5480];
	_ =	sdelay $0x4  }
0x13d: {  	v5 =	vpop (erf)  }
0x13e: {  	[tilespmem:s25+$0x58F0] =	vst v5  }
0x13f: {  	v3 =	vld.idx.msk [tilespmem:v3+s3+$0x0], $0xffff  }
0x140: {  	v4 =	vld.idx.msk [tilespmem:v4+s23+$0x0], $0xffff;
	_ =	sdelay $0x4  }
0x141: {  	v3 =	vadd.f32 v4, v3;
	v4 =	vadd.f32 v4, v2;
	_ =	sdelay $0x1  }
0x142: {  	v35 =	vmul.f32 $2.000000030e-01, v3;
	v6 =	vmul.f32 $2.000000030e-01, v4  }
0x143: {  	vm0 =	vgt.f32 v3, $0.0e+00;
	vm1 =	vgt.f32 v4, $0.0e+00  }
0x144: {  	v3 =	vsel vm0, v3, v35;
	v4 =	vsel vm1, v4, v6  }
0x145: {  	v3 =	vsub.f32 v3, v4;
	_ =	sdelay $0x1  }
0x146: {  	v3 =	vmul.f32 $1.442695020e+00, v3;
	_ =	sdelay $0x1  }
0x147: {  	(erf) = vpow2.f32 v3;
	_ =	sdelay $0x2  }
0x148: {  	v3 =	vld [tilespmem:s0+$0x5090]  }
0x149: {  	v36 =	vld [tilespmem:s0+$0x5490];
	_ =	sdelay $0x4  }
0x14a: {  	v37 =	vpop (erf)  }
0x14b: {  	[tilespmem:s0+$0x5880] =	vst v37  }
0x14c: {  	v3 =	vld.idx.msk [tilespmem:v3+s3+$0x0], $0xffff  }
0x14d: {  	v4 =	vld.idx.msk [tilespmem:v36+s23+$0x0], $0xffff;
	_ =	sdelay $0x4  }
0x14e: {  	v3 =	vadd.f32 v4, v3;
	v4 =	vadd.f32 v4, v2;
	_ =	sdelay $0x1  }
0x14f: {  	v38 =	vmul.f32 $2.000000030e-01, v3;
	v39 =	vmul.f32 $2.000000030e-01, v4  }
0x150: {  	vm14 =	vgt.f32 v3, $0.0e+00;
	vm15 =	vgt.f32 v4, $0.0e+00  }
0x151: {  	v3 =	vsel vm14, v3, v38;
	v4 =	vsel vm15, v4, v39  }
0x152: {  	v3 =	vsub.f32 v3, v4;
	_ =	sdelay $0x1  }
0x153: {  	v3 =	vmul.f32 $1.442695020e+00, v3;
	_ =	sdelay $0x1  }
0x154: {  	(erf) = vpow2.f32 v3;
	_ =	sdelay $0x2  }
0x155: {  	v3 =	vld [tilespmem:s0+$0x50A0]  }
0x156: {  	v40 =	vld [tilespmem:s0+$0x54A0];
	_ =	sdelay $0x4  }
0x157: {  	v41 =	vpop (erf)  }
0x158: {  	[tilespmem:s0+$0x5890] =	vst v41  }
0x159: {  	v3 =	vld.idx.msk [tilespmem:v3+s3+$0x0], $0xffff  }
0x15a: {  	v4 =	vld.idx.msk [tilespmem:v40+s23+$0x0], $0xffff;
	_ =	sdelay $0x4  }
0x15b: {  	v3 =	vadd.f32 v4, v3;
	v4 =	vadd.f32 v4, v2;
	_ =	sdelay $0x1  }
0x15c: {  	v42 =	vmul.f32 $2.000000030e-01, v3;
	v43 =	vmul.f32 $2.000000030e-01, v4  }
0x15d: {  	vm4 =	vgt.f32 v3, $0.0e+00;
	vm5 =	vgt.f32 v4, $0.0e+00  }
0x15e: {  	v3 =	vsel vm4, v3, v42;
	v4 =	vsel vm5, v4, v43  }
0x15f: {  	v3 =	vsub.f32 v3, v4;
	_ =	sdelay $0x1  }
0x160: {  	v3 =	vmul.f32 $1.442695020e+00, v3;
	_ =	sdelay $0x1  }
0x161: {  	(erf) = vpow2.f32 v3;
	_ =	sdelay $0x2  }
0x162: {  	v3 =	vld [tilespmem:s0+$0x50B0]  }
0x163: {  	v44 =	vld [tilespmem:s0+$0x54B0];
	_ =	sdelay $0x4  }
0x164: {  	v45 =	vpop (erf)  }
0x165: {  	[tilespmem:s0+$0x58A0] =	vst v45  }
0x166: {  	v3 =	vld.idx.msk [tilespmem:v3+s3+$0x0], $0xffff  }
0x167: {  	v4 =	vld.idx.msk [tilespmem:v44+s23+$0x0], $0xffff;
	_ =	sdelay $0x4  }
0x168: {  	v3 =	vadd.f32 v4, v3;
	v4 =	vadd.f32 v4, v2;
	_ =	sdelay $0x1  }
0x169: {  	v46 =	vmul.f32 $2.000000030e-01, v3;
	v47 =	vmul.f32 $2.000000030e-01, v4  }
0x16a: {  	vm6 =	vgt.f32 v3, $0.0e+00;
	vm7 =	vgt.f32 v4, $0.0e+00  }
0x16b: {  	v3 =	vsel vm6, v3, v46;
	v4 =	vsel vm7, v4, v47  }
0x16c: {  	v3 =	vsub.f32 v3, v4;
	_ =	sdelay $0x1  }
0x16d: {  	v3 =	vmul.f32 $1.442695020e+00, v3;
	_ =	sdelay $0x1  }
0x16e: {  	(erf) = vpow2.f32 v3;
	_ =	sdelay $0x2  }
0x16f: {  	v3 =	vld [tilespmem:s0+$0x50C0]  }
0x170: {  	v48 =	vld [tilespmem:s0+$0x54C0];
	_ =	sdelay $0x4  }
0x171: {  	v49 =	vpop (erf)  }
0x172: {  	[tilespmem:s0+$0x58B0] =	vst v49  }
0x173: {  	v3 =	vld.idx.msk [tilespmem:v3+s3+$0x0], $0xffff  }
0x174: {  	v4 =	vld.idx.msk [tilespmem:v48+s23+$0x0], $0xffff;
	_ =	sdelay $0x4  }
0x175: {  	v3 =	vadd.f32 v4, v3;
	v4 =	vadd.f32 v4, v2;
	_ =	sdelay $0x1  }
0x176: {  	v50 =	vmul.f32 $2.000000030e-01, v3;
	v51 =	vmul.f32 $2.000000030e-01, v4  }
0x177: {  	vm8 =	vgt.f32 v3, $0.0e+00;
	vm9 =	vgt.f32 v4, $0.0e+00  }
0x178: {  	v3 =	vsel vm8, v3, v50;
	v4 =	vsel vm9, v4, v51  }
0x179: {  	v3 =	vsub.f32 v3, v4;
	_ =	sdelay $0x1  }
0x17a: {  	v3 =	vmul.f32 $1.442695020e+00, v3;
	_ =	sdelay $0x1  }
0x17b: {  	(erf) = vpow2.f32 v3;
	_ =	sdelay $0x2  }
0x17c: {  	v3 =	vld [tilespmem:s0+$0x50D0]  }
0x17d: {  	v52 =	vld [tilespmem:s0+$0x54D0];
	_ =	sdelay $0x4  }
0x17e: {  	v53 =	vpop (erf)  }
0x17f: {  	[tilespmem:s0+$0x58C0] =	vst v53  }
0x180: {  	v3 =	vld.idx.msk [tilespmem:v3+s3+$0x0], $0xffff  }
0x181: {  	v4 =	vld.idx.msk [tilespmem:v52+s23+$0x0], $0xffff;
	_ =	sdelay $0x4  }
0x182: {  	v3 =	vadd.f32 v4, v3;
	v4 =	vadd.f32 v4, v2;
	_ =	sdelay $0x1  }
0x183: {  	v54 =	vmul.f32 $2.000000030e-01, v3;
	v55 =	vmul.f32 $2.000000030e-01, v4  }
0x184: {  	vm10 =	vgt.f32 v3, $0.0e+00;
	vm11 =	vgt.f32 v4, $0.0e+00  }
0x185: {  	v3 =	vsel vm10, v3, v54;
	v4 =	vsel vm11, v4, v55  }
0x186: {  	v3 =	vsub.f32 v3, v4;
	_ =	sdelay $0x1  }
0x187: {  	v3 =	vmul.f32 $1.442695020e+00, v3;
	_ =	sdelay $0x1  }
0x188: {  	(erf) = vpow2.f32 v3;
	_ =	sdelay $0x2  }
0x189: {  	v3 =	vld [tilespmem:s0+$0x50E0]  }
0x18a: {  	v56 =	vld [tilespmem:s0+$0x54E0];
	_ =	sdelay $0x4  }
0x18b: {  	v57 =	vpop (erf)  }
0x18c: {  	[tilespmem:s0+$0x58D0] =	vst v57  }
0x18d: {  	v3 =	vld.idx.msk [tilespmem:v3+s3+$0x0], $0xffff  }
0x18e: {  	v4 =	vld.idx.msk [tilespmem:v56+s23+$0x0], $0xffff;
	_ =	sdelay $0x4  }
0x18f: {  	v3 =	vadd.f32 v4, v3;
	v4 =	vadd.f32 v4, v2;
	_ =	sdelay $0x1  }
0x190: {  	v58 =	vmul.f32 $2.000000030e-01, v3;
	v59 =	vmul.f32 $2.000000030e-01, v4  }
0x191: {  	vm12 =	vgt.f32 v3, $0.0e+00;
	vm13 =	vgt.f32 v4, $0.0e+00  }
0x192: {  	v3 =	vsel vm12, v3, v58;
	v4 =	vsel vm13, v4, v59  }
0x193: {  	v3 =	vsub.f32 v3, v4;
	_ =	sdelay $0x1  }
0x194: {  	v3 =	vmul.f32 $1.442695020e+00, v3;
	_ =	sdelay $0x1  }
0x195: {  	(erf) = vpow2.f32 v3;
	_ =	sdelay $0x2  }
0x196: {  	v3 =	vld [tilespmem:s0+$0x50F0]  }
0x197: {  	v60 =	vld [tilespmem:s0+$0x54F0];
	_ =	sdelay $0x4  }
0x198: {  	v61 =	vpop (erf)  }
0x199: {  	[tilespmem:s0+$0x58E0] =	vst v61  }
0x19a: {  	v3 =	vld.idx.msk [tilespmem:v3+s3+$0x0], $0xffff  }
0x19b: {  	v4 =	vld.idx.msk [tilespmem:v60+s23+$0x0], $0xffff;
	_ =	sdelay $0x4  }
0x19c: {  	v3 =	vadd.f32 v4, v3;
	v4 =	vadd.f32 v4, v2;
	_ =	sdelay $0x1  }
0x19d: {  	v62 =	vmul.f32 $2.000000030e-01, v3;
	v63 =	vmul.f32 $2.000000030e-01, v4  }
0x19e: {  	vm14 =	vgt.f32 v3, $0.0e+00;
	vm15 =	vgt.f32 v4, $0.0e+00  }
0x19f: {  	v3 =	vsel vm14, v3, v62;
	v4 =	vsel vm15, v4, v63  }
0x1a0: {  	v3 =	vsub.f32 v3, v4;
	_ =	sdelay $0x1  }
0x1a1: {  	v3 =	vmul.f32 $1.442695020e+00, v3;
	_ =	sdelay $0x1  }
0x1a2: {  	(erf) = vpow2.f32 v3;
	_ =	sdelay $0x8  }
0x1a3: {  	v3 =	vpop (erf)  }
0x1a4: {  	s6 =	sadd.s32 s9, s19;
	[tilespmem:s0+$0x58F0] =	vst v3  }
0x1a5: {  	[hbm4b:s6+s3] =	stream.linear.scatter [tilespmem:s28], [sflag:$0x1], $0x400, $0x38;
	[tilespmem:$0x6A00] =	vst v63  }
0x1a6: {  	_ =	swait.ge [sflag:s22], $0x400  }
0x1a7: {  	[sflag:s22] =	ssyncset.done $0x0  }
0x1a8: {  	[sflag:s22] =	ssyncadd.s32 $0xFFFFFC00  }
0x1a9: {  	[spmem:s1] =	stream.indirect.scatter.add.f32 [tilespmem:s28], [sflag:$0x1], $0x1, s26, s29, $0xb8;
	[tilespmem:$0x6A00] =	vst v63  }
0x1aa: {  	_ =	swait.ge [sflag:s22], $0x80  }
0x1ab: {  	[sflag:s22] =	ssyncset.done $0x0  }
0x1ac: {  	[sflag:s22] =	ssyncadd.s32 $0xFFFFFF80  }
0x1ad: {  	[spmem:s2] =	stream.indirect.scatter.add.f32 [tilespmem:s30], [sflag:$0x1], $0x1, s26, s29, $0xb8;
	[tilespmem:$0x6A00] =	vst v63  }
0x1ae: {  	_ =	swait.ge [sflag:s22], $0x80  }
0x1af: {  	[sflag:s22] =	ssyncset.done $0x0  }
0x1b0: {  	s8 =	simm.s32 $0x5900;
	[sflag:s22] =	ssyncadd.s32 $0xFFFFFF80  }
0x1b1: {  	[spmem:s1] =	stream.indirect.scatter.add.f32 [tilespmem:s8], [sflag:$0x1], $0x1, s31, s29, $0xb8;
	[tilespmem:$0x6A00] =	vst v63  }
0x1b2: {  	_ =	swait.ge [sflag:s22], $0x80  }
0x1b3: {  	[sflag:s22] =	ssyncset.done $0x0  }
0x1b4: {  	[sflag:s22] =	ssyncadd.s32 $0xFFFFFF80  }
0x1b5: {  	[spmem:s2] =	stream.indirect.scatter.add.f32 [tilespmem:s30], [sflag:$0x1], $0x1, s31, s29, $0xb8;
	[tilespmem:$0x6A00] =	vst v63  }
0x1b6: {  	_ =	swait.ge [sflag:s22], $0x80  }
0x1b7: {  	[sflag:s22] =	ssyncset.done $0x0  }
0x1b8: {  	s19 =	simm.s32 $0x5980;
	[sflag:s22] =	ssyncadd.s32 $0xFFFFFF80  }
0x1b9: {  	[spmem:s1] =	stream.indirect.scatter.add.f32 [tilespmem:s19], [sflag:$0x1], $0x1, s24, s29, $0xb8;
	[tilespmem:$0x6A00] =	vst v63  }
0x1ba: {  	_ =	swait.ge [sflag:s22], $0x80  }
0x1bb: {  	[sflag:s22] =	ssyncset.done $0x0  }
0x1bc: {  	[sflag:s22] =	ssyncadd.s32 $0xFFFFFF80  }
0x1bd: {  	[spmem:s2] =	stream.indirect.scatter.add.f32 [tilespmem:s30], [sflag:$0x1], $0x1, s24, s29, $0xb8;
	[tilespmem:$0x6A00] =	vst v63  }
0x1be: {  	_ =	swait.ge [sflag:s22], $0x80  }
0x1bf: {  	[sflag:s22] =	ssyncset.done $0x0  }
0x1c0: {  	s25 =	simm.s32 $0x5A00;
	[sflag:s22] =	ssyncadd.s32 $0xFFFFFF80  }
0x1c1: {  	[spmem:s1] =	stream.indirect.scatter.add.f32 [tilespmem:s25], [sflag:$0x1], $0x1, s7, s29, $0xb8;
	[tilespmem:$0x6A00] =	vst v63  }
0x1c2: {  	_ =	swait.ge [sflag:s22], $0x80  }
0x1c3: {  	[sflag:s22] =	ssyncset.done $0x0  }
0x1c4: {  	[sflag:s22] =	ssyncadd.s32 $0xFFFFFF80  }
0x1c5: {  	[spmem:s2] =	stream.indirect.scatter.add.f32 [tilespmem:s30], [sflag:$0x1], $0x1, s7, s29, $0xb8;
	[tilespmem:$0x6A00] =	vst v63  }
0x1c6: {  	_ =	swait.ge [sflag:s22], $0x80  }
0x1c7: {  	[sflag:s22] =	ssyncset.done $0x0  }
0x1c8: {  	[sflag:s22] =	ssyncadd.s32 $0xFFFFFF80  }
0x1c9: {  	[spmem:s1] =	stream.indirect.scatter.add.f32 [tilespmem:s12], [sflag:$0x1], $0x1, s11, s29, $0xb8;
	[tilespmem:$0x6A00] =	vst v63  }
0x1ca: {  	_ =	swait.ge [sflag:s22], $0x80  }
0x1cb: {  	[sflag:s22] =	ssyncset.done $0x0  }
0x1cc: {  	[sflag:s22] =	ssyncadd.s32 $0xFFFFFF80  }
0x1cd: {  	[spmem:s2] =	stream.indirect.scatter.add.f32 [tilespmem:s30], [sflag:$0x1], $0x1, s11, s29, $0xb8;
	[tilespmem:$0x6A00] =	vst v63  }
0x1ce: {  	_ =	swait.ge [sflag:s22], $0x80  }
0x1cf: {  	[sflag:s22] =	ssyncset.done $0x0  }
0x1d0: {  	[sflag:s22] =	ssyncadd.s32 $0xFFFFFF80  }
0x1d1: {  	[spmem:s1] =	stream.indirect.scatter.add.f32 [tilespmem:s14], [sflag:$0x1], $0x1, s13, s29, $0xb8;
	[tilespmem:$0x6A00] =	vst v63  }
0x1d2: {  	_ =	swait.ge [sflag:s22], $0x80  }
0x1d3: {  	[sflag:s22] =	ssyncset.done $0x0  }
0x1d4: {  	[sflag:s22] =	ssyncadd.s32 $0xFFFFFF80  }
0x1d5: {  	[spmem:s2] =	stream.indirect.scatter.add.f32 [tilespmem:s30], [sflag:$0x1], $0x1, s13, s29, $0xb8;
	[tilespmem:$0x6A00] =	vst v63  }
0x1d6: {  	_ =	swait.ge [sflag:s22], $0x80  }
0x1d7: {  	[sflag:s22] =	ssyncset.done $0x0  }
0x1d8: {  	[sflag:s22] =	ssyncadd.s32 $0xFFFFFF80  }
0x1d9: {  	[spmem:s1] =	stream.indirect.scatter.add.f32 [tilespmem:s16], [sflag:$0x1], $0x1, s15, s29, $0xb8;
	[tilespmem:$0x6A00] =	vst v63  }
0x1da: {  	_ =	swait.ge [sflag:s22], $0x80  }
0x1db: {  	[sflag:s22] =	ssyncset.done $0x0  }
0x1dc: {  	[sflag:s22] =	ssyncadd.s32 $0xFFFFFF80  }
0x1dd: {  	[spmem:s2] =	stream.indirect.scatter.add.f32 [tilespmem:s30], [sflag:$0x1], $0x1, s15, s29, $0xb8;
	[tilespmem:$0x6A00] =	vst v63  }
0x1de: {  	_ =	swait.ge [sflag:s22], $0x80  }
0x1df: {  	[sflag:s22] =	ssyncset.done $0x0  }
0x1e0: {  	[sflag:s22] =	ssyncadd.s32 $0xFFFFFF80  }
0x1e1: {  	[spmem:s1] =	stream.indirect.scatter.add.f32 [tilespmem:s18], [sflag:$0x1], $0x1, s17, s29, $0xb8;
	[tilespmem:$0x6A00] =	vst v63  }
0x1e2: {  	s21 =	sadd.s32 $0x1, s21;
	_ =	swait.ge [sflag:s22], $0x80  }
0x1e3: {  	p1 =	sne.s32 s21, $0xA;
	[sflag:s22] =	ssyncset.done $0x0  }
.Ltmp2:
0x1e4: {  	[sflag:s22] =	ssyncadd.s32 $0xFFFFFF80;
	(pc) =	sbr.rel @p1 .LBB2_4-.Ltmp2, $4  }
0x1e5: {  	[spmem:s2] =	stream.indirect.scatter.add.f32 [tilespmem:s30], [sflag:$0x1], $0x1, s17, s29, $0xb8;
	[tilespmem:$0x6A00] =	vst v63  }
0x1e6: {  	_ =	swait.ge [sflag:s22], $0x80  }
0x1e7: {  	[sflag:s22] =	ssyncset.done $0x0  }
0x1e8: {  	[sflag:s22] =	ssyncadd.s32 $0xFFFFFF80  }
0x1e9: {  	[bflag:$0x0] =	sbarrier.arrive $0xFFFF  }
0x1ea: {  	s0 =	sshrl.u32 @!p0 s1, $0x3;
	s6 =	simm.s32 @!p0 $0x1;
	s8 =	simm.s32 @!p0 $0x20  }
0x1eb: {  	s19 =	simm.s32 @!p0 $0x10;
	s20 =	simm.s32 @!p0 $0x1C01;
	s21 =	rddreg [dreg:$0x7]  }
0x1ec: {  	[hbm:s21@s8], [sflag:s20] =	dma.strided @!p0 [spmem:s0@s19], $0x500, s6, $0x10   }
0x1ed: {  	_ =	swait.ge @!p0 [sflag:s6], $0x500  }
0x1ee: {  	[sflag:s6] =	ssyncset.done @!p0 $0x0  }
0x1ef: {  	s0 =	sshrl.u32 @!p0 s2, $0x3;
	s21 =	rddreg [dreg:$0x8];
	[sflag:s6] =	ssyncadd.s32 @!p0 $0xFFFFFB00  }
0x1f0: {  	[hbm:s21@s8], [sflag:s20] =	dma.strided @!p0 [spmem:s0@s19], $0x500, s6, $0x10   }
0x1f1: {  	_ =	swait.ge @!p0 [sflag:s6], $0x500  }
0x1f2: {  	s21 =	rddreg [dreg:$0x12]  }
0x1f3: {  	s25 =	rddreg [dreg:$0x9];
	s8 =	sadd.s32 $0x1, s21  }
0x1f4: {  	p1 =	sne.s32 s8, s25  }
.Ltmp3:
0x1f5: {  	_ = 	snop;
	(pc) =	sbr.rel @p1 .LBB2_1-.Ltmp3, $3  }
0x1f6: {  	_ =	sdelay $0x1  }
0x1f7: {  	[sflag:s6] =	ssyncset.done @!p0 $0x0  }
0x1f8: {  	[sflag:s6] =	ssyncadd.s32 @!p0 $0xFFFFFB00  }
0x1f9: {  	_ =	sfence.sel $0x180000  }
0x1fa: {  	[bflag:$0x0] =	sbarrier.arrive $0xFFFF  }
0x1fb: {  	_ =	strace $0x90000047  }
0x1fc: {  	[bflag:$0x2] =	sbarrier.arrive $0xFFFF  }
0x1fd: {  	s0 =	rddreg [dreg:$0x3]  }
0x1fe: {  	s0 =	sadd.s32 @!p0 $0x100000, s0  }
0x1ff: {  	[sflag:s0] =	ssyncadd.tile.s32 @!p0 $0x1;
	_ =	shalt  }
.Lfunc_end2:
_tile_overlayer_lowered:
.L_overlay_start_2:
0x200: {  	(tag) =	ssettag $0x2  }
0x201: {  	s0 =	rddreg [dreg:$0x0];
	s2 =	stileid.u32  }
0x202: {  	s1 =	rddreg [dreg:$0x1];
	p0 =	sne.s32 s2, $0x0  }
0x203: {  	s3 =	rddreg [dreg:$0x2];
	[bflag:$0x3] =	sbarrier.arrive $0xFFFF;
	s2 =	simm.s32 @!p0 $0x1C01  }
0x204: {  	[timem:s3], [sflag:s2] =	dma.local @!p0 [hbm:s0], s1  }
0x205: {  	s0 =	simm.s32 @!p0 $0x1  }
0x206: {  	_ =	swait.ge @!p0 [sflag:s0], s1  }
0x207: {  	s1 =	ssub.s32 @!p0 $0x0, s1;
	[sflag:s0] =	ssyncset.done @!p0 $0x0  }
0x208: {  	[sflag:s0] =	ssyncadd.s32 @!p0 s1  }
0x209: {  	[bflag:$0x3] =	sbarrier.arrive $0xFFFF  }
0x20a: {  	_ =	shalt  }

</sc_bundles>
